<compile_context>
chip_gen: v7x
topology: tpu7x:2x2x1
jax: 0.10.2.dev20260603
libtpu: 0.0.44.dev20260713+nightly
codegen_flags: <defaults>
</compile_context>

<pallas_src>
import functools

import jax
import jax.numpy as jnp
from jax import lax
from jax.experimental import pallas as pl
from jax.experimental.pallas import tpu as pltpu
from jax.experimental.pallas import tpu_sc as plsc

N = 10000
E = 320000
NC = 2
NS = 16
CH = 125
NCH32 = E // (NC * NS) // CH
NCH16 = E // NS // CH
SB = 4
SBCH = NCH16 // SB
SB2 = 2
N_PAD = 10240
NPT = 640
WST = 624
BN = 2000

_LEAK = 0.01


def _lrelu(v):
    return jnp.where(v >= 0, v, _LEAK * v)


def _sc_mesh():
    return plsc.VectorSubcoreMesh(core_axis_name="c", subcore_axis_name="s")


def _deg_body(dst_hbm, ones_hbm, z1_hbm, out_hbm, idx_v, ones_v, acc_sh):
    c = lax.axis_index("c")
    s = lax.axis_index("s")
    w = c * NS + s
    pltpu.sync_copy(dst_hbm.at[w], idx_v)
    pltpu.sync_copy(ones_hbm, ones_v)
    pltpu.sync_copy(z1_hbm.at[pl.ds(s * NPT, NPT)], acc_sh.at[pl.ds(s * NPT, NPT)])
    plsc.subcore_barrier()

    def body(j, carry):
        pltpu.sync_copy(ones_v, acc_sh.at[idx_v.at[j]], add=True)
        return carry

    lax.fori_loop(0, NCH32, body, 0)
    plsc.subcore_barrier()
    pltpu.sync_copy(acc_sh.at[pl.ds(s * NPT, NPT)],
                    out_hbm.at[pl.ds(c * N_PAD + s * NPT, NPT)])


def _agg1_body(tbl_hbm, src01_hbm, dst_hbm, z128_hbm, out_hbm,
               isrc_v, idst_v, rows_a, rows_b, acc_sh, sem_a, sem_b):
    c = lax.axis_index("c")
    s = lax.axis_index("s")

    pltpu.sync_copy(z128_hbm.at[pl.ds(s * WST, NPT)], acc_sh.at[pl.ds(s * WST, NPT)])
    plsc.subcore_barrier()

    def wait_a():
        pltpu.make_async_copy(tbl_hbm.at[isrc_v.at[0]], rows_a, sem_a).wait()

    def wait_b():
        pltpu.make_async_copy(tbl_hbm.at[isrc_v.at[0]], rows_b, sem_b).wait()

    def body(jj, carry):
        j0 = 2 * jj
        wait_a()
        pltpu.sync_copy(rows_a, acc_sh.at[idst_v.at[j0]], add=True)
        pltpu.async_copy(tbl_hbm.at[isrc_v.at[j0 + 2]], rows_a, sem_a)
        wait_b()
        pltpu.sync_copy(rows_b, acc_sh.at[idst_v.at[j0 + 1]], add=True)
        pltpu.async_copy(tbl_hbm.at[isrc_v.at[j0 + 3]], rows_b, sem_b)
        return carry

    for b in range(SB):
        blk = s * SB + b
        pltpu.sync_copy(src01_hbm.at[c * (NS * SB) + blk], isrc_v)
        pltpu.sync_copy(dst_hbm.at[blk], idst_v)
        pltpu.async_copy(tbl_hbm.at[isrc_v.at[0]], rows_a, sem_a)
        pltpu.async_copy(tbl_hbm.at[isrc_v.at[1]], rows_b, sem_b)
        lax.fori_loop(0, SBCH // 2 - 1, body, 0)
        wait_a()
        pltpu.sync_copy(rows_a, acc_sh.at[idst_v.at[SBCH - 2]], add=True)
        wait_b()
        pltpu.sync_copy(rows_b, acc_sh.at[idst_v.at[SBCH - 1]], add=True)

    plsc.subcore_barrier()
    pltpu.sync_copy(acc_sh.at[pl.ds(s * WST, NPT)],
                    out_hbm.at[pl.ds(c * N + s * WST, NPT)])


def _agg2_body(tbl_hbm, src_hbm, dst_hbm, z128_hbm, out_hbm,
               isrc_v, idst_v, rows_a, rows_b, acc_sh, sem_a, sem_b):
    c = lax.axis_index("c")
    s = lax.axis_index("s")
    w = c * NS + s
    pltpu.sync_copy(z128_hbm.at[pl.ds(s * WST, NPT)], acc_sh.at[pl.ds(s * WST, NPT)])
    plsc.subcore_barrier()

    def wait_a():
        pltpu.make_async_copy(tbl_hbm.at[isrc_v.at[0]], rows_a, sem_a).wait()

    def wait_b():
        pltpu.make_async_copy(tbl_hbm.at[isrc_v.at[0]], rows_b, sem_b).wait()

    def body(jj, carry):
        j0 = 2 * jj
        wait_a()
        pltpu.sync_copy(rows_a, acc_sh.at[idst_v.at[j0]], add=True)
        pltpu.async_copy(tbl_hbm.at[isrc_v.at[j0 + 2]], rows_a, sem_a)
        wait_b()
        pltpu.sync_copy(rows_b, acc_sh.at[idst_v.at[j0 + 1]], add=True)
        pltpu.async_copy(tbl_hbm.at[isrc_v.at[j0 + 3]], rows_b, sem_b)
        return carry

    for b in range(SB2):
        blk = w * SB2 + b
        pltpu.sync_copy(src_hbm.at[blk], isrc_v)
        pltpu.sync_copy(dst_hbm.at[blk], idst_v)
        pltpu.async_copy(tbl_hbm.at[isrc_v.at[0]], rows_a, sem_a)
        pltpu.async_copy(tbl_hbm.at[isrc_v.at[1]], rows_b, sem_b)
        lax.fori_loop(0, SBCH // 2 - 1, body, 0)
        wait_a()
        pltpu.sync_copy(rows_a, acc_sh.at[idst_v.at[SBCH - 2]], add=True)
        wait_b()
        pltpu.sync_copy(rows_b, acc_sh.at[idst_v.at[SBCH - 1]], add=True)

    plsc.subcore_barrier()
    pltpu.sync_copy(acc_sh.at[pl.ds(s * WST, NPT)],
                    out_hbm.at[pl.ds(c * N + s * WST, NPT)])


@functools.lru_cache(maxsize=None)
def _build_sc_kernels():
    deg = pl.kernel(
        _deg_body,
        out_type=jax.ShapeDtypeStruct((2 * N_PAD,), jnp.float32),
        mesh=_sc_mesh(),
        scratch_types=[
            pltpu.VMEM((NCH32, CH), jnp.int32),
            pltpu.VMEM((CH,), jnp.float32),
            pltpu.VMEM_SHARED((N_PAD,), jnp.float32),
        ],
    )
    agg1 = pl.kernel(
        _agg1_body,
        out_type=jax.ShapeDtypeStruct((2 * N, 128), jnp.float32),
        mesh=_sc_mesh(),
        scratch_types=[
            pltpu.VMEM((SBCH, CH), jnp.int32),
            pltpu.VMEM((SBCH, CH), jnp.int32),
            pltpu.VMEM((CH, 128), jnp.float32),
            pltpu.VMEM((CH, 128), jnp.float32),
            pltpu.VMEM_SHARED((N, 128), jnp.float32),
            pltpu.SemaphoreType.DMA,
            pltpu.SemaphoreType.DMA,
        ],
    )
    agg2 = pl.kernel(
        _agg2_body,
        out_type=jax.ShapeDtypeStruct((2 * N, 128), jnp.float32),
        mesh=_sc_mesh(),
        scratch_types=[
            pltpu.VMEM((SBCH, CH), jnp.int32),
            pltpu.VMEM((SBCH, CH), jnp.int32),
            pltpu.VMEM((CH, 128), jnp.float32),
            pltpu.VMEM((CH, 128), jnp.float32),
            pltpu.VMEM_SHARED((N, 128), jnp.float32),
            pltpu.SemaphoreType.DMA,
            pltpu.SemaphoreType.DMA,
        ],
    )
    return deg, agg1, agg2


def _deg_k(dst32, ones1, z1):
    return _build_sc_kernels()[0](dst32, ones1, z1)


def _agg1_k(tbl, src01, dst16, z128):
    return _build_sc_kernels()[1](tbl, src01, dst16, z128)


def _agg2_k(tbl, src32, dst32, z128):
    return _build_sc_kernels()[2](tbl, src32, dst32, z128)


def _tc1_body(x_ref, w1_ref, b1_ref, w2_ref, b2_ref, wc1_ref, degr_ref,
              tbl_ref, dinv_ref):
    h = jnp.dot(x_ref[...], w1_ref[...], preferred_element_type=jnp.float32)
    h = _lrelu(h + b1_ref[...])
    h = jnp.dot(h, w2_ref[...], preferred_element_type=jnp.float32)
    h = _lrelu(h + b2_ref[...])
    hw = jnp.dot(h, wc1_ref[...], preferred_element_type=jnp.float32)
    deg = degr_ref[0] + degr_ref[1] + 1.0
    dinv = lax.rsqrt(deg)
    hws = hw * dinv
    dinv_ref[...] = dinv
    tbl_ref[0, :, :] = hws[:, :128]
    tbl_ref[1, :, :] = hws[:, 128:]


def _tc1(x, w1, b1, w2, b2, wc1, degr3):
    grid = (N // BN,)
    return pl.pallas_call(
        _tc1_body,
        grid=grid,
        in_specs=[
            pl.BlockSpec((BN, 128), lambda i: (i, 0)),
            pl.BlockSpec((128, 256), lambda i: (0, 0)),
            pl.BlockSpec((1, 256), lambda i: (0, 0)),
            pl.BlockSpec((256, 256), lambda i: (0, 0)),
            pl.BlockSpec((1, 256), lambda i: (0, 0)),
            pl.BlockSpec((256, 256), lambda i: (0, 0)),
            pl.BlockSpec((2, BN, 1), lambda i: (0, i, 0)),
        ],
        out_specs=[
            pl.BlockSpec((2, BN, 128), lambda i: (0, i, 0)),
            pl.BlockSpec((BN, 1), lambda i: (i, 0)),
        ],
        out_shape=[
            jax.ShapeDtypeStruct((2, N, 128), jnp.float32),
            jax.ShapeDtypeStruct((N, 1), jnp.float32),
        ],
    )(x, w1, b1, w2, b2, wc1, degr3)


def _tc2_body(agg_ref, tbl_ref, dinv_ref, bc1_ref, wc2_ref, emb1_ref, tbl2_ref):
    a = jnp.concatenate(
        [agg_ref[0] + tbl_ref[0], agg_ref[1] + tbl_ref[1]], axis=1)
    dinv = dinv_ref[...]
    h = _lrelu(a * dinv + bc1_ref[...])
    nrm = jnp.sqrt(jnp.sum(h * h, axis=1, keepdims=True))
    emb1 = h / nrm
    emb1_ref[...] = emb1
    hw2 = jnp.dot(emb1, wc2_ref[...], preferred_element_type=jnp.float32)
    tbl2_ref[...] = hw2 * dinv


def _tc2(agg3, tbl3, dinv, bc1, wc2):
    grid = (N // BN,)
    return pl.pallas_call(
        _tc2_body,
        grid=grid,
        in_specs=[
            pl.BlockSpec((2, BN, 128), lambda i: (0, i, 0)),
            pl.BlockSpec((2, BN, 128), lambda i: (0, i, 0)),
            pl.BlockSpec((BN, 1), lambda i: (i, 0)),
            pl.BlockSpec((1, 256), lambda i: (0, 0)),
            pl.BlockSpec((256, 128), lambda i: (0, 0)),
        ],
        out_specs=[
            pl.BlockSpec((BN, 256), lambda i: (i, 0)),
            pl.BlockSpec((BN, 128), lambda i: (i, 0)),
        ],
        out_shape=[
            jax.ShapeDtypeStruct((N, 256), jnp.float32),
            jax.ShapeDtypeStruct((N, 128), jnp.float32),
        ],
    )(agg3, tbl3, dinv, bc1, wc2)


def _tc3_body(agg_ref, tbl2_ref, dinv_ref, bc2_ref, emb2_ref):
    full = (agg_ref[0] + agg_ref[1] + tbl2_ref[...]) * dinv_ref[...] + bc2_ref[...]
    h = _lrelu(full)
    nrm = jnp.sqrt(jnp.sum(h * h, axis=1, keepdims=True))
    emb2_ref[...] = h / nrm


def _tc3(agg3, tbl2, dinv, bc2):
    grid = (N // BN,)
    return pl.pallas_call(
        _tc3_body,
        grid=grid,
        in_specs=[
            pl.BlockSpec((2, BN, 128), lambda i: (0, i, 0)),
            pl.BlockSpec((BN, 128), lambda i: (i, 0)),
            pl.BlockSpec((BN, 1), lambda i: (i, 0)),
            pl.BlockSpec((1, 128), lambda i: (0, 0)),
        ],
        out_specs=pl.BlockSpec((BN, 128), lambda i: (i, 0)),
        out_shape=jax.ShapeDtypeStruct((N, 128), jnp.float32),
    )(agg3, tbl2, dinv, bc2)


def kernel(x, edge_index, W_pre1, b_pre1, W_pre2, b_pre2, W_c1, b_c1, W_c2, b_c2):
    src = edge_index[0]
    dst = edge_index[1]
    dst32 = dst.reshape(NC * NS, NCH32, CH)
    src32b = src.reshape(NC * NS * SB2, SBCH, CH)
    dst32b = dst.reshape(NC * NS * SB2, SBCH, CH)
    src01 = jnp.stack([src, src + N]).reshape(2 * NS * SB, SBCH, CH)
    dst16 = dst.reshape(NS * SB, SBCH, CH)
    ones1 = jnp.ones((CH,), jnp.float32)
    z1 = jnp.zeros((N_PAD,), jnp.float32)
    z128 = jnp.zeros((N, 128), jnp.float32)
    b1 = b_pre1.reshape(1, -1)
    b2 = b_pre2.reshape(1, -1)
    bc1 = b_c1.reshape(1, -1)
    bc2 = b_c2.reshape(1, -1)

    degr = _deg_k(dst32, ones1, z1)
    tbl1_3, dinv = _tc1(x, W_pre1, b1, W_pre2, b2, W_c1,
                        degr.reshape(2, N_PAD, 1)[:, :N])
    agg1 = _agg1_k(tbl1_3.reshape(2 * N, 128),
                   src01, dst16, z128)
    emb1, tbl2 = _tc2(agg1.reshape(2, N, 128), tbl1_3, dinv, bc1, W_c2)
    agg2 = _agg2_k(tbl2, src32b, dst32b, z128)
    emb2 = _tc3(agg2.reshape(2, N, 128), tbl2, dinv, bc2)
    return emb2, emb1, emb2

# --- scband reference (transcript-rebuilt; emitter-appended) ---
"""Pipeline reference for scband-rolandgnn-18691697672632 (READ-ONLY COPY).

The authoritative reference and input builder live on the scoring server;
editing this copy changes nothing except your own understanding.
"""

import jax, jax.numpy as jnp
import numpy as np

N = 10000
E = 320000
D_IN = 128
H1 = 256
H2 = 256
C1 = 256
C2 = 128


def setup_inputs(seed: int = 0) -> dict:
    key = jax.random.key(seed)
    ks = jax.random.split(key, 12)
    x = jax.random.normal(ks[0], (N, D_IN), dtype=jnp.float32)
    edge_index = jax.random.randint(ks[1], (2, E), 0, N, dtype=jnp.int32)
    s = 0.05
    W_pre1 = jax.random.normal(ks[2], (D_IN, H1), dtype=jnp.float32) * s
    b_pre1 = jnp.zeros((H1,), dtype=jnp.float32)
    W_pre2 = jax.random.normal(ks[3], (H1, H2), dtype=jnp.float32) * s
    b_pre2 = jnp.zeros((H2,), dtype=jnp.float32)
    W_c1 = jax.random.normal(ks[4], (H2, C1), dtype=jnp.float32) * s
    b_c1 = jnp.zeros((C1,), dtype=jnp.float32)
    W_c2 = jax.random.normal(ks[5], (C1, C2), dtype=jnp.float32) * s
    b_c2 = jnp.zeros((C2,), dtype=jnp.float32)
    return {
        "x": x, "edge_index": edge_index,
        "W_pre1": W_pre1, "b_pre1": b_pre1,
        "W_pre2": W_pre2, "b_pre2": b_pre2,
        "W_c1": W_c1, "b_c1": b_c1,
        "W_c2": W_c2, "b_c2": b_c2,
    }


def gcn_conv(h, src, dst, W, b, n):
    # PyG GCNConv: linear transform, add self-loops, symmetric normalization,
    # aggregate messages x_j = hw[src] into dst via scatter-add.
    hw = h @ W
    loop = jnp.arange(n, dtype=src.dtype)
    src_f = jnp.concatenate([src, loop])
    dst_f = jnp.concatenate([dst, loop])
    deg = jax.ops.segment_sum(jnp.ones_like(dst_f, dtype=jnp.float32), dst_f, num_segments=n)
    dinv = jnp.where(deg > 0, deg ** -0.5, 0.0)
    norm = dinv[src_f] * dinv[dst_f]
    out = jax.ops.segment_sum(norm[:, None] * hw[src_f], dst_f, num_segments=n)
    return out + b


def reference(x, edge_index, W_pre1, b_pre1, W_pre2, b_pre2, W_c1, b_c1, W_c2, b_c2):
    src = edge_index[0]
    dst = edge_index[1]
    tau = 0.0  # update='moving', tau initialized to 0
    # preprocess MLP (dropout p=0 -> identity)
    h = jax.nn.leaky_relu(x @ W_pre1 + b_pre1)
    h = jax.nn.leaky_relu(h @ W_pre2 + b_pre2)
    # conv1
    h = jax.nn.leaky_relu(gcn_conv(h, src, dst, W_c1, b_c1, N))
    prev1 = jnp.zeros((N, C1), dtype=jnp.float32)
    h = tau * prev1 + (1.0 - tau) * h
    h = h / jnp.linalg.norm(h, ord=2, axis=1, keepdims=True)
    emb1 = jax.lax.stop_gradient(h)
    # conv2
    h = jax.nn.leaky_relu(gcn_conv(h, src, dst, W_c2, b_c2, N))
    prev2 = jnp.zeros((N, C2), dtype=jnp.float32)
    h = tau * prev2 + (1.0 - tau) * h
    h = h / jnp.linalg.norm(h, ord=2, axis=1, keepdims=True)
    emb2 = jax.lax.stop_gradient(h)
    return h, emb1, emb2

if __name__ == "__main__":
    import jax
    _d = setup_inputs()
    print(jax.jit(kernel)(*tuple(_d.values())))

</pallas_src>

<mosaic_0001>
#map = affine_map<(d0, d1) -> (0, 0, 0)>
#map1 = affine_map<(d0, d1) -> (0)>
module attributes {stable_mosaic.version = 14 : i64} {
  func.func @_deg_body(%arg0: i32, %arg1: i32, %arg2: memref<32x80x125xi32, #tpu.memory_space<hbm>>, %arg3: memref<125xf32, #tpu.memory_space<hbm>>, %arg4: memref<10240xf32, #tpu.memory_space<hbm>>, %arg5: memref<20480xf32, #tpu.memory_space<hbm>>, %arg6: memref<80x125xi32, #tpu.memory_space<vmem>>, %arg7: memref<125xf32, #tpu.memory_space<vmem>>, %arg8: memref<10240xf32, #tpu.memory_space<vmem_shared>>) attributes {dimension_semantics = [#tpu.dimension_semantics<core_parallel>, #tpu.dimension_semantics<subcore_parallel>], iteration_bounds = array<i64: 2, 16>, scalar_prefetch = 0 : i64, scratch_operands = 3 : i64, tpu.core_type = #tpu.core_type<sc_vector_subcore>, window_params = [{transform_indices = #map}, {transform_indices = #map1}, {transform_indices = #map1}, {transform_indices = #map1}]} {
    %mul3A = arith.constant 16 : i32
    %mul3A_0 = arith.muli %arg0, %mul3A : i32
    %add3A = arith.addi %mul3A_0, %arg1 : i32
    "tpu.region"() ({
      %run_scoped3A = tpu.sem_alloc : memref<!tpu.dma_semaphore, #tpu.memory_space<semaphore_mem>>
      %dma_start3A = arith.constant 0 : i32
      %dma_start3A_18 = arith.constant 0 : i32
      %dma_start3A_19 = tpu.memref_slice %arg2[%add3A, %dma_start3A, %dma_start3A_18] : memref<32x80x125xi32, #tpu.memory_space<hbm>> -> memref<1x80x125xi32, #tpu.memory_space<hbm>>
      %dma_start3A_20 = tpu.memref_squeeze %dma_start3A_19 : memref<1x80x125xi32, #tpu.memory_space<hbm>> -> memref<80x125xi32, #tpu.memory_space<hbm>>
      %dma_start3A_21 = arith.constant 0 : i32
      %dma_start3A_22 = arith.constant 0 : i32
      %dma_start3A_23 = tpu.memref_slice %arg2[%add3A, %dma_start3A_21, %dma_start3A_22] : memref<32x80x125xi32, #tpu.memory_space<hbm>> -> memref<1x80x125xi32, #tpu.memory_space<hbm>>
      %dma_start3A_24 = tpu.memref_squeeze %dma_start3A_23 : memref<1x80x125xi32, #tpu.memory_space<hbm>> -> memref<80x125xi32, #tpu.memory_space<hbm>>
      tpu.enqueue_dma source(%dma_start3A_24 : memref<80x125xi32, #tpu.memory_space<hbm>>) target(%arg6 : memref<80x125xi32, #tpu.memory_space<vmem>>) target_semaphore(%run_scoped3A : memref<!tpu.dma_semaphore, #tpu.memory_space<semaphore_mem>>)
      %dma_wait3A = arith.constant 0 : i32
      %dma_wait3A_25 = arith.constant 0 : i32
      %dma_wait3A_26 = tpu.memref_slice %arg2[%add3A, %dma_wait3A, %dma_wait3A_25] : memref<32x80x125xi32, #tpu.memory_space<hbm>> -> memref<1x80x125xi32, #tpu.memory_space<hbm>>
      %dma_wait3A_27 = tpu.memref_squeeze %dma_wait3A_26 : memref<1x80x125xi32, #tpu.memory_space<hbm>> -> memref<80x125xi32, #tpu.memory_space<hbm>>
      %dma_wait3A_28 = arith.constant 0 : i32
      %dma_wait3A_29 = arith.constant 0 : i32
      %dma_wait3A_30 = tpu.memref_slice %arg2[%add3A, %dma_wait3A_28, %dma_wait3A_29] : memref<32x80x125xi32, #tpu.memory_space<hbm>> -> memref<1x80x125xi32, #tpu.memory_space<hbm>>
      %dma_wait3A_31 = tpu.memref_squeeze %dma_wait3A_30 : memref<1x80x125xi32, #tpu.memory_space<hbm>> -> memref<80x125xi32, #tpu.memory_space<hbm>>
      tpu.wait_dma2 semaphore(%run_scoped3A : memref<!tpu.dma_semaphore, #tpu.memory_space<semaphore_mem>>) src(%dma_wait3A_31 : memref<80x125xi32, #tpu.memory_space<hbm>>) dst(%arg6 : memref<80x125xi32, #tpu.memory_space<vmem>>)
      tpu.yield
    }) : () -> ()
    "tpu.region"() ({
      %run_scoped3A = tpu.sem_alloc : memref<!tpu.dma_semaphore, #tpu.memory_space<semaphore_mem>>
      tpu.enqueue_dma source(%arg3 : memref<125xf32, #tpu.memory_space<hbm>>) target(%arg7 : memref<125xf32, #tpu.memory_space<vmem>>) target_semaphore(%run_scoped3A : memref<!tpu.dma_semaphore, #tpu.memory_space<semaphore_mem>>)
      tpu.wait_dma2 semaphore(%run_scoped3A : memref<!tpu.dma_semaphore, #tpu.memory_space<semaphore_mem>>) src(%arg3 : memref<125xf32, #tpu.memory_space<hbm>>) dst(%arg7 : memref<125xf32, #tpu.memory_space<vmem>>)
      tpu.yield
    }) : () -> ()
    %mul3A_1 = arith.constant 640 : i32
    %mul3A_2 = arith.muli %arg1, %mul3A_1 : i32
    %mul3A_3 = arith.constant 640 : i32
    %mul3A_4 = arith.muli %arg1, %mul3A_3 : i32
    "tpu.region"() ({
      %run_scoped3A = tpu.sem_alloc : memref<!tpu.dma_semaphore, #tpu.memory_space<semaphore_mem>>
      %dma_start3A = tpu.memref_slice %arg8[%mul3A_4] : memref<10240xf32, #tpu.memory_space<vmem_shared>> -> memref<640xf32, #tpu.memory_space<vmem_shared>>
      %dma_start3A_18 = tpu.memref_slice %arg4[%mul3A_2] : memref<10240xf32, #tpu.memory_space<hbm>> -> memref<640xf32, #tpu.memory_space<hbm>>
      tpu.enqueue_dma source(%dma_start3A_18 : memref<640xf32, #tpu.memory_space<hbm>>) target(%dma_start3A : memref<640xf32, #tpu.memory_space<vmem_shared>>) target_semaphore(%run_scoped3A : memref<!tpu.dma_semaphore, #tpu.memory_space<semaphore_mem>>)
      %dma_wait3A = tpu.memref_slice %arg8[%mul3A_4] : memref<10240xf32, #tpu.memory_space<vmem_shared>> -> memref<640xf32, #tpu.memory_space<vmem_shared>>
      %dma_wait3A_19 = tpu.memref_slice %arg4[%mul3A_2] : memref<10240xf32, #tpu.memory_space<hbm>> -> memref<640xf32, #tpu.memory_space<hbm>>
      tpu.wait_dma2 semaphore(%run_scoped3A : memref<!tpu.dma_semaphore, #tpu.memory_space<semaphore_mem>>) src(%dma_wait3A_19 : memref<640xf32, #tpu.memory_space<hbm>>) dst(%dma_wait3A : memref<640xf32, #tpu.memory_space<vmem_shared>>)
      tpu.yield
    }) : () -> ()
    %barrier3A = arith.constant 0 : index
    tpu.barrier barrier_id(%barrier3A)
    %scan3A = arith.constant 0 : i32
    %scan3A_5 = arith.constant 0 : i32
    %scan3A_6 = arith.constant 80 : i32
    %scan3A_7 = arith.addi %scan3A_5, %scan3A_6 : i32
    %scan3A_8 = arith.constant 1 : i32
    scf.for %scan3A_18 = %scan3A_5 to %scan3A_7 step %scan3A_8  : i32 {
      "tpu.region"() ({
        %run_scoped3A = tpu.sem_alloc : memref<!tpu.dma_semaphore, #tpu.memory_space<semaphore_mem>>
        %dma_start3A = arith.constant 0 : i32
        %dma_start3A_19 = tpu.memref_slice %arg6[%scan3A_18, %dma_start3A] : memref<80x125xi32, #tpu.memory_space<vmem>> -> memref<1x125xi32, #tpu.memory_space<vmem>>
        %dma_start3A_20 = tpu.memref_squeeze %dma_start3A_19 : memref<1x125xi32, #tpu.memory_space<vmem>> -> memref<125xi32, #tpu.memory_space<vmem>>
        %dma_start3A_21 = arith.constant 0 : i32
        %dma_start3A_22 = tpu.memref_slice %arg8[%dma_start3A_21] : memref<10240xf32, #tpu.memory_space<vmem_shared>> -> memref<10240xf32, #tpu.memory_space<vmem_shared>>
        tpu.enqueue_indirect_dma source(%arg7 : memref<125xf32, #tpu.memory_space<vmem>>) target(%dma_start3A_22 : memref<10240xf32, #tpu.memory_space<vmem_shared>>) offsets(%dma_start3A_20 : memref<125xi32, #tpu.memory_space<vmem>>) semaphore(%run_scoped3A : memref<!tpu.dma_semaphore, #tpu.memory_space<semaphore_mem>>) {add = true}
        %dma_wait3A = arith.constant 0 : i32
        %dma_wait3A_23 = tpu.memref_slice %arg6[%scan3A_18, %dma_wait3A] : memref<80x125xi32, #tpu.memory_space<vmem>> -> memref<1x125xi32, #tpu.memory_space<vmem>>
        %dma_wait3A_24 = tpu.memref_squeeze %dma_wait3A_23 : memref<1x125xi32, #tpu.memory_space<vmem>> -> memref<125xi32, #tpu.memory_space<vmem>>
        %dma_wait3A_25 = arith.constant 0 : i32
        %dma_wait3A_26 = tpu.memref_slice %arg8[%dma_wait3A_25] : memref<10240xf32, #tpu.memory_space<vmem_shared>> -> memref<10240xf32, #tpu.memory_space<vmem_shared>>
        tpu.wait_indirect_dma semaphore(%run_scoped3A : memref<!tpu.dma_semaphore, #tpu.memory_space<semaphore_mem>>) src(%arg7 : memref<125xf32, #tpu.memory_space<vmem>>) dst(%dma_wait3A_26 : memref<10240xf32, #tpu.memory_space<vmem_shared>>)
        tpu.yield
      }) : () -> ()
    }
    %scan3A_9 = arith.constant 80 : i32
    %barrier3A_10 = arith.constant 0 : index
    tpu.barrier barrier_id(%barrier3A_10)
    %mul3A_11 = arith.constant 640 : i32
    %mul3A_12 = arith.muli %arg1, %mul3A_11 : i32
    %mul3A_13 = arith.constant 10240 : i32
    %mul3A_14 = arith.muli %arg0, %mul3A_13 : i32
    %mul3A_15 = arith.constant 640 : i32
    %mul3A_16 = arith.muli %arg1, %mul3A_15 : i32
    %add3A_17 = arith.addi %mul3A_14, %mul3A_16 : i32
    "tpu.region"() ({
      %run_scoped3A = tpu.sem_alloc : memref<!tpu.dma_semaphore, #tpu.memory_space<semaphore_mem>>
      %dma_start3A = tpu.memref_slice %arg5[%add3A_17] : memref<20480xf32, #tpu.memory_space<hbm>> -> memref<640xf32, #tpu.memory_space<hbm>>
      %dma_start3A_18 = tpu.memref_slice %arg8[%mul3A_12] : memref<10240xf32, #tpu.memory_space<vmem_shared>> -> memref<640xf32, #tpu.memory_space<vmem_shared>>
      tpu.enqueue_dma source(%dma_start3A_18 : memref<640xf32, #tpu.memory_space<vmem_shared>>) target(%dma_start3A : memref<640xf32, #tpu.memory_space<hbm>>) target_semaphore(%run_scoped3A : memref<!tpu.dma_semaphore, #tpu.memory_space<semaphore_mem>>)
      %dma_wait3A = tpu.memref_slice %arg5[%add3A_17] : memref<20480xf32, #tpu.memory_space<hbm>> -> memref<640xf32, #tpu.memory_space<hbm>>
      %dma_wait3A_19 = tpu.memref_slice %arg8[%mul3A_12] : memref<10240xf32, #tpu.memory_space<vmem_shared>> -> memref<640xf32, #tpu.memory_space<vmem_shared>>
      tpu.wait_dma2 semaphore(%run_scoped3A : memref<!tpu.dma_semaphore, #tpu.memory_space<semaphore_mem>>) src(%dma_wait3A_19 : memref<640xf32, #tpu.memory_space<vmem_shared>>) dst(%dma_wait3A : memref<640xf32, #tpu.memory_space<hbm>>)
      tpu.yield
    }) : () -> ()
    return
  }
}

#map = affine_map<(d0, d1) -> (0, 0)>
#map1 = affine_map<(d0, d1) -> (0, 0, 0)>
module attributes {stable_mosaic.version = 14 : i64} {
  func.func @_agg2_body(%arg0: i32, %arg1: i32, %arg2: memref<10000x128xf32, #tpu.memory_space<hbm>>, %arg3: memref<64x40x125xi32, #tpu.memory_space<hbm>>, %arg4: memref<64x40x125xi32, #tpu.memory_space<hbm>>, %arg5: memref<10000x128xf32, #tpu.memory_space<hbm>>, %arg6: memref<20000x128xf32, #tpu.memory_space<hbm>>, %arg7: memref<40x125xi32, #tpu.memory_space<vmem>>, %arg8: memref<40x125xi32, #tpu.memory_space<vmem>>, %arg9: memref<125x128xf32, #tpu.memory_space<vmem>>, %arg10: memref<125x128xf32, #tpu.memory_space<vmem>>, %arg11: memref<10000x128xf32, #tpu.memory_space<vmem_shared>>, %arg12: memref<!tpu.dma_semaphore, #tpu.memory_space<semaphore_mem>>, %arg13: memref<!tpu.dma_semaphore, #tpu.memory_space<semaphore_mem>>) attributes {dimension_semantics = [#tpu.dimension_semantics<core_parallel>, #tpu.dimension_semantics<subcore_parallel>], iteration_bounds = array<i64: 2, 16>, scalar_prefetch = 0 : i64, scratch_operands = 7 : i64, tpu.core_type = #tpu.core_type<sc_vector_subcore>, window_params = [{transform_indices = #map}, {transform_indices = #map1}, {transform_indices = #map1}, {transform_indices = #map}, {transform_indices = #map}]} {
    %mul3A = arith.constant 16 : i32
    %mul3A_0 = arith.muli %arg0, %mul3A : i32
    %add3A = arith.addi %mul3A_0, %arg1 : i32
    %mul3A_1 = arith.constant 624 : i32
    %mul3A_2 = arith.muli %arg1, %mul3A_1 : i32
    %mul3A_3 = arith.constant 624 : i32
    %mul3A_4 = arith.muli %arg1, %mul3A_3 : i32
    "tpu.region"() ({
      %run_scoped3A_89 = tpu.sem_alloc : memref<!tpu.dma_semaphore, #tpu.memory_space<semaphore_mem>>
      %dma_start3A_90 = arith.constant 0 : i32
      %dma_start3A_91 = tpu.memref_slice %arg11[%mul3A_4, %dma_start3A_90] : memref<10000x128xf32, #tpu.memory_space<vmem_shared>> -> memref<640x128xf32, #tpu.memory_space<vmem_shared>>
      %dma_start3A_92 = arith.constant 0 : i32
      %dma_start3A_93 = tpu.memref_slice %arg5[%mul3A_2, %dma_start3A_92] : memref<10000x128xf32, #tpu.memory_space<hbm>> -> memref<640x128xf32, #tpu.memory_space<hbm>>
      tpu.enqueue_dma source(%dma_start3A_93 : memref<640x128xf32, #tpu.memory_space<hbm>>) target(%dma_start3A_91 : memref<640x128xf32, #tpu.memory_space<vmem_shared>>) target_semaphore(%run_scoped3A_89 : memref<!tpu.dma_semaphore, #tpu.memory_space<semaphore_mem>>)
      %dma_wait3A_94 = arith.constant 0 : i32
      %dma_wait3A_95 = tpu.memref_slice %arg11[%mul3A_4, %dma_wait3A_94] : memref<10000x128xf32, #tpu.memory_space<vmem_shared>> -> memref<640x128xf32, #tpu.memory_space<vmem_shared>>
      %dma_wait3A_96 = arith.constant 0 : i32
      %dma_wait3A_97 = tpu.memref_slice %arg5[%mul3A_2, %dma_wait3A_96] : memref<10000x128xf32, #tpu.memory_space<hbm>> -> memref<640x128xf32, #tpu.memory_space<hbm>>
      tpu.wait_dma2 semaphore(%run_scoped3A_89 : memref<!tpu.dma_semaphore, #tpu.memory_space<semaphore_mem>>) src(%dma_wait3A_97 : memref<640x128xf32, #tpu.memory_space<hbm>>) dst(%dma_wait3A_95 : memref<640x128xf32, #tpu.memory_space<vmem_shared>>)
      tpu.yield
    }) : () -> ()
    %barrier3A = arith.constant 0 : index
    tpu.barrier barrier_id(%barrier3A)
    %mul3A_5 = arith.constant 2 : i32
    %mul3A_6 = arith.muli %add3A, %mul3A_5 : i32
    %add3A_7 = arith.constant 0 : i32
    %add3A_8 = arith.addi %mul3A_6, %add3A_7 : i32
    "tpu.region"() ({
      %run_scoped3A_89 = tpu.sem_alloc : memref<!tpu.dma_semaphore, #tpu.memory_space<semaphore_mem>>
      %dma_start3A_90 = arith.constant 0 : i32
      %dma_start3A_91 = arith.constant 0 : i32
      %dma_start3A_92 = tpu.memref_slice %arg3[%add3A_8, %dma_start3A_90, %dma_start3A_91] : memref<64x40x125xi32, #tpu.memory_space<hbm>> -> memref<1x40x125xi32, #tpu.memory_space<hbm>>
      %dma_start3A_93 = tpu.memref_squeeze %dma_start3A_92 : memref<1x40x125xi32, #tpu.memory_space<hbm>> -> memref<40x125xi32, #tpu.memory_space<hbm>>
      %dma_start3A_94 = arith.constant 0 : i32
      %dma_start3A_95 = arith.constant 0 : i32
      %dma_start3A_96 = tpu.memref_slice %arg3[%add3A_8, %dma_start3A_94, %dma_start3A_95] : memref<64x40x125xi32, #tpu.memory_space<hbm>> -> memref<1x40x125xi32, #tpu.memory_space<hbm>>
      %dma_start3A_97 = tpu.memref_squeeze %dma_start3A_96 : memref<1x40x125xi32, #tpu.memory_space<hbm>> -> memref<40x125xi32, #tpu.memory_space<hbm>>
      tpu.enqueue_dma source(%dma_start3A_97 : memref<40x125xi32, #tpu.memory_space<hbm>>) target(%arg7 : memref<40x125xi32, #tpu.memory_space<vmem>>) target_semaphore(%run_scoped3A_89 : memref<!tpu.dma_semaphore, #tpu.memory_space<semaphore_mem>>)
      %dma_wait3A_98 = arith.constant 0 : i32
      %dma_wait3A_99 = arith.constant 0 : i32
      %dma_wait3A_100 = tpu.memref_slice %arg3[%add3A_8, %dma_wait3A_98, %dma_wait3A_99] : memref<64x40x125xi32, #tpu.memory_space<hbm>> -> memref<1x40x125xi32, #tpu.memory_space<hbm>>
      %dma_wait3A_101 = tpu.memref_squeeze %dma_wait3A_100 : memref<1x40x125xi32, #tpu.memory_space<hbm>> -> memref<40x125xi32, #tpu.memory_space<hbm>>
      %dma_wait3A_102 = arith.constant 0 : i32
      %dma_wait3A_103 = arith.constant 0 : i32
      %dma_wait3A_104 = tpu.memref_slice %arg3[%add3A_8, %dma_wait3A_102, %dma_wait3A_103] : memref<64x40x125xi32, #tpu.memory_space<hbm>> -> memref<1x40x125xi32, #tpu.memory_space<hbm>>
      %dma_wait3A_105 = tpu.memref_squeeze %dma_wait3A_104 : memref<1x40x125xi32, #tpu.memory_space<hbm>> -> memref<40x125xi32, #tpu.memory_space<hbm>>
      tpu.wait_dma2 semaphore(%run_scoped3A_89 : memref<!tpu.dma_semaphore, #tpu.memory_space<semaphore_mem>>) src(%dma_wait3A_105 : memref<40x125xi32, #tpu.memory_space<hbm>>) dst(%arg7 : memref<40x125xi32, #tpu.memory_space<vmem>>)
      tpu.yield
    }) : () -> ()
    "tpu.region"() ({
      %run_scoped3A_89 = tpu.sem_alloc : memref<!tpu.dma_semaphore, #tpu.memory_space<semaphore_mem>>
      %dma_start3A_90 = arith.constant 0 : i32
      %dma_start3A_91 = arith.constant 0 : i32
      %dma_start3A_92 = tpu.memref_slice %arg4[%add3A_8, %dma_start3A_90, %dma_start3A_91] : memref<64x40x125xi32, #tpu.memory_space<hbm>> -> memref<1x40x125xi32, #tpu.memory_space<hbm>>
      %dma_start3A_93 = tpu.memref_squeeze %dma_start3A_92 : memref<1x40x125xi32, #tpu.memory_space<hbm>> -> memref<40x125xi32, #tpu.memory_space<hbm>>
      %dma_start3A_94 = arith.constant 0 : i32
      %dma_start3A_95 = arith.constant 0 : i32
      %dma_start3A_96 = tpu.memref_slice %arg4[%add3A_8, %dma_start3A_94, %dma_start3A_95] : memref<64x40x125xi32, #tpu.memory_space<hbm>> -> memref<1x40x125xi32, #tpu.memory_space<hbm>>
      %dma_start3A_97 = tpu.memref_squeeze %dma_start3A_96 : memref<1x40x125xi32, #tpu.memory_space<hbm>> -> memref<40x125xi32, #tpu.memory_space<hbm>>
      tpu.enqueue_dma source(%dma_start3A_97 : memref<40x125xi32, #tpu.memory_space<hbm>>) target(%arg8 : memref<40x125xi32, #tpu.memory_space<vmem>>) target_semaphore(%run_scoped3A_89 : memref<!tpu.dma_semaphore, #tpu.memory_space<semaphore_mem>>)
      %dma_wait3A_98 = arith.constant 0 : i32
      %dma_wait3A_99 = arith.constant 0 : i32
      %dma_wait3A_100 = tpu.memref_slice %arg4[%add3A_8, %dma_wait3A_98, %dma_wait3A_99] : memref<64x40x125xi32, #tpu.memory_space<hbm>> -> memref<1x40x125xi32, #tpu.memory_space<hbm>>
      %dma_wait3A_101 = tpu.memref_squeeze %dma_wait3A_100 : memref<1x40x125xi32, #tpu.memory_space<hbm>> -> memref<40x125xi32, #tpu.memory_space<hbm>>
      %dma_wait3A_102 = arith.constant 0 : i32
      %dma_wait3A_103 = arith.constant 0 : i32
      %dma_wait3A_104 = tpu.memref_slice %arg4[%add3A_8, %dma_wait3A_102, %dma_wait3A_103] : memref<64x40x125xi32, #tpu.memory_space<hbm>> -> memref<1x40x125xi32, #tpu.memory_space<hbm>>
      %dma_wait3A_105 = tpu.memref_squeeze %dma_wait3A_104 : memref<1x40x125xi32, #tpu.memory_space<hbm>> -> memref<40x125xi32, #tpu.memory_space<hbm>>
      tpu.wait_dma2 semaphore(%run_scoped3A_89 : memref<!tpu.dma_semaphore, #tpu.memory_space<semaphore_mem>>) src(%dma_wait3A_105 : memref<40x125xi32, #tpu.memory_space<hbm>>) dst(%arg8 : memref<40x125xi32, #tpu.memory_space<vmem>>)
      tpu.yield
    }) : () -> ()
    %dma_start3A = arith.constant 0 : i32
    %dma_start3A_9 = arith.constant 0 : i32
    %dma_start3A_10 = tpu.memref_slice %arg7[%dma_start3A, %dma_start3A_9] : memref<40x125xi32, #tpu.memory_space<vmem>> -> memref<1x125xi32, #tpu.memory_space<vmem>>
    %dma_start3A_11 = tpu.memref_squeeze %dma_start3A_10 : memref<1x125xi32, #tpu.memory_space<vmem>> -> memref<125xi32, #tpu.memory_space<vmem>>
    %dma_start3A_12 = arith.constant 0 : i32
    %dma_start3A_13 = arith.constant 0 : i32
    %dma_start3A_14 = tpu.memref_slice %arg2[%dma_start3A_12, %dma_start3A_13] : memref<10000x128xf32, #tpu.memory_space<hbm>> -> memref<10000x128xf32, #tpu.memory_space<hbm>>
    tpu.enqueue_indirect_dma source(%dma_start3A_14 : memref<10000x128xf32, #tpu.memory_space<hbm>>) target(%arg9 : memref<125x128xf32, #tpu.memory_space<vmem>>) offsets(%dma_start3A_11 : memref<125xi32, #tpu.memory_space<vmem>>) semaphore(%arg12 : memref<!tpu.dma_semaphore, #tpu.memory_space<semaphore_mem>>)
    %dma_start3A_15 = arith.constant 1 : i32
    %dma_start3A_16 = arith.constant 0 : i32
    %dma_start3A_17 = tpu.memref_slice %arg7[%dma_start3A_15, %dma_start3A_16] : memref<40x125xi32, #tpu.memory_space<vmem>> -> memref<1x125xi32, #tpu.memory_space<vmem>>
    %dma_start3A_18 = tpu.memref_squeeze %dma_start3A_17 : memref<1x125xi32, #tpu.memory_space<vmem>> -> memref<125xi32, #tpu.memory_space<vmem>>
    %dma_start3A_19 = arith.constant 0 : i32
    %dma_start3A_20 = arith.constant 0 : i32
    %dma_start3A_21 = tpu.memref_slice %arg2[%dma_start3A_19, %dma_start3A_20] : memref<10000x128xf32, #tpu.memory_space<hbm>> -> memref<10000x128xf32, #tpu.memory_space<hbm>>
    tpu.enqueue_indirect_dma source(%dma_start3A_21 : memref<10000x128xf32, #tpu.memory_space<hbm>>) target(%arg10 : memref<125x128xf32, #tpu.memory_space<vmem>>) offsets(%dma_start3A_18 : memref<125xi32, #tpu.memory_space<vmem>>) semaphore(%arg13 : memref<!tpu.dma_semaphore, #tpu.memory_space<semaphore_mem>>)
    %scan3A = arith.constant 0 : i32
    %scan3A_22 = arith.constant 0 : i32
    %scan3A_23 = arith.constant 19 : i32
    %scan3A_24 = arith.addi %scan3A_22, %scan3A_23 : i32
    %scan3A_25 = arith.constant 1 : i32
    scf.for %scan3A_89 = %scan3A_22 to %scan3A_24 step %scan3A_25  : i32 {
      %mul3A_90 = arith.constant 2 : i32
      %mul3A_91 = arith.muli %mul3A_90, %scan3A_89 : i32
      %dma_wait3A_92 = arith.constant 0 : i32
      %dma_wait3A_93 = arith.constant 0 : i32
      %dma_wait3A_94 = tpu.memref_slice %arg7[%dma_wait3A_92, %dma_wait3A_93] : memref<40x125xi32, #tpu.memory_space<vmem>> -> memref<1x125xi32, #tpu.memory_space<vmem>>
      %dma_wait3A_95 = tpu.memref_squeeze %dma_wait3A_94 : memref<1x125xi32, #tpu.memory_space<vmem>> -> memref<125xi32, #tpu.memory_space<vmem>>
      %dma_wait3A_96 = arith.constant 0 : i32
      %dma_wait3A_97 = arith.constant 0 : i32
      %dma_wait3A_98 = tpu.memref_slice %arg2[%dma_wait3A_96, %dma_wait3A_97] : memref<10000x128xf32, #tpu.memory_space<hbm>> -> memref<10000x128xf32, #tpu.memory_space<hbm>>
      tpu.wait_indirect_dma semaphore(%arg12 : memref<!tpu.dma_semaphore, #tpu.memory_space<semaphore_mem>>) src(%dma_wait3A_98 : memref<10000x128xf32, #tpu.memory_space<hbm>>) dst(%arg9 : memref<125x128xf32, #tpu.memory_space<vmem>>)
      "tpu.region"() ({
        %run_scoped3A_124 = tpu.sem_alloc : memref<!tpu.dma_semaphore, #tpu.memory_space<semaphore_mem>>
        %dma_start3A_125 = arith.constant 0 : i32
        %dma_start3A_126 = tpu.memref_slice %arg8[%mul3A_91, %dma_start3A_125] : memref<40x125xi32, #tpu.memory_space<vmem>> -> memref<1x125xi32, #tpu.memory_space<vmem>>
        %dma_start3A_127 = tpu.memref_squeeze %dma_start3A_126 : memref<1x125xi32, #tpu.memory_space<vmem>> -> memref<125xi32, #tpu.memory_space<vmem>>
        %dma_start3A_128 = arith.constant 0 : i32
        %dma_start3A_129 = arith.constant 0 : i32
        %dma_start3A_130 = tpu.memref_slice %arg11[%dma_start3A_128, %dma_start3A_129] : memref<10000x128xf32, #tpu.memory_space<vmem_shared>> -> memref<10000x128xf32, #tpu.memory_space<vmem_shared>>
        tpu.enqueue_indirect_dma source(%arg9 : memref<125x128xf32, #tpu.memory_space<vmem>>) target(%dma_start3A_130 : memref<10000x128xf32, #tpu.memory_space<vmem_shared>>) offsets(%dma_start3A_127 : memref<125xi32, #tpu.memory_space<vmem>>) semaphore(%run_scoped3A_124 : memref<!tpu.dma_semaphore, #tpu.memory_space<semaphore_mem>>) {add = true}
        %dma_wait3A_131 = arith.constant 0 : i32
        %dma_wait3A_132 = tpu.memref_slice %arg8[%mul3A_91, %dma_wait3A_131] : memref<40x125xi32, #tpu.memory_space<vmem>> -> memref<1x125xi32, #tpu.memory_space<vmem>>
        %dma_wait3A_133 = tpu.memref_squeeze %dma_wait3A_132 : memref<1x125xi32, #tpu.memory_space<vmem>> -> memref<125xi32, #tpu.memory_space<vmem>>
        %dma_wait3A_134 = arith.constant 0 : i32
        %dma_wait3A_135 = arith.constant 0 : i32
        %dma_wait3A_136 = tpu.memref_slice %arg11[%dma_wait3A_134, %dma_wait3A_135] : memref<10000x128xf32, #tpu.memory_space<vmem_shared>> -> memref<10000x128xf32, #tpu.memory_space<vmem_shared>>
        tpu.wait_indirect_dma semaphore(%run_scoped3A_124 : memref<!tpu.dma_semaphore, #tpu.memory_space<semaphore_mem>>) src(%arg9 : memref<125x128xf32, #tpu.memory_space<vmem>>) dst(%dma_wait3A_136 : memref<10000x128xf32, #tpu.memory_space<vmem_shared>>)
        tpu.yield
      }) : () -> ()
      %add3A_99 = arith.constant 2 : i32
      %add3A_100 = arith.addi %mul3A_91, %add3A_99 : i32
      %dma_start3A_101 = arith.constant 0 : i32
      %dma_start3A_102 = tpu.memref_slice %arg7[%add3A_100, %dma_start3A_101] : memref<40x125xi32, #tpu.memory_space<vmem>> -> memref<1x125xi32, #tpu.memory_space<vmem>>
      %dma_start3A_103 = tpu.memref_squeeze %dma_start3A_102 : memref<1x125xi32, #tpu.memory_space<vmem>> -> memref<125xi32, #tpu.memory_space<vmem>>
      %dma_start3A_104 = arith.constant 0 : i32
      %dma_start3A_105 = arith.constant 0 : i32
      %dma_start3A_106 = tpu.memref_slice %arg2[%dma_start3A_104, %dma_start3A_105] : memref<10000x128xf32, #tpu.memory_space<hbm>> -> memref<10000x128xf32, #tpu.memory_space<hbm>>
      tpu.enqueue_indirect_dma source(%dma_start3A_106 : memref<10000x128xf32, #tpu.memory_space<hbm>>) target(%arg9 : memref<125x128xf32, #tpu.memory_space<vmem>>) offsets(%dma_start3A_103 : memref<125xi32, #tpu.memory_space<vmem>>) semaphore(%arg12 : memref<!tpu.dma_semaphore, #tpu.memory_space<semaphore_mem>>)
      %dma_wait3A_107 = arith.constant 0 : i32
      %dma_wait3A_108 = arith.constant 0 : i32
      %dma_wait3A_109 = tpu.memref_slice %arg7[%dma_wait3A_107, %dma_wait3A_108] : memref<40x125xi32, #tpu.memory_space<vmem>> -> memref<1x125xi32, #tpu.memory_space<vmem>>
      %dma_wait3A_110 = tpu.memref_squeeze %dma_wait3A_109 : memref<1x125xi32, #tpu.memory_space<vmem>> -> memref<125xi32, #tpu.memory_space<vmem>>
      %dma_wait3A_111 = arith.constant 0 : i32
      %dma_wait3A_112 = arith.constant 0 : i32
      %dma_wait3A_113 = tpu.memref_slice %arg2[%dma_wait3A_111, %dma_wait3A_112] : memref<10000x128xf32, #tpu.memory_space<hbm>> -> memref<10000x128xf32, #tpu.memory_space<hbm>>
      tpu.wait_indirect_dma semaphore(%arg13 : memref<!tpu.dma_semaphore, #tpu.memory_space<semaphore_mem>>) src(%dma_wait3A_113 : memref<10000x128xf32, #tpu.memory_space<hbm>>) dst(%arg10 : memref<125x128xf32, #tpu.memory_space<vmem>>)
      %add3A_114 = arith.constant 1 : i32
      %add3A_115 = arith.addi %mul3A_91, %add3A_114 : i32
      "tpu.region"() ({
        %run_scoped3A_124 = tpu.sem_alloc : memref<!tpu.dma_semaphore, #tpu.memory_space<semaphore_mem>>
        %dma_start3A_125 = arith.constant 0 : i32
        %dma_start3A_126 = tpu.memref_slice %arg8[%add3A_115, %dma_start3A_125] : memref<40x125xi32, #tpu.memory_space<vmem>> -> memref<1x125xi32, #tpu.memory_space<vmem>>
        %dma_start3A_127 = tpu.memref_squeeze %dma_start3A_126 : memref<1x125xi32, #tpu.memory_space<vmem>> -> memref<125xi32, #tpu.memory_space<vmem>>
        %dma_start3A_128 = arith.constant 0 : i32
        %dma_start3A_129 = arith.constant 0 : i32
        %dma_start3A_130 = tpu.memref_slice %arg11[%dma_start3A_128, %dma_start3A_129] : memref<10000x128xf32, #tpu.memory_space<vmem_shared>> -> memref<10000x128xf32, #tpu.memory_space<vmem_shared>>
        tpu.enqueue_indirect_dma source(%arg10 : memref<125x128xf32, #tpu.memory_space<vmem>>) target(%dma_start3A_130 : memref<10000x128xf32, #tpu.memory_space<vmem_shared>>) offsets(%dma_start3A_127 : memref<125xi32, #tpu.memory_space<vmem>>) semaphore(%run_scoped3A_124 : memref<!tpu.dma_semaphore, #tpu.memory_space<semaphore_mem>>) {add = true}
        %dma_wait3A_131 = arith.constant 0 : i32
        %dma_wait3A_132 = tpu.memref_slice %arg8[%add3A_115, %dma_wait3A_131] : memref<40x125xi32, #tpu.memory_space<vmem>> -> memref<1x125xi32, #tpu.memory_space<vmem>>
        %dma_wait3A_133 = tpu.memref_squeeze %dma_wait3A_132 : memref<1x125xi32, #tpu.memory_space<vmem>> -> memref<125xi32, #tpu.memory_space<vmem>>
        %dma_wait3A_134 = arith.constant 0 : i32
        %dma_wait3A_135 = arith.constant 0 : i32
        %dma_wait3A_136 = tpu.memref_slice %arg11[%dma_wait3A_134, %dma_wait3A_135] : memref<10000x128xf32, #tpu.memory_space<vmem_shared>> -> memref<10000x128xf32, #tpu.memory_space<vmem_shared>>
        tpu.wait_indirect_dma semaphore(%run_scoped3A_124 : memref<!tpu.dma_semaphore, #tpu.memory_space<semaphore_mem>>) src(%arg10 : memref<125x128xf32, #tpu.memory_space<vmem>>) dst(%dma_wait3A_136 : memref<10000x128xf32, #tpu.memory_space<vmem_shared>>)
        tpu.yield
      }) : () -> ()
      %add3A_116 = arith.constant 3 : i32
      %add3A_117 = arith.addi %mul3A_91, %add3A_116 : i32
      %dma_start3A_118 = arith.constant 0 : i32
      %dma_start3A_119 = tpu.memref_slice %arg7[%add3A_117, %dma_start3A_118] : memref<40x125xi32, #tpu.memory_space<vmem>> -> memref<1x125xi32, #tpu.memory_space<vmem>>
      %dma_start3A_120 = tpu.memref_squeeze %dma_start3A_119 : memref<1x125xi32, #tpu.memory_space<vmem>> -> memref<125xi32, #tpu.memory_space<vmem>>
      %dma_start3A_121 = arith.constant 0 : i32
      %dma_start3A_122 = arith.constant 0 : i32
      %dma_start3A_123 = tpu.memref_slice %arg2[%dma_start3A_121, %dma_start3A_122] : memref<10000x128xf32, #tpu.memory_space<hbm>> -> memref<10000x128xf32, #tpu.memory_space<hbm>>
      tpu.enqueue_indirect_dma source(%dma_start3A_123 : memref<10000x128xf32, #tpu.memory_space<hbm>>) target(%arg10 : memref<125x128xf32, #tpu.memory_space<vmem>>) offsets(%dma_start3A_120 : memref<125xi32, #tpu.memory_space<vmem>>) semaphore(%arg13 : memref<!tpu.dma_semaphore, #tpu.memory_space<semaphore_mem>>)
    }
    %scan3A_26 = arith.constant 19 : i32
    %dma_wait3A = arith.constant 0 : i32
    %dma_wait3A_27 = arith.constant 0 : i32
    %dma_wait3A_28 = tpu.memref_slice %arg7[%dma_wait3A, %dma_wait3A_27] : memref<40x125xi32, #tpu.memory_space<vmem>> -> memref<1x125xi32, #tpu.memory_space<vmem>>
    %dma_wait3A_29 = tpu.memref_squeeze %dma_wait3A_28 : memref<1x125xi32, #tpu.memory_space<vmem>> -> memref<125xi32, #tpu.memory_space<vmem>>
    %dma_wait3A_30 = arith.constant 0 : i32
    %dma_wait3A_31 = arith.constant 0 : i32
    %dma_wait3A_32 = tpu.memref_slice %arg2[%dma_wait3A_30, %dma_wait3A_31] : memref<10000x128xf32, #tpu.memory_space<hbm>> -> memref<10000x128xf32, #tpu.memory_space<hbm>>
    tpu.wait_indirect_dma semaphore(%arg12 : memref<!tpu.dma_semaphore, #tpu.memory_space<semaphore_mem>>) src(%dma_wait3A_32 : memref<10000x128xf32, #tpu.memory_space<hbm>>) dst(%arg9 : memref<125x128xf32, #tpu.memory_space<vmem>>)
    %run_scoped3A = arith.constant 38 : i32
    "tpu.region"() ({
      %run_scoped3A_89 = tpu.sem_alloc : memref<!tpu.dma_semaphore, #tpu.memory_space<semaphore_mem>>
      %dma_start3A_90 = arith.constant 0 : i32
      %dma_start3A_91 = tpu.memref_slice %arg8[%run_scoped3A, %dma_start3A_90] : memref<40x125xi32, #tpu.memory_space<vmem>> -> memref<1x125xi32, #tpu.memory_space<vmem>>
      %dma_start3A_92 = tpu.memref_squeeze %dma_start3A_91 : memref<1x125xi32, #tpu.memory_space<vmem>> -> memref<125xi32, #tpu.memory_space<vmem>>
      %dma_start3A_93 = arith.constant 0 : i32
      %dma_start3A_94 = arith.constant 0 : i32
      %dma_start3A_95 = tpu.memref_slice %arg11[%dma_start3A_93, %dma_start3A_94] : memref<10000x128xf32, #tpu.memory_space<vmem_shared>> -> memref<10000x128xf32, #tpu.memory_space<vmem_shared>>
      tpu.enqueue_indirect_dma source(%arg9 : memref<125x128xf32, #tpu.memory_space<vmem>>) target(%dma_start3A_95 : memref<10000x128xf32, #tpu.memory_space<vmem_shared>>) offsets(%dma_start3A_92 : memref<125xi32, #tpu.memory_space<vmem>>) semaphore(%run_scoped3A_89 : memref<!tpu.dma_semaphore, #tpu.memory_space<semaphore_mem>>) {add = true}
      %dma_wait3A_96 = arith.constant 0 : i32
      %dma_wait3A_97 = tpu.memref_slice %arg8[%run_scoped3A, %dma_wait3A_96] : memref<40x125xi32, #tpu.memory_space<vmem>> -> memref<1x125xi32, #tpu.memory_space<vmem>>
      %dma_wait3A_98 = tpu.memref_squeeze %dma_wait3A_97 : memref<1x125xi32, #tpu.memory_space<vmem>> -> memref<125xi32, #tpu.memory_space<vmem>>
      %dma_wait3A_99 = arith.constant 0 : i32
      %dma_wait3A_100 = arith.constant 0 : i32
      %dma_wait3A_101 = tpu.memref_slice %arg11[%dma_wait3A_99, %dma_wait3A_100] : memref<10000x128xf32, #tpu.memory_space<vmem_shared>> -> memref<10000x128xf32, #tpu.memory_space<vmem_shared>>
      tpu.wait_indirect_dma semaphore(%run_scoped3A_89 : memref<!tpu.dma_semaphore, #tpu.memory_space<semaphore_mem>>) src(%arg9 : memref<125x128xf32, #tpu.memory_space<vmem>>) dst(%dma_wait3A_101 : memref<10000x128xf32, #tpu.memory_space<vmem_shared>>)
      tpu.yield
    }) : () -> ()
    %dma_wait3A_33 = arith.constant 0 : i32
    %dma_wait3A_34 = arith.constant 0 : i32
    %dma_wait3A_35 = tpu.memref_slice %arg7[%dma_wait3A_33, %dma_wait3A_34] : memref<40x125xi32, #tpu.memory_space<vmem>> -> memref<1x125xi32, #tpu.memory_space<vmem>>
    %dma_wait3A_36 = tpu.memref_squeeze %dma_wait3A_35 : memref<1x125xi32, #tpu.memory_space<vmem>> -> memref<125xi32, #tpu.memory_space<vmem>>
    %dma_wait3A_37 = arith.constant 0 : i32
    %dma_wait3A_38 = arith.constant 0 : i32
    %dma_wait3A_39 = tpu.memref_slice %arg2[%dma_wait3A_37, %dma_wait3A_38] : memref<10000x128xf32, #tpu.memory_space<hbm>> -> memref<10000x128xf32, #tpu.memory_space<hbm>>
    tpu.wait_indirect_dma semaphore(%arg13 : memref<!tpu.dma_semaphore, #tpu.memory_space<semaphore_mem>>) src(%dma_wait3A_39 : memref<10000x128xf32, #tpu.memory_space<hbm>>) dst(%arg10 : memref<125x128xf32, #tpu.memory_space<vmem>>)
    %run_scoped3A_40 = arith.constant 39 : i32
    "tpu.region"() ({
      %run_scoped3A_89 = tpu.sem_alloc : memref<!tpu.dma_semaphore, #tpu.memory_space<semaphore_mem>>
      %dma_start3A_90 = arith.constant 0 : i32
      %dma_start3A_91 = tpu.memref_slice %arg8[%run_scoped3A_40, %dma_start3A_90] : memref<40x125xi32, #tpu.memory_space<vmem>> -> memref<1x125xi32, #tpu.memory_space<vmem>>
      %dma_start3A_92 = tpu.memref_squeeze %dma_start3A_91 : memref<1x125xi32, #tpu.memory_space<vmem>> -> memref<125xi32, #tpu.memory_space<vmem>>
      %dma_start3A_93 = arith.constant 0 : i32
      %dma_start3A_94 = arith.constant 0 : i32
      %dma_start3A_95 = tpu.memref_slice %arg11[%dma_start3A_93, %dma_start3A_94] : memref<10000x128xf32, #tpu.memory_space<vmem_shared>> -> memref<10000x128xf32, #tpu.memory_space<vmem_shared>>
      tpu.enqueue_indirect_dma source(%arg10 : memref<125x128xf32, #tpu.memory_space<vmem>>) target(%dma_start3A_95 : memref<10000x128xf32, #tpu.memory_space<vmem_shared>>) offsets(%dma_start3A_92 : memref<125xi32, #tpu.memory_space<vmem>>) semaphore(%run_scoped3A_89 : memref<!tpu.dma_semaphore, #tpu.memory_space<semaphore_mem>>) {add = true}
      %dma_wait3A_96 = arith.constant 0 : i32
      %dma_wait3A_97 = tpu.memref_slice %arg8[%run_scoped3A_40, %dma_wait3A_96] : memref<40x125xi32, #tpu.memory_space<vmem>> -> memref<1x125xi32, #tpu.memory_space<vmem>>
      %dma_wait3A_98 = tpu.memref_squeeze %dma_wait3A_97 : memref<1x125xi32, #tpu.memory_space<vmem>> -> memref<125xi32, #tpu.memory_space<vmem>>
      %dma_wait3A_99 = arith.constant 0 : i32
      %dma_wait3A_100 = arith.constant 0 : i32
      %dma_wait3A_101 = tpu.memref_slice %arg11[%dma_wait3A_99, %dma_wait3A_100] : memref<10000x128xf32, #tpu.memory_space<vmem_shared>> -> memref<10000x128xf32, #tpu.memory_space<vmem_shared>>
      tpu.wait_indirect_dma semaphore(%run_scoped3A_89 : memref<!tpu.dma_semaphore, #tpu.memory_space<semaphore_mem>>) src(%arg10 : memref<125x128xf32, #tpu.memory_space<vmem>>) dst(%dma_wait3A_101 : memref<10000x128xf32, #tpu.memory_space<vmem_shared>>)
      tpu.yield
    }) : () -> ()
    %mul3A_41 = arith.constant 2 : i32
    %mul3A_42 = arith.muli %add3A, %mul3A_41 : i32
    %add3A_43 = arith.constant 1 : i32
    %add3A_44 = arith.addi %mul3A_42, %add3A_43 : i32
    "tpu.region"() ({
      %run_scoped3A_89 = tpu.sem_alloc : memref<!tpu.dma_semaphore, #tpu.memory_space<semaphore_mem>>
      %dma_start3A_90 = arith.constant 0 : i32
      %dma_start3A_91 = arith.constant 0 : i32
      %dma_start3A_92 = tpu.memref_slice %arg3[%add3A_44, %dma_start3A_90, %dma_start3A_91] : memref<64x40x125xi32, #tpu.memory_space<hbm>> -> memref<1x40x125xi32, #tpu.memory_space<hbm>>
      %dma_start3A_93 = tpu.memref_squeeze %dma_start3A_92 : memref<1x40x125xi32, #tpu.memory_space<hbm>> -> memref<40x125xi32, #tpu.memory_space<hbm>>
      %dma_start3A_94 = arith.constant 0 : i32
      %dma_start3A_95 = arith.constant 0 : i32
      %dma_start3A_96 = tpu.memref_slice %arg3[%add3A_44, %dma_start3A_94, %dma_start3A_95] : memref<64x40x125xi32, #tpu.memory_space<hbm>> -> memref<1x40x125xi32, #tpu.memory_space<hbm>>
      %dma_start3A_97 = tpu.memref_squeeze %dma_start3A_96 : memref<1x40x125xi32, #tpu.memory_space<hbm>> -> memref<40x125xi32, #tpu.memory_space<hbm>>
      tpu.enqueue_dma source(%dma_start3A_97 : memref<40x125xi32, #tpu.memory_space<hbm>>) target(%arg7 : memref<40x125xi32, #tpu.memory_space<vmem>>) target_semaphore(%run_scoped3A_89 : memref<!tpu.dma_semaphore, #tpu.memory_space<semaphore_mem>>)
      %dma_wait3A_98 = arith.constant 0 : i32
      %dma_wait3A_99 = arith.constant 0 : i32
      %dma_wait3A_100 = tpu.memref_slice %arg3[%add3A_44, %dma_wait3A_98, %dma_wait3A_99] : memref<64x40x125xi32, #tpu.memory_space<hbm>> -> memref<1x40x125xi32, #tpu.memory_space<hbm>>
      %dma_wait3A_101 = tpu.memref_squeeze %dma_wait3A_100 : memref<1x40x125xi32, #tpu.memory_space<hbm>> -> memref<40x125xi32, #tpu.memory_space<hbm>>
      %dma_wait3A_102 = arith.constant 0 : i32
      %dma_wait3A_103 = arith.constant 0 : i32
      %dma_wait3A_104 = tpu.memref_slice %arg3[%add3A_44, %dma_wait3A_102, %dma_wait3A_103] : memref<64x40x125xi32, #tpu.memory_space<hbm>> -> memref<1x40x125xi32, #tpu.memory_space<hbm>>
      %dma_wait3A_105 = tpu.memref_squeeze %dma_wait3A_104 : memref<1x40x125xi32, #tpu.memory_space<hbm>> -> memref<40x125xi32, #tpu.memory_space<hbm>>
      tpu.wait_dma2 semaphore(%run_scoped3A_89 : memref<!tpu.dma_semaphore, #tpu.memory_space<semaphore_mem>>) src(%dma_wait3A_105 : memref<40x125xi32, #tpu.memory_space<hbm>>) dst(%arg7 : memref<40x125xi32, #tpu.memory_space<vmem>>)
      tpu.yield
    }) : () -> ()
    "tpu.region"() ({
      %run_scoped3A_89 = tpu.sem_alloc : memref<!tpu.dma_semaphore, #tpu.memory_space<semaphore_mem>>
      %dma_start3A_90 = arith.constant 0 : i32
      %dma_start3A_91 = arith.constant 0 : i32
      %dma_start3A_92 = tpu.memref_slice %arg4[%add3A_44, %dma_start3A_90, %dma_start3A_91] : memref<64x40x125xi32, #tpu.memory_space<hbm>> -> memref<1x40x125xi32, #tpu.memory_space<hbm>>
      %dma_start3A_93 = tpu.memref_squeeze %dma_start3A_92 : memref<1x40x125xi32, #tpu.memory_space<hbm>> -> memref<40x125xi32, #tpu.memory_space<hbm>>
      %dma_start3A_94 = arith.constant 0 : i32
      %dma_start3A_95 = arith.constant 0 : i32
      %dma_start3A_96 = tpu.memref_slice %arg4[%add3A_44, %dma_start3A_94, %dma_start3A_95] : memref<64x40x125xi32, #tpu.memory_space<hbm>> -> memref<1x40x125xi32, #tpu.memory_space<hbm>>
      %dma_start3A_97 = tpu.memref_squeeze %dma_start3A_96 : memref<1x40x125xi32, #tpu.memory_space<hbm>> -> memref<40x125xi32, #tpu.memory_space<hbm>>
      tpu.enqueue_dma source(%dma_start3A_97 : memref<40x125xi32, #tpu.memory_space<hbm>>) target(%arg8 : memref<40x125xi32, #tpu.memory_space<vmem>>) target_semaphore(%run_scoped3A_89 : memref<!tpu.dma_semaphore, #tpu.memory_space<semaphore_mem>>)
      %dma_wait3A_98 = arith.constant 0 : i32
      %dma_wait3A_99 = arith.constant 0 : i32
      %dma_wait3A_100 = tpu.memref_slice %arg4[%add3A_44, %dma_wait3A_98, %dma_wait3A_99] : memref<64x40x125xi32, #tpu.memory_space<hbm>> -> memref<1x40x125xi32, #tpu.memory_space<hbm>>
      %dma_wait3A_101 = tpu.memref_squeeze %dma_wait3A_100 : memref<1x40x125xi32, #tpu.memory_space<hbm>> -> memref<40x125xi32, #tpu.memory_space<hbm>>
      %dma_wait3A_102 = arith.constant 0 : i32
      %dma_wait3A_103 = arith.constant 0 : i32
      %dma_wait3A_104 = tpu.memref_slice %arg4[%add3A_44, %dma_wait3A_102, %dma_wait3A_103] : memref<64x40x125xi32, #tpu.memory_space<hbm>> -> memref<1x40x125xi32, #tpu.memory_space<hbm>>
      %dma_wait3A_105 = tpu.memref_squeeze %dma_wait3A_104 : memref<1x40x125xi32, #tpu.memory_space<hbm>> -> memref<40x125xi32, #tpu.memory_space<hbm>>
      tpu.wait_dma2 semaphore(%run_scoped3A_89 : memref<!tpu.dma_semaphore, #tpu.memory_space<semaphore_mem>>) src(%dma_wait3A_105 : memref<40x125xi32, #tpu.memory_space<hbm>>) dst(%arg8 : memref<40x125xi32, #tpu.memory_space<vmem>>)
      tpu.yield
    }) : () -> ()
    %dma_start3A_45 = arith.constant 0 : i32
    %dma_start3A_46 = arith.constant 0 : i32
    %dma_start3A_47 = tpu.memref_slice %arg7[%dma_start3A_45, %dma_start3A_46] : memref<40x125xi32, #tpu.memory_space<vmem>> -> memref<1x125xi32, #tpu.memory_space<vmem>>
    %dma_start3A_48 = tpu.memref_squeeze %dma_start3A_47 : memref<1x125xi32, #tpu.memory_space<vmem>> -> memref<125xi32, #tpu.memory_space<vmem>>
    %dma_start3A_49 = arith.constant 0 : i32
    %dma_start3A_50 = arith.constant 0 : i32
    %dma_start3A_51 = tpu.memref_slice %arg2[%dma_start3A_49, %dma_start3A_50] : memref<10000x128xf32, #tpu.memory_space<hbm>> -> memref<10000x128xf32, #tpu.memory_space<hbm>>
    tpu.enqueue_indirect_dma source(%dma_start3A_51 : memref<10000x128xf32, #tpu.memory_space<hbm>>) target(%arg9 : memref<125x128xf32, #tpu.memory_space<vmem>>) offsets(%dma_start3A_48 : memref<125xi32, #tpu.memory_space<vmem>>) semaphore(%arg12 : memref<!tpu.dma_semaphore, #tpu.memory_space<semaphore_mem>>)
    %dma_start3A_52 = arith.constant 1 : i32
    %dma_start3A_53 = arith.constant 0 : i32
    %dma_start3A_54 = tpu.memref_slice %arg7[%dma_start3A_52, %dma_start3A_53] : memref<40x125xi32, #tpu.memory_space<vmem>> -> memref<1x125xi32, #tpu.memory_space<vmem>>
    %dma_start3A_55 = tpu.memref_squeeze %dma_start3A_54 : memref<1x125xi32, #tpu.memory_space<vmem>> -> memref<125xi32, #tpu.memory_space<vmem>>
    %dma_start3A_56 = arith.constant 0 : i32
    %dma_start3A_57 = arith.constant 0 : i32
    %dma_start3A_58 = tpu.memref_slice %arg2[%dma_start3A_56, %dma_start3A_57] : memref<10000x128xf32, #tpu.memory_space<hbm>> -> memref<10000x128xf32, #tpu.memory_space<hbm>>
    tpu.enqueue_indirect_dma source(%dma_start3A_58 : memref<10000x128xf32, #tpu.memory_space<hbm>>) target(%arg10 : memref<125x128xf32, #tpu.memory_space<vmem>>) offsets(%dma_start3A_55 : memref<125xi32, #tpu.memory_space<vmem>>) semaphore(%arg13 : memref<!tpu.dma_semaphore, #tpu.memory_space<semaphore_mem>>)
    %scan3A_59 = arith.constant 0 : i32
    %scan3A_60 = arith.constant 0 : i32
    %scan3A_61 = arith.constant 19 : i32
    %scan3A_62 = arith.addi %scan3A_60, %scan3A_61 : i32
    %scan3A_63 = arith.constant 1 : i32
    scf.for %scan3A_89 = %scan3A_60 to %scan3A_62 step %scan3A_63  : i32 {
      %mul3A_90 = arith.constant 2 : i32
      %mul3A_91 = arith.muli %mul3A_90, %scan3A_89 : i32
      %dma_wait3A_92 = arith.constant 0 : i32
      %dma_wait3A_93 = arith.constant 0 : i32
      %dma_wait3A_94 = tpu.memref_slice %arg7[%dma_wait3A_92, %dma_wait3A_93] : memref<40x125xi32, #tpu.memory_space<vmem>> -> memref<1x125xi32, #tpu.memory_space<vmem>>
      %dma_wait3A_95 = tpu.memref_squeeze %dma_wait3A_94 : memref<1x125xi32, #tpu.memory_space<vmem>> -> memref<125xi32, #tpu.memory_space<vmem>>
      %dma_wait3A_96 = arith.constant 0 : i32
      %dma_wait3A_97 = arith.constant 0 : i32
      %dma_wait3A_98 = tpu.memref_slice %arg2[%dma_wait3A_96, %dma_wait3A_97] : memref<10000x128xf32, #tpu.memory_space<hbm>> -> memref<10000x128xf32, #tpu.memory_space<hbm>>
      tpu.wait_indirect_dma semaphore(%arg12 : memref<!tpu.dma_semaphore, #tpu.memory_space<semaphore_mem>>) src(%dma_wait3A_98 : memref<10000x128xf32, #tpu.memory_space<hbm>>) dst(%arg9 : memref<125x128xf32, #tpu.memory_space<vmem>>)
      "tpu.region"() ({
        %run_scoped3A_124 = tpu.sem_alloc : memref<!tpu.dma_semaphore, #tpu.memory_space<semaphore_mem>>
        %dma_start3A_125 = arith.constant 0 : i32
        %dma_start3A_126 = tpu.memref_slice %arg8[%mul3A_91, %dma_start3A_125] : memref<40x125xi32, #tpu.memory_space<vmem>> -> memref<1x125xi32, #tpu.memory_space<vmem>>
        %dma_start3A_127 = tpu.memref_squeeze %dma_start3A_126 : memref<1x125xi32, #tpu.memory_space<vmem>> -> memref<125xi32, #tpu.memory_space<vmem>>
        %dma_start3A_128 = arith.constant 0 : i32
        %dma_start3A_129 = arith.constant 0 : i32
        %dma_start3A_130 = tpu.memref_slice %arg11[%dma_start3A_128, %dma_start3A_129] : memref<10000x128xf32, #tpu.memory_space<vmem_shared>> -> memref<10000x128xf32, #tpu.memory_space<vmem_shared>>
        tpu.enqueue_indirect_dma source(%arg9 : memref<125x128xf32, #tpu.memory_space<vmem>>) target(%dma_start3A_130 : memref<10000x128xf32, #tpu.memory_space<vmem_shared>>) offsets(%dma_start3A_127 : memref<125xi32, #tpu.memory_space<vmem>>) semaphore(%run_scoped3A_124 : memref<!tpu.dma_semaphore, #tpu.memory_space<semaphore_mem>>) {add = true}
        %dma_wait3A_131 = arith.constant 0 : i32
        %dma_wait3A_132 = tpu.memref_slice %arg8[%mul3A_91, %dma_wait3A_131] : memref<40x125xi32, #tpu.memory_space<vmem>> -> memref<1x125xi32, #tpu.memory_space<vmem>>
        %dma_wait3A_133 = tpu.memref_squeeze %dma_wait3A_132 : memref<1x125xi32, #tpu.memory_space<vmem>> -> memref<125xi32, #tpu.memory_space<vmem>>
        %dma_wait3A_134 = arith.constant 0 : i32
        %dma_wait3A_135 = arith.constant 0 : i32
        %dma_wait3A_136 = tpu.memref_slice %arg11[%dma_wait3A_134, %dma_wait3A_135] : memref<10000x128xf32, #tpu.memory_space<vmem_shared>> -> memref<10000x128xf32, #tpu.memory_space<vmem_shared>>
        tpu.wait_indirect_dma semaphore(%run_scoped3A_124 : memref<!tpu.dma_semaphore, #tpu.memory_space<semaphore_mem>>) src(%arg9 : memref<125x128xf32, #tpu.memory_space<vmem>>) dst(%dma_wait3A_136 : memref<10000x128xf32, #tpu.memory_space<vmem_shared>>)
        tpu.yield
      }) : () -> ()
      %add3A_99 = arith.constant 2 : i32
      %add3A_100 = arith.addi %mul3A_91, %add3A_99 : i32
      %dma_start3A_101 = arith.constant 0 : i32
      %dma_start3A_102 = tpu.memref_slice %arg7[%add3A_100, %dma_start3A_101] : memref<40x125xi32, #tpu.memory_space<vmem>> -> memref<1x125xi32, #tpu.memory_space<vmem>>
      %dma_start3A_103 = tpu.memref_squeeze %dma_start3A_102 : memref<1x125xi32, #tpu.memory_space<vmem>> -> memref<125xi32, #tpu.memory_space<vmem>>
      %dma_start3A_104 = arith.constant 0 : i32
      %dma_start3A_105 = arith.constant 0 : i32
      %dma_start3A_106 = tpu.memref_slice %arg2[%dma_start3A_104, %dma_start3A_105] : memref<10000x128xf32, #tpu.memory_space<hbm>> -> memref<10000x128xf32, #tpu.memory_space<hbm>>
      tpu.enqueue_indirect_dma source(%dma_start3A_106 : memref<10000x128xf32, #tpu.memory_space<hbm>>) target(%arg9 : memref<125x128xf32, #tpu.memory_space<vmem>>) offsets(%dma_start3A_103 : memref<125xi32, #tpu.memory_space<vmem>>) semaphore(%arg12 : memref<!tpu.dma_semaphore, #tpu.memory_space<semaphore_mem>>)
      %dma_wait3A_107 = arith.constant 0 : i32
      %dma_wait3A_108 = arith.constant 0 : i32
      %dma_wait3A_109 = tpu.memref_slice %arg7[%dma_wait3A_107, %dma_wait3A_108] : memref<40x125xi32, #tpu.memory_space<vmem>> -> memref<1x125xi32, #tpu.memory_space<vmem>>
      %dma_wait3A_110 = tpu.memref_squeeze %dma_wait3A_109 : memref<1x125xi32, #tpu.memory_space<vmem>> -> memref<125xi32, #tpu.memory_space<vmem>>
      %dma_wait3A_111 = arith.constant 0 : i32
      %dma_wait3A_112 = arith.constant 0 : i32
      %dma_wait3A_113 = tpu.memref_slice %arg2[%dma_wait3A_111, %dma_wait3A_112] : memref<10000x128xf32, #tpu.memory_space<hbm>> -> memref<10000x128xf32, #tpu.memory_space<hbm>>
      tpu.wait_indirect_dma semaphore(%arg13 : memref<!tpu.dma_semaphore, #tpu.memory_space<semaphore_mem>>) src(%dma_wait3A_113 : memref<10000x128xf32, #tpu.memory_space<hbm>>) dst(%arg10 : memref<125x128xf32, #tpu.memory_space<vmem>>)
      %add3A_114 = arith.constant 1 : i32
      %add3A_115 = arith.addi %mul3A_91, %add3A_114 : i32
      "tpu.region"() ({
        %run_scoped3A_124 = tpu.sem_alloc : memref<!tpu.dma_semaphore, #tpu.memory_space<semaphore_mem>>
        %dma_start3A_125 = arith.constant 0 : i32
        %dma_start3A_126 = tpu.memref_slice %arg8[%add3A_115, %dma_start3A_125] : memref<40x125xi32, #tpu.memory_space<vmem>> -> memref<1x125xi32, #tpu.memory_space<vmem>>
        %dma_start3A_127 = tpu.memref_squeeze %dma_start3A_126 : memref<1x125xi32, #tpu.memory_space<vmem>> -> memref<125xi32, #tpu.memory_space<vmem>>
        %dma_start3A_128 = arith.constant 0 : i32
        %dma_start3A_129 = arith.constant 0 : i32
        %dma_start3A_130 = tpu.memref_slice %arg11[%dma_start3A_128, %dma_start3A_129] : memref<10000x128xf32, #tpu.memory_space<vmem_shared>> -> memref<10000x128xf32, #tpu.memory_space<vmem_shared>>
        tpu.enqueue_indirect_dma source(%arg10 : memref<125x128xf32, #tpu.memory_space<vmem>>) target(%dma_start3A_130 : memref<10000x128xf32, #tpu.memory_space<vmem_shared>>) offsets(%dma_start3A_127 : memref<125xi32, #tpu.memory_space<vmem>>) semaphore(%run_scoped3A_124 : memref<!tpu.dma_semaphore, #tpu.memory_space<semaphore_mem>>) {add = true}
        %dma_wait3A_131 = arith.constant 0 : i32
        %dma_wait3A_132 = tpu.memref_slice %arg8[%add3A_115, %dma_wait3A_131] : memref<40x125xi32, #tpu.memory_space<vmem>> -> memref<1x125xi32, #tpu.memory_space<vmem>>
        %dma_wait3A_133 = tpu.memref_squeeze %dma_wait3A_132 : memref<1x125xi32, #tpu.memory_space<vmem>> -> memref<125xi32, #tpu.memory_space<vmem>>
        %dma_wait3A_134 = arith.constant 0 : i32
        %dma_wait3A_135 = arith.constant 0 : i32
        %dma_wait3A_136 = tpu.memref_slice %arg11[%dma_wait3A_134, %dma_wait3A_135] : memref<10000x128xf32, #tpu.memory_space<vmem_shared>> -> memref<10000x128xf32, #tpu.memory_space<vmem_shared>>
        tpu.wait_indirect_dma semaphore(%run_scoped3A_124 : memref<!tpu.dma_semaphore, #tpu.memory_space<semaphore_mem>>) src(%arg10 : memref<125x128xf32, #tpu.memory_space<vmem>>) dst(%dma_wait3A_136 : memref<10000x128xf32, #tpu.memory_space<vmem_shared>>)
        tpu.yield
      }) : () -> ()
      %add3A_116 = arith.constant 3 : i32
      %add3A_117 = arith.addi %mul3A_91, %add3A_116 : i32
      %dma_start3A_118 = arith.constant 0 : i32
      %dma_start3A_119 = tpu.memref_slice %arg7[%add3A_117, %dma_start3A_118] : memref<40x125xi32, #tpu.memory_space<vmem>> -> memref<1x125xi32, #tpu.memory_space<vmem>>
      %dma_start3A_120 = tpu.memref_squeeze %dma_start3A_119 : memref<1x125xi32, #tpu.memory_space<vmem>> -> memref<125xi32, #tpu.memory_space<vmem>>
      %dma_start3A_121 = arith.constant 0 : i32
      %dma_start3A_122 = arith.constant 0 : i32
      %dma_start3A_123 = tpu.memref_slice %arg2[%dma_start3A_121, %dma_start3A_122] : memref<10000x128xf32, #tpu.memory_space<hbm>> -> memref<10000x128xf32, #tpu.memory_space<hbm>>
      tpu.enqueue_indirect_dma source(%dma_start3A_123 : memref<10000x128xf32, #tpu.memory_space<hbm>>) target(%arg10 : memref<125x128xf32, #tpu.memory_space<vmem>>) offsets(%dma_start3A_120 : memref<125xi32, #tpu.memory_space<vmem>>) semaphore(%arg13 : memref<!tpu.dma_semaphore, #tpu.memory_space<semaphore_mem>>)
    }
    %scan3A_64 = arith.constant 19 : i32
    %dma_wait3A_65 = arith.constant 0 : i32
    %dma_wait3A_66 = arith.constant 0 : i32
    %dma_wait3A_67 = tpu.memref_slice %arg7[%dma_wait3A_65, %dma_wait3A_66] : memref<40x125xi32, #tpu.memory_space<vmem>> -> memref<1x125xi32, #tpu.memory_space<vmem>>
    %dma_wait3A_68 = tpu.memref_squeeze %dma_wait3A_67 : memref<1x125xi32, #tpu.memory_space<vmem>> -> memref<125xi32, #tpu.memory_space<vmem>>
    %dma_wait3A_69 = arith.constant 0 : i32
    %dma_wait3A_70 = arith.constant 0 : i32
    %dma_wait3A_71 = tpu.memref_slice %arg2[%dma_wait3A_69, %dma_wait3A_70] : memref<10000x128xf32, #tpu.memory_space<hbm>> -> memref<10000x128xf32, #tpu.memory_space<hbm>>
    tpu.wait_indirect_dma semaphore(%arg12 : memref<!tpu.dma_semaphore, #tpu.memory_space<semaphore_mem>>) src(%dma_wait3A_71 : memref<10000x128xf32, #tpu.memory_space<hbm>>) dst(%arg9 : memref<125x128xf32, #tpu.memory_space<vmem>>)
    %run_scoped3A_72 = arith.constant 38 : i32
    "tpu.region"() ({
      %run_scoped3A_89 = tpu.sem_alloc : memref<!tpu.dma_semaphore, #tpu.memory_space<semaphore_mem>>
      %dma_start3A_90 = arith.constant 0 : i32
      %dma_start3A_91 = tpu.memref_slice %arg8[%run_scoped3A_72, %dma_start3A_90] : memref<40x125xi32, #tpu.memory_space<vmem>> -> memref<1x125xi32, #tpu.memory_space<vmem>>
      %dma_start3A_92 = tpu.memref_squeeze %dma_start3A_91 : memref<1x125xi32, #tpu.memory_space<vmem>> -> memref<125xi32, #tpu.memory_space<vmem>>
      %dma_start3A_93 = arith.constant 0 : i32
      %dma_start3A_94 = arith.constant 0 : i32
      %dma_start3A_95 = tpu.memref_slice %arg11[%dma_start3A_93, %dma_start3A_94] : memref<10000x128xf32, #tpu.memory_space<vmem_shared>> -> memref<10000x128xf32, #tpu.memory_space<vmem_shared>>
      tpu.enqueue_indirect_dma source(%arg9 : memref<125x128xf32, #tpu.memory_space<vmem>>) target(%dma_start3A_95 : memref<10000x128xf32, #tpu.memory_space<vmem_shared>>) offsets(%dma_start3A_92 : memref<125xi32, #tpu.memory_space<vmem>>) semaphore(%run_scoped3A_89 : memref<!tpu.dma_semaphore, #tpu.memory_space<semaphore_mem>>) {add = true}
      %dma_wait3A_96 = arith.constant 0 : i32
      %dma_wait3A_97 = tpu.memref_slice %arg8[%run_scoped3A_72, %dma_wait3A_96] : memref<40x125xi32, #tpu.memory_space<vmem>> -> memref<1x125xi32, #tpu.memory_space<vmem>>
      %dma_wait3A_98 = tpu.memref_squeeze %dma_wait3A_97 : memref<1x125xi32, #tpu.memory_space<vmem>> -> memref<125xi32, #tpu.memory_space<vmem>>
      %dma_wait3A_99 = arith.constant 0 : i32
      %dma_wait3A_100 = arith.constant 0 : i32
      %dma_wait3A_101 = tpu.memref_slice %arg11[%dma_wait3A_99, %dma_wait3A_100] : memref<10000x128xf32, #tpu.memory_space<vmem_shared>> -> memref<10000x128xf32, #tpu.memory_space<vmem_shared>>
      tpu.wait_indirect_dma semaphore(%run_scoped3A_89 : memref<!tpu.dma_semaphore, #tpu.memory_space<semaphore_mem>>) src(%arg9 : memref<125x128xf32, #tpu.memory_space<vmem>>) dst(%dma_wait3A_101 : memref<10000x128xf32, #tpu.memory_space<vmem_shared>>)
      tpu.yield
    }) : () -> ()
    %dma_wait3A_73 = arith.constant 0 : i32
    %dma_wait3A_74 = arith.constant 0 : i32
    %dma_wait3A_75 = tpu.memref_slice %arg7[%dma_wait3A_73, %dma_wait3A_74] : memref<40x125xi32, #tpu.memory_space<vmem>> -> memref<1x125xi32, #tpu.memory_space<vmem>>
    %dma_wait3A_76 = tpu.memref_squeeze %dma_wait3A_75 : memref<1x125xi32, #tpu.memory_space<vmem>> -> memref<125xi32, #tpu.memory_space<vmem>>
    %dma_wait3A_77 = arith.constant 0 : i32
    %dma_wait3A_78 = arith.constant 0 : i32
    %dma_wait3A_79 = tpu.memref_slice %arg2[%dma_wait3A_77, %dma_wait3A_78] : memref<10000x128xf32, #tpu.memory_space<hbm>> -> memref<10000x128xf32, #tpu.memory_space<hbm>>
    tpu.wait_indirect_dma semaphore(%arg13 : memref<!tpu.dma_semaphore, #tpu.memory_space<semaphore_mem>>) src(%dma_wait3A_79 : memref<10000x128xf32, #tpu.memory_space<hbm>>) dst(%arg10 : memref<125x128xf32, #tpu.memory_space<vmem>>)
    %run_scoped3A_80 = arith.constant 39 : i32
    "tpu.region"() ({
      %run_scoped3A_89 = tpu.sem_alloc : memref<!tpu.dma_semaphore, #tpu.memory_space<semaphore_mem>>
      %dma_start3A_90 = arith.constant 0 : i32
      %dma_start3A_91 = tpu.memref_slice %arg8[%run_scoped3A_80, %dma_start3A_90] : memref<40x125xi32, #tpu.memory_space<vmem>> -> memref<1x125xi32, #tpu.memory_space<vmem>>
      %dma_start3A_92 = tpu.memref_squeeze %dma_start3A_91 : memref<1x125xi32, #tpu.memory_space<vmem>> -> memref<125xi32, #tpu.memory_space<vmem>>
      %dma_start3A_93 = arith.constant 0 : i32
      %dma_start3A_94 = arith.constant 0 : i32
      %dma_start3A_95 = tpu.memref_slice %arg11[%dma_start3A_93, %dma_start3A_94] : memref<10000x128xf32, #tpu.memory_space<vmem_shared>> -> memref<10000x128xf32, #tpu.memory_space<vmem_shared>>
      tpu.enqueue_indirect_dma source(%arg10 : memref<125x128xf32, #tpu.memory_space<vmem>>) target(%dma_start3A_95 : memref<10000x128xf32, #tpu.memory_space<vmem_shared>>) offsets(%dma_start3A_92 : memref<125xi32, #tpu.memory_space<vmem>>) semaphore(%run_scoped3A_89 : memref<!tpu.dma_semaphore, #tpu.memory_space<semaphore_mem>>) {add = true}
      %dma_wait3A_96 = arith.constant 0 : i32
      %dma_wait3A_97 = tpu.memref_slice %arg8[%run_scoped3A_80, %dma_wait3A_96] : memref<40x125xi32, #tpu.memory_space<vmem>> -> memref<1x125xi32, #tpu.memory_space<vmem>>
      %dma_wait3A_98 = tpu.memref_squeeze %dma_wait3A_97 : memref<1x125xi32, #tpu.memory_space<vmem>> -> memref<125xi32, #tpu.memory_space<vmem>>
      %dma_wait3A_99 = arith.constant 0 : i32
      %dma_wait3A_100 = arith.constant 0 : i32
      %dma_wait3A_101 = tpu.memref_slice %arg11[%dma_wait3A_99, %dma_wait3A_100] : memref<10000x128xf32, #tpu.memory_space<vmem_shared>> -> memref<10000x128xf32, #tpu.memory_space<vmem_shared>>
      tpu.wait_indirect_dma semaphore(%run_scoped3A_89 : memref<!tpu.dma_semaphore, #tpu.memory_space<semaphore_mem>>) src(%arg10 : memref<125x128xf32, #tpu.memory_space<vmem>>) dst(%dma_wait3A_101 : memref<10000x128xf32, #tpu.memory_space<vmem_shared>>)
      tpu.yield
    }) : () -> ()
    %barrier3A_81 = arith.constant 0 : index
    tpu.barrier barrier_id(%barrier3A_81)
    %mul3A_82 = arith.constant 624 : i32
    %mul3A_83 = arith.muli %arg1, %mul3A_82 : i32
    %mul3A_84 = arith.constant 10000 : i32
    %mul3A_85 = arith.muli %arg0, %mul3A_84 : i32
    %mul3A_86 = arith.constant 624 : i32
    %mul3A_87 = arith.muli %arg1, %mul3A_86 : i32
    %add3A_88 = arith.addi %mul3A_85, %mul3A_87 : i32
    "tpu.region"() ({
      %run_scoped3A_89 = tpu.sem_alloc : memref<!tpu.dma_semaphore, #tpu.memory_space<semaphore_mem>>
      %dma_start3A_90 = arith.constant 0 : i32
      %dma_start3A_91 = tpu.memref_slice %arg6[%add3A_88, %dma_start3A_90] : memref<20000x128xf32, #tpu.memory_space<hbm>> -> memref<640x128xf32, #tpu.memory_space<hbm>>
      %dma_start3A_92 = arith.constant 0 : i32
      %dma_start3A_93 = tpu.memref_slice %arg11[%mul3A_83, %dma_start3A_92] : memref<10000x128xf32, #tpu.memory_space<vmem_shared>> -> memref<640x128xf32, #tpu.memory_space<vmem_shared>>
      tpu.enqueue_dma source(%dma_start3A_93 : memref<640x128xf32, #tpu.memory_space<vmem_shared>>) target(%dma_start3A_91 : memref<640x128xf32, #tpu.memory_space<hbm>>) target_semaphore(%run_scoped3A_89 : memref<!tpu.dma_semaphore, #tpu.memory_space<semaphore_mem>>)
      %dma_wait3A_94 = arith.constant 0 : i32
      %dma_wait3A_95 = tpu.memref_slice %arg6[%add3A_88, %dma_wait3A_94] : memref<20000x128xf32, #tpu.memory_space<hbm>> -> memref<640x128xf32, #tpu.memory_space<hbm>>
      %dma_wait3A_96 = arith.constant 0 : i32
      %dma_wait3A_97 = tpu.memref_slice %arg11[%mul3A_83, %dma_wait3A_96] : memref<10000x128xf32, #tpu.memory_space<vmem_shared>> -> memref<640x128xf32, #tpu.memory_space<vmem_shared>>
      tpu.wait_dma2 semaphore(%run_scoped3A_89 : memref<!tpu.dma_semaphore, #tpu.memory_space<semaphore_mem>>) src(%dma_wait3A_97 : memref<640x128xf32, #tpu.memory_space<vmem_shared>>) dst(%dma_wait3A_95 : memref<640x128xf32, #tpu.memory_space<hbm>>)
      tpu.yield
    }) : () -> ()
    return
  }
}

#map = affine_map<(d0, d1) -> (0, 0)>
#map1 = affine_map<(d0, d1) -> (0, 0, 0)>
module attributes {stable_mosaic.version = 14 : i64} {
  func.func @_agg1_body(%arg0: i32, %arg1: i32, %arg2: memref<20000x128xf32, #tpu.memory_space<hbm>>, %arg3: memref<128x40x125xi32, #tpu.memory_space<hbm>>, %arg4: memref<64x40x125xi32, #tpu.memory_space<hbm>>, %arg5: memref<10000x128xf32, #tpu.memory_space<hbm>>, %arg6: memref<20000x128xf32, #tpu.memory_space<hbm>>, %arg7: memref<40x125xi32, #tpu.memory_space<vmem>>, %arg8: memref<40x125xi32, #tpu.memory_space<vmem>>, %arg9: memref<125x128xf32, #tpu.memory_space<vmem>>, %arg10: memref<125x128xf32, #tpu.memory_space<vmem>>, %arg11: memref<10000x128xf32, #tpu.memory_space<vmem_shared>>, %arg12: memref<!tpu.dma_semaphore, #tpu.memory_space<semaphore_mem>>, %arg13: memref<!tpu.dma_semaphore, #tpu.memory_space<semaphore_mem>>) attributes {dimension_semantics = [#tpu.dimension_semantics<core_parallel>, #tpu.dimension_semantics<subcore_parallel>], iteration_bounds = array<i64: 2, 16>, scalar_prefetch = 0 : i64, scratch_operands = 7 : i64, tpu.core_type = #tpu.core_type<sc_vector_subcore>, window_params = [{transform_indices = #map}, {transform_indices = #map1}, {transform_indices = #map1}, {transform_indices = #map}, {transform_indices = #map}]} {
    %mul3A = arith.constant 624 : i32
    %mul3A_0 = arith.muli %arg1, %mul3A : i32
    %mul3A_1 = arith.constant 624 : i32
    %mul3A_2 = arith.muli %arg1, %mul3A_1 : i32
    "tpu.region"() ({
      %run_scoped3A_178 = tpu.sem_alloc : memref<!tpu.dma_semaphore, #tpu.memory_space<semaphore_mem>>
      %dma_start3A_179 = arith.constant 0 : i32
      %dma_start3A_180 = tpu.memref_slice %arg11[%mul3A_2, %dma_start3A_179] : memref<10000x128xf32, #tpu.memory_space<vmem_shared>> -> memref<640x128xf32, #tpu.memory_space<vmem_shared>>
      %dma_start3A_181 = arith.constant 0 : i32
      %dma_start3A_182 = tpu.memref_slice %arg5[%mul3A_0, %dma_start3A_181] : memref<10000x128xf32, #tpu.memory_space<hbm>> -> memref<640x128xf32, #tpu.memory_space<hbm>>
      tpu.enqueue_dma source(%dma_start3A_182 : memref<640x128xf32, #tpu.memory_space<hbm>>) target(%dma_start3A_180 : memref<640x128xf32, #tpu.memory_space<vmem_shared>>) target_semaphore(%run_scoped3A_178 : memref<!tpu.dma_semaphore, #tpu.memory_space<semaphore_mem>>)
      %dma_wait3A_183 = arith.constant 0 : i32
      %dma_wait3A_184 = tpu.memref_slice %arg11[%mul3A_2, %dma_wait3A_183] : memref<10000x128xf32, #tpu.memory_space<vmem_shared>> -> memref<640x128xf32, #tpu.memory_space<vmem_shared>>
      %dma_wait3A_185 = arith.constant 0 : i32
      %dma_wait3A_186 = tpu.memref_slice %arg5[%mul3A_0, %dma_wait3A_185] : memref<10000x128xf32, #tpu.memory_space<hbm>> -> memref<640x128xf32, #tpu.memory_space<hbm>>
      tpu.wait_dma2 semaphore(%run_scoped3A_178 : memref<!tpu.dma_semaphore, #tpu.memory_space<semaphore_mem>>) src(%dma_wait3A_186 : memref<640x128xf32, #tpu.memory_space<hbm>>) dst(%dma_wait3A_184 : memref<640x128xf32, #tpu.memory_space<vmem_shared>>)
      tpu.yield
    }) : () -> ()
    %barrier3A = arith.constant 0 : index
    tpu.barrier barrier_id(%barrier3A)
    %mul3A_3 = arith.constant 4 : i32
    %mul3A_4 = arith.muli %arg1, %mul3A_3 : i32
    %add3A = arith.constant 0 : i32
    %add3A_5 = arith.addi %mul3A_4, %add3A : i32
    %mul3A_6 = arith.constant 64 : i32
    %mul3A_7 = arith.muli %arg0, %mul3A_6 : i32
    %add3A_8 = arith.addi %mul3A_7, %add3A_5 : i32
    "tpu.region"() ({
      %run_scoped3A_178 = tpu.sem_alloc : memref<!tpu.dma_semaphore, #tpu.memory_space<semaphore_mem>>
      %dma_start3A_179 = arith.constant 0 : i32
      %dma_start3A_180 = arith.constant 0 : i32
      %dma_start3A_181 = tpu.memref_slice %arg3[%add3A_8, %dma_start3A_179, %dma_start3A_180] : memref<128x40x125xi32, #tpu.memory_space<hbm>> -> memref<1x40x125xi32, #tpu.memory_space<hbm>>
      %dma_start3A_182 = tpu.memref_squeeze %dma_start3A_181 : memref<1x40x125xi32, #tpu.memory_space<hbm>> -> memref<40x125xi32, #tpu.memory_space<hbm>>
      %dma_start3A_183 = arith.constant 0 : i32
      %dma_start3A_184 = arith.constant 0 : i32
      %dma_start3A_185 = tpu.memref_slice %arg3[%add3A_8, %dma_start3A_183, %dma_start3A_184] : memref<128x40x125xi32, #tpu.memory_space<hbm>> -> memref<1x40x125xi32, #tpu.memory_space<hbm>>
      %dma_start3A_186 = tpu.memref_squeeze %dma_start3A_185 : memref<1x40x125xi32, #tpu.memory_space<hbm>> -> memref<40x125xi32, #tpu.memory_space<hbm>>
      tpu.enqueue_dma source(%dma_start3A_186 : memref<40x125xi32, #tpu.memory_space<hbm>>) target(%arg7 : memref<40x125xi32, #tpu.memory_space<vmem>>) target_semaphore(%run_scoped3A_178 : memref<!tpu.dma_semaphore, #tpu.memory_space<semaphore_mem>>)
      %dma_wait3A_187 = arith.constant 0 : i32
      %dma_wait3A_188 = arith.constant 0 : i32
      %dma_wait3A_189 = tpu.memref_slice %arg3[%add3A_8, %dma_wait3A_187, %dma_wait3A_188] : memref<128x40x125xi32, #tpu.memory_space<hbm>> -> memref<1x40x125xi32, #tpu.memory_space<hbm>>
      %dma_wait3A_190 = tpu.memref_squeeze %dma_wait3A_189 : memref<1x40x125xi32, #tpu.memory_space<hbm>> -> memref<40x125xi32, #tpu.memory_space<hbm>>
      %dma_wait3A_191 = arith.constant 0 : i32
      %dma_wait3A_192 = arith.constant 0 : i32
      %dma_wait3A_193 = tpu.memref_slice %arg3[%add3A_8, %dma_wait3A_191, %dma_wait3A_192] : memref<128x40x125xi32, #tpu.memory_space<hbm>> -> memref<1x40x125xi32, #tpu.memory_space<hbm>>
      %dma_wait3A_194 = tpu.memref_squeeze %dma_wait3A_193 : memref<1x40x125xi32, #tpu.memory_space<hbm>> -> memref<40x125xi32, #tpu.memory_space<hbm>>
      tpu.wait_dma2 semaphore(%run_scoped3A_178 : memref<!tpu.dma_semaphore, #tpu.memory_space<semaphore_mem>>) src(%dma_wait3A_194 : memref<40x125xi32, #tpu.memory_space<hbm>>) dst(%arg7 : memref<40x125xi32, #tpu.memory_space<vmem>>)
      tpu.yield
    }) : () -> ()
    "tpu.region"() ({
      %run_scoped3A_178 = tpu.sem_alloc : memref<!tpu.dma_semaphore, #tpu.memory_space<semaphore_mem>>
      %dma_start3A_179 = arith.constant 0 : i32
      %dma_start3A_180 = arith.constant 0 : i32
      %dma_start3A_181 = tpu.memref_slice %arg4[%add3A_5, %dma_start3A_179, %dma_start3A_180] : memref<64x40x125xi32, #tpu.memory_space<hbm>> -> memref<1x40x125xi32, #tpu.memory_space<hbm>>
      %dma_start3A_182 = tpu.memref_squeeze %dma_start3A_181 : memref<1x40x125xi32, #tpu.memory_space<hbm>> -> memref<40x125xi32, #tpu.memory_space<hbm>>
      %dma_start3A_183 = arith.constant 0 : i32
      %dma_start3A_184 = arith.constant 0 : i32
      %dma_start3A_185 = tpu.memref_slice %arg4[%add3A_5, %dma_start3A_183, %dma_start3A_184] : memref<64x40x125xi32, #tpu.memory_space<hbm>> -> memref<1x40x125xi32, #tpu.memory_space<hbm>>
      %dma_start3A_186 = tpu.memref_squeeze %dma_start3A_185 : memref<1x40x125xi32, #tpu.memory_space<hbm>> -> memref<40x125xi32, #tpu.memory_space<hbm>>
      tpu.enqueue_dma source(%dma_start3A_186 : memref<40x125xi32, #tpu.memory_space<hbm>>) target(%arg8 : memref<40x125xi32, #tpu.memory_space<vmem>>) target_semaphore(%run_scoped3A_178 : memref<!tpu.dma_semaphore, #tpu.memory_space<semaphore_mem>>)
      %dma_wait3A_187 = arith.constant 0 : i32
      %dma_wait3A_188 = arith.constant 0 : i32
      %dma_wait3A_189 = tpu.memref_slice %arg4[%add3A_5, %dma_wait3A_187, %dma_wait3A_188] : memref<64x40x125xi32, #tpu.memory_space<hbm>> -> memref<1x40x125xi32, #tpu.memory_space<hbm>>
      %dma_wait3A_190 = tpu.memref_squeeze %dma_wait3A_189 : memref<1x40x125xi32, #tpu.memory_space<hbm>> -> memref<40x125xi32, #tpu.memory_space<hbm>>
      %dma_wait3A_191 = arith.constant 0 : i32
      %dma_wait3A_192 = arith.constant 0 : i32
      %dma_wait3A_193 = tpu.memref_slice %arg4[%add3A_5, %dma_wait3A_191, %dma_wait3A_192] : memref<64x40x125xi32, #tpu.memory_space<hbm>> -> memref<1x40x125xi32, #tpu.memory_space<hbm>>
      %dma_wait3A_194 = tpu.memref_squeeze %dma_wait3A_193 : memref<1x40x125xi32, #tpu.memory_space<hbm>> -> memref<40x125xi32, #tpu.memory_space<hbm>>
      tpu.wait_dma2 semaphore(%run_scoped3A_178 : memref<!tpu.dma_semaphore, #tpu.memory_space<semaphore_mem>>) src(%dma_wait3A_194 : memref<40x125xi32, #tpu.memory_space<hbm>>) dst(%arg8 : memref<40x125xi32, #tpu.memory_space<vmem>>)
      tpu.yield
    }) : () -> ()
    %dma_start3A = arith.constant 0 : i32
    %dma_start3A_9 = arith.constant 0 : i32
    %dma_start3A_10 = tpu.memref_slice %arg7[%dma_start3A, %dma_start3A_9] : memref<40x125xi32, #tpu.memory_space<vmem>> -> memref<1x125xi32, #tpu.memory_space<vmem>>
    %dma_start3A_11 = tpu.memref_squeeze %dma_start3A_10 : memref<1x125xi32, #tpu.memory_space<vmem>> -> memref<125xi32, #tpu.memory_space<vmem>>
    %dma_start3A_12 = arith.constant 0 : i32
    %dma_start3A_13 = arith.constant 0 : i32
    %dma_start3A_14 = tpu.memref_slice %arg2[%dma_start3A_12, %dma_start3A_13] : memref<20000x128xf32, #tpu.memory_space<hbm>> -> memref<20000x128xf32, #tpu.memory_space<hbm>>
    tpu.enqueue_indirect_dma source(%dma_start3A_14 : memref<20000x128xf32, #tpu.memory_space<hbm>>) target(%arg9 : memref<125x128xf32, #tpu.memory_space<vmem>>) offsets(%dma_start3A_11 : memref<125xi32, #tpu.memory_space<vmem>>) semaphore(%arg12 : memref<!tpu.dma_semaphore, #tpu.memory_space<semaphore_mem>>)
    %dma_start3A_15 = arith.constant 1 : i32
    %dma_start3A_16 = arith.constant 0 : i32
    %dma_start3A_17 = tpu.memref_slice %arg7[%dma_start3A_15, %dma_start3A_16] : memref<40x125xi32, #tpu.memory_space<vmem>> -> memref<1x125xi32, #tpu.memory_space<vmem>>
    %dma_start3A_18 = tpu.memref_squeeze %dma_start3A_17 : memref<1x125xi32, #tpu.memory_space<vmem>> -> memref<125xi32, #tpu.memory_space<vmem>>
    %dma_start3A_19 = arith.constant 0 : i32
    %dma_start3A_20 = arith.constant 0 : i32
    %dma_start3A_21 = tpu.memref_slice %arg2[%dma_start3A_19, %dma_start3A_20] : memref<20000x128xf32, #tpu.memory_space<hbm>> -> memref<20000x128xf32, #tpu.memory_space<hbm>>
    tpu.enqueue_indirect_dma source(%dma_start3A_21 : memref<20000x128xf32, #tpu.memory_space<hbm>>) target(%arg10 : memref<125x128xf32, #tpu.memory_space<vmem>>) offsets(%dma_start3A_18 : memref<125xi32, #tpu.memory_space<vmem>>) semaphore(%arg13 : memref<!tpu.dma_semaphore, #tpu.memory_space<semaphore_mem>>)
    %scan3A = arith.constant 0 : i32
    %scan3A_22 = arith.constant 0 : i32
    %scan3A_23 = arith.constant 19 : i32
    %scan3A_24 = arith.addi %scan3A_22, %scan3A_23 : i32
    %scan3A_25 = arith.constant 1 : i32
    scf.for %scan3A_178 = %scan3A_22 to %scan3A_24 step %scan3A_25  : i32 {
      %mul3A_179 = arith.constant 2 : i32
      %mul3A_180 = arith.muli %mul3A_179, %scan3A_178 : i32
      %dma_wait3A_181 = arith.constant 0 : i32
      %dma_wait3A_182 = arith.constant 0 : i32
      %dma_wait3A_183 = tpu.memref_slice %arg7[%dma_wait3A_181, %dma_wait3A_182] : memref<40x125xi32, #tpu.memory_space<vmem>> -> memref<1x125xi32, #tpu.memory_space<vmem>>
      %dma_wait3A_184 = tpu.memref_squeeze %dma_wait3A_183 : memref<1x125xi32, #tpu.memory_space<vmem>> -> memref<125xi32, #tpu.memory_space<vmem>>
      %dma_wait3A_185 = arith.constant 0 : i32
      %dma_wait3A_186 = arith.constant 0 : i32
      %dma_wait3A_187 = tpu.memref_slice %arg2[%dma_wait3A_185, %dma_wait3A_186] : memref<20000x128xf32, #tpu.memory_space<hbm>> -> memref<20000x128xf32, #tpu.memory_space<hbm>>
      tpu.wait_indirect_dma semaphore(%arg12 : memref<!tpu.dma_semaphore, #tpu.memory_space<semaphore_mem>>) src(%dma_wait3A_187 : memref<20000x128xf32, #tpu.memory_space<hbm>>) dst(%arg9 : memref<125x128xf32, #tpu.memory_space<vmem>>)
      "tpu.region"() ({
        %run_scoped3A_213 = tpu.sem_alloc : memref<!tpu.dma_semaphore, #tpu.memory_space<semaphore_mem>>
        %dma_start3A_214 = arith.constant 0 : i32
        %dma_start3A_215 = tpu.memref_slice %arg8[%mul3A_180, %dma_start3A_214] : memref<40x125xi32, #tpu.memory_space<vmem>> -> memref<1x125xi32, #tpu.memory_space<vmem>>
        %dma_start3A_216 = tpu.memref_squeeze %dma_start3A_215 : memref<1x125xi32, #tpu.memory_space<vmem>> -> memref<125xi32, #tpu.memory_space<vmem>>
        %dma_start3A_217 = arith.constant 0 : i32
        %dma_start3A_218 = arith.constant 0 : i32
        %dma_start3A_219 = tpu.memref_slice %arg11[%dma_start3A_217, %dma_start3A_218] : memref<10000x128xf32, #tpu.memory_space<vmem_shared>> -> memref<10000x128xf32, #tpu.memory_space<vmem_shared>>
        tpu.enqueue_indirect_dma source(%arg9 : memref<125x128xf32, #tpu.memory_space<vmem>>) target(%dma_start3A_219 : memref<10000x128xf32, #tpu.memory_space<vmem_shared>>) offsets(%dma_start3A_216 : memref<125xi32, #tpu.memory_space<vmem>>) semaphore(%run_scoped3A_213 : memref<!tpu.dma_semaphore, #tpu.memory_space<semaphore_mem>>) {add = true}
        %dma_wait3A_220 = arith.constant 0 : i32
        %dma_wait3A_221 = tpu.memref_slice %arg8[%mul3A_180, %dma_wait3A_220] : memref<40x125xi32, #tpu.memory_space<vmem>> -> memref<1x125xi32, #tpu.memory_space<vmem>>
        %dma_wait3A_222 = tpu.memref_squeeze %dma_wait3A_221 : memref<1x125xi32, #tpu.memory_space<vmem>> -> memref<125xi32, #tpu.memory_space<vmem>>
        %dma_wait3A_223 = arith.constant 0 : i32
        %dma_wait3A_224 = arith.constant 0 : i32
        %dma_wait3A_225 = tpu.memref_slice %arg11[%dma_wait3A_223, %dma_wait3A_224] : memref<10000x128xf32, #tpu.memory_space<vmem_shared>> -> memref<10000x128xf32, #tpu.memory_space<vmem_shared>>
        tpu.wait_indirect_dma semaphore(%run_scoped3A_213 : memref<!tpu.dma_semaphore, #tpu.memory_space<semaphore_mem>>) src(%arg9 : memref<125x128xf32, #tpu.memory_space<vmem>>) dst(%dma_wait3A_225 : memref<10000x128xf32, #tpu.memory_space<vmem_shared>>)
        tpu.yield
      }) : () -> ()
      %add3A_188 = arith.constant 2 : i32
      %add3A_189 = arith.addi %mul3A_180, %add3A_188 : i32
      %dma_start3A_190 = arith.constant 0 : i32
      %dma_start3A_191 = tpu.memref_slice %arg7[%add3A_189, %dma_start3A_190] : memref<40x125xi32, #tpu.memory_space<vmem>> -> memref<1x125xi32, #tpu.memory_space<vmem>>
      %dma_start3A_192 = tpu.memref_squeeze %dma_start3A_191 : memref<1x125xi32, #tpu.memory_space<vmem>> -> memref<125xi32, #tpu.memory_space<vmem>>
      %dma_start3A_193 = arith.constant 0 : i32
      %dma_start3A_194 = arith.constant 0 : i32
      %dma_start3A_195 = tpu.memref_slice %arg2[%dma_start3A_193, %dma_start3A_194] : memref<20000x128xf32, #tpu.memory_space<hbm>> -> memref<20000x128xf32, #tpu.memory_space<hbm>>
      tpu.enqueue_indirect_dma source(%dma_start3A_195 : memref<20000x128xf32, #tpu.memory_space<hbm>>) target(%arg9 : memref<125x128xf32, #tpu.memory_space<vmem>>) offsets(%dma_start3A_192 : memref<125xi32, #tpu.memory_space<vmem>>) semaphore(%arg12 : memref<!tpu.dma_semaphore, #tpu.memory_space<semaphore_mem>>)
      %dma_wait3A_196 = arith.constant 0 : i32
      %dma_wait3A_197 = arith.constant 0 : i32
      %dma_wait3A_198 = tpu.memref_slice %arg7[%dma_wait3A_196, %dma_wait3A_197] : memref<40x125xi32, #tpu.memory_space<vmem>> -> memref<1x125xi32, #tpu.memory_space<vmem>>
      %dma_wait3A_199 = tpu.memref_squeeze %dma_wait3A_198 : memref<1x125xi32, #tpu.memory_space<vmem>> -> memref<125xi32, #tpu.memory_space<vmem>>
      %dma_wait3A_200 = arith.constant 0 : i32
      %dma_wait3A_201 = arith.constant 0 : i32
      %dma_wait3A_202 = tpu.memref_slice %arg2[%dma_wait3A_200, %dma_wait3A_201] : memref<20000x128xf32, #tpu.memory_space<hbm>> -> memref<20000x128xf32, #tpu.memory_space<hbm>>
      tpu.wait_indirect_dma semaphore(%arg13 : memref<!tpu.dma_semaphore, #tpu.memory_space<semaphore_mem>>) src(%dma_wait3A_202 : memref<20000x128xf32, #tpu.memory_space<hbm>>) dst(%arg10 : memref<125x128xf32, #tpu.memory_space<vmem>>)
      %add3A_203 = arith.constant 1 : i32
      %add3A_204 = arith.addi %mul3A_180, %add3A_203 : i32
      "tpu.region"() ({
        %run_scoped3A_213 = tpu.sem_alloc : memref<!tpu.dma_semaphore, #tpu.memory_space<semaphore_mem>>
        %dma_start3A_214 = arith.constant 0 : i32
        %dma_start3A_215 = tpu.memref_slice %arg8[%add3A_204, %dma_start3A_214] : memref<40x125xi32, #tpu.memory_space<vmem>> -> memref<1x125xi32, #tpu.memory_space<vmem>>
        %dma_start3A_216 = tpu.memref_squeeze %dma_start3A_215 : memref<1x125xi32, #tpu.memory_space<vmem>> -> memref<125xi32, #tpu.memory_space<vmem>>
        %dma_start3A_217 = arith.constant 0 : i32
        %dma_start3A_218 = arith.constant 0 : i32
        %dma_start3A_219 = tpu.memref_slice %arg11[%dma_start3A_217, %dma_start3A_218] : memref<10000x128xf32, #tpu.memory_space<vmem_shared>> -> memref<10000x128xf32, #tpu.memory_space<vmem_shared>>
        tpu.enqueue_indirect_dma source(%arg10 : memref<125x128xf32, #tpu.memory_space<vmem>>) target(%dma_start3A_219 : memref<10000x128xf32, #tpu.memory_space<vmem_shared>>) offsets(%dma_start3A_216 : memref<125xi32, #tpu.memory_space<vmem>>) semaphore(%run_scoped3A_213 : memref<!tpu.dma_semaphore, #tpu.memory_space<semaphore_mem>>) {add = true}
        %dma_wait3A_220 = arith.constant 0 : i32
        %dma_wait3A_221 = tpu.memref_slice %arg8[%add3A_204, %dma_wait3A_220] : memref<40x125xi32, #tpu.memory_space<vmem>> -> memref<1x125xi32, #tpu.memory_space<vmem>>
        %dma_wait3A_222 = tpu.memref_squeeze %dma_wait3A_221 : memref<1x125xi32, #tpu.memory_space<vmem>> -> memref<125xi32, #tpu.memory_space<vmem>>
        %dma_wait3A_223 = arith.constant 0 : i32
        %dma_wait3A_224 = arith.constant 0 : i32
        %dma_wait3A_225 = tpu.memref_slice %arg11[%dma_wait3A_223, %dma_wait3A_224] : memref<10000x128xf32, #tpu.memory_space<vmem_shared>> -> memref<10000x128xf32, #tpu.memory_space<vmem_shared>>
        tpu.wait_indirect_dma semaphore(%run_scoped3A_213 : memref<!tpu.dma_semaphore, #tpu.memory_space<semaphore_mem>>) src(%arg10 : memref<125x128xf32, #tpu.memory_space<vmem>>) dst(%dma_wait3A_225 : memref<10000x128xf32, #tpu.memory_space<vmem_shared>>)
        tpu.yield
      }) : () -> ()
      %add3A_205 = arith.constant 3 : i32
      %add3A_206 = arith.addi %mul3A_180, %add3A_205 : i32
      %dma_start3A_207 = arith.constant 0 : i32
      %dma_start3A_208 = tpu.memref_slice %arg7[%add3A_206, %dma_start3A_207] : memref<40x125xi32, #tpu.memory_space<vmem>> -> memref<1x125xi32, #tpu.memory_space<vmem>>
      %dma_start3A_209 = tpu.memref_squeeze %dma_start3A_208 : memref<1x125xi32, #tpu.memory_space<vmem>> -> memref<125xi32, #tpu.memory_space<vmem>>
      %dma_start3A_210 = arith.constant 0 : i32
      %dma_start3A_211 = arith.constant 0 : i32
      %dma_start3A_212 = tpu.memref_slice %arg2[%dma_start3A_210, %dma_start3A_211] : memref<20000x128xf32, #tpu.memory_space<hbm>> -> memref<20000x128xf32, #tpu.memory_space<hbm>>
      tpu.enqueue_indirect_dma source(%dma_start3A_212 : memref<20000x128xf32, #tpu.memory_space<hbm>>) target(%arg10 : memref<125x128xf32, #tpu.memory_space<vmem>>) offsets(%dma_start3A_209 : memref<125xi32, #tpu.memory_space<vmem>>) semaphore(%arg13 : memref<!tpu.dma_semaphore, #tpu.memory_space<semaphore_mem>>)
    }
    %scan3A_26 = arith.constant 19 : i32
    %dma_wait3A = arith.constant 0 : i32
    %dma_wait3A_27 = arith.constant 0 : i32
    %dma_wait3A_28 = tpu.memref_slice %arg7[%dma_wait3A, %dma_wait3A_27] : memref<40x125xi32, #tpu.memory_space<vmem>> -> memref<1x125xi32, #tpu.memory_space<vmem>>
    %dma_wait3A_29 = tpu.memref_squeeze %dma_wait3A_28 : memref<1x125xi32, #tpu.memory_space<vmem>> -> memref<125xi32, #tpu.memory_space<vmem>>
    %dma_wait3A_30 = arith.constant 0 : i32
    %dma_wait3A_31 = arith.constant 0 : i32
    %dma_wait3A_32 = tpu.memref_slice %arg2[%dma_wait3A_30, %dma_wait3A_31] : memref<20000x128xf32, #tpu.memory_space<hbm>> -> memref<20000x128xf32, #tpu.memory_space<hbm>>
    tpu.wait_indirect_dma semaphore(%arg12 : memref<!tpu.dma_semaphore, #tpu.memory_space<semaphore_mem>>) src(%dma_wait3A_32 : memref<20000x128xf32, #tpu.memory_space<hbm>>) dst(%arg9 : memref<125x128xf32, #tpu.memory_space<vmem>>)
    %run_scoped3A = arith.constant 38 : i32
    "tpu.region"() ({
      %run_scoped3A_178 = tpu.sem_alloc : memref<!tpu.dma_semaphore, #tpu.memory_space<semaphore_mem>>
      %dma_start3A_179 = arith.constant 0 : i32
      %dma_start3A_180 = tpu.memref_slice %arg8[%run_scoped3A, %dma_start3A_179] : memref<40x125xi32, #tpu.memory_space<vmem>> -> memref<1x125xi32, #tpu.memory_space<vmem>>
      %dma_start3A_181 = tpu.memref_squeeze %dma_start3A_180 : memref<1x125xi32, #tpu.memory_space<vmem>> -> memref<125xi32, #tpu.memory_space<vmem>>
      %dma_start3A_182 = arith.constant 0 : i32
      %dma_start3A_183 = arith.constant 0 : i32
      %dma_start3A_184 = tpu.memref_slice %arg11[%dma_start3A_182, %dma_start3A_183] : memref<10000x128xf32, #tpu.memory_space<vmem_shared>> -> memref<10000x128xf32, #tpu.memory_space<vmem_shared>>
      tpu.enqueue_indirect_dma source(%arg9 : memref<125x128xf32, #tpu.memory_space<vmem>>) target(%dma_start3A_184 : memref<10000x128xf32, #tpu.memory_space<vmem_shared>>) offsets(%dma_start3A_181 : memref<125xi32, #tpu.memory_space<vmem>>) semaphore(%run_scoped3A_178 : memref<!tpu.dma_semaphore, #tpu.memory_space<semaphore_mem>>) {add = true}
      %dma_wait3A_185 = arith.constant 0 : i32
      %dma_wait3A_186 = tpu.memref_slice %arg8[%run_scoped3A, %dma_wait3A_185] : memref<40x125xi32, #tpu.memory_space<vmem>> -> memref<1x125xi32, #tpu.memory_space<vmem>>
      %dma_wait3A_187 = tpu.memref_squeeze %dma_wait3A_186 : memref<1x125xi32, #tpu.memory_space<vmem>> -> memref<125xi32, #tpu.memory_space<vmem>>
      %dma_wait3A_188 = arith.constant 0 : i32
      %dma_wait3A_189 = arith.constant 0 : i32
      %dma_wait3A_190 = tpu.memref_slice %arg11[%dma_wait3A_188, %dma_wait3A_189] : memref<10000x128xf32, #tpu.memory_space<vmem_shared>> -> memref<10000x128xf32, #tpu.memory_space<vmem_shared>>
      tpu.wait_indirect_dma semaphore(%run_scoped3A_178 : memref<!tpu.dma_semaphore, #tpu.memory_space<semaphore_mem>>) src(%arg9 : memref<125x128xf32, #tpu.memory_space<vmem>>) dst(%dma_wait3A_190 : memref<10000x128xf32, #tpu.memory_space<vmem_shared>>)
      tpu.yield
    }) : () -> ()
    %dma_wait3A_33 = arith.constant 0 : i32
    %dma_wait3A_34 = arith.constant 0 : i32
    %dma_wait3A_35 = tpu.memref_slice %arg7[%dma_wait3A_33, %dma_wait3A_34] : memref<40x125xi32, #tpu.memory_space<vmem>> -> memref<1x125xi32, #tpu.memory_space<vmem>>
    %dma_wait3A_36 = tpu.memref_squeeze %dma_wait3A_35 : memref<1x125xi32, #tpu.memory_space<vmem>> -> memref<125xi32, #tpu.memory_space<vmem>>
    %dma_wait3A_37 = arith.constant 0 : i32
    %dma_wait3A_38 = arith.constant 0 : i32
    %dma_wait3A_39 = tpu.memref_slice %arg2[%dma_wait3A_37, %dma_wait3A_38] : memref<20000x128xf32, #tpu.memory_space<hbm>> -> memref<20000x128xf32, #tpu.memory_space<hbm>>
    tpu.wait_indirect_dma semaphore(%arg13 : memref<!tpu.dma_semaphore, #tpu.memory_space<semaphore_mem>>) src(%dma_wait3A_39 : memref<20000x128xf32, #tpu.memory_space<hbm>>) dst(%arg10 : memref<125x128xf32, #tpu.memory_space<vmem>>)
    %run_scoped3A_40 = arith.constant 39 : i32
    "tpu.region"() ({
      %run_scoped3A_178 = tpu.sem_alloc : memref<!tpu.dma_semaphore, #tpu.memory_space<semaphore_mem>>
      %dma_start3A_179 = arith.constant 0 : i32
      %dma_start3A_180 = tpu.memref_slice %arg8[%run_scoped3A_40, %dma_start3A_179] : memref<40x125xi32, #tpu.memory_space<vmem>> -> memref<1x125xi32, #tpu.memory_space<vmem>>
      %dma_start3A_181 = tpu.memref_squeeze %dma_start3A_180 : memref<1x125xi32, #tpu.memory_space<vmem>> -> memref<125xi32, #tpu.memory_space<vmem>>
      %dma_start3A_182 = arith.constant 0 : i32
      %dma_start3A_183 = arith.constant 0 : i32
      %dma_start3A_184 = tpu.memref_slice %arg11[%dma_start3A_182, %dma_start3A_183] : memref<10000x128xf32, #tpu.memory_space<vmem_shared>> -> memref<10000x128xf32, #tpu.memory_space<vmem_shared>>
      tpu.enqueue_indirect_dma source(%arg10 : memref<125x128xf32, #tpu.memory_space<vmem>>) target(%dma_start3A_184 : memref<10000x128xf32, #tpu.memory_space<vmem_shared>>) offsets(%dma_start3A_181 : memref<125xi32, #tpu.memory_space<vmem>>) semaphore(%run_scoped3A_178 : memref<!tpu.dma_semaphore, #tpu.memory_space<semaphore_mem>>) {add = true}
      %dma_wait3A_185 = arith.constant 0 : i32
      %dma_wait3A_186 = tpu.memref_slice %arg8[%run_scoped3A_40, %dma_wait3A_185] : memref<40x125xi32, #tpu.memory_space<vmem>> -> memref<1x125xi32, #tpu.memory_space<vmem>>
      %dma_wait3A_187 = tpu.memref_squeeze %dma_wait3A_186 : memref<1x125xi32, #tpu.memory_space<vmem>> -> memref<125xi32, #tpu.memory_space<vmem>>
      %dma_wait3A_188 = arith.constant 0 : i32
      %dma_wait3A_189 = arith.constant 0 : i32
      %dma_wait3A_190 = tpu.memref_slice %arg11[%dma_wait3A_188, %dma_wait3A_189] : memref<10000x128xf32, #tpu.memory_space<vmem_shared>> -> memref<10000x128xf32, #tpu.memory_space<vmem_shared>>
      tpu.wait_indirect_dma semaphore(%run_scoped3A_178 : memref<!tpu.dma_semaphore, #tpu.memory_space<semaphore_mem>>) src(%arg10 : memref<125x128xf32, #tpu.memory_space<vmem>>) dst(%dma_wait3A_190 : memref<10000x128xf32, #tpu.memory_space<vmem_shared>>)
      tpu.yield
    }) : () -> ()
    %mul3A_41 = arith.constant 4 : i32
    %mul3A_42 = arith.muli %arg1, %mul3A_41 : i32
    %add3A_43 = arith.constant 1 : i32
    %add3A_44 = arith.addi %mul3A_42, %add3A_43 : i32
    %mul3A_45 = arith.constant 64 : i32
    %mul3A_46 = arith.muli %arg0, %mul3A_45 : i32
    %add3A_47 = arith.addi %mul3A_46, %add3A_44 : i32
    "tpu.region"() ({
      %run_scoped3A_178 = tpu.sem_alloc : memref<!tpu.dma_semaphore, #tpu.memory_space<semaphore_mem>>
      %dma_start3A_179 = arith.constant 0 : i32
      %dma_start3A_180 = arith.constant 0 : i32
      %dma_start3A_181 = tpu.memref_slice %arg3[%add3A_47, %dma_start3A_179, %dma_start3A_180] : memref<128x40x125xi32, #tpu.memory_space<hbm>> -> memref<1x40x125xi32, #tpu.memory_space<hbm>>
      %dma_start3A_182 = tpu.memref_squeeze %dma_start3A_181 : memref<1x40x125xi32, #tpu.memory_space<hbm>> -> memref<40x125xi32, #tpu.memory_space<hbm>>
      %dma_start3A_183 = arith.constant 0 : i32
      %dma_start3A_184 = arith.constant 0 : i32
      %dma_start3A_185 = tpu.memref_slice %arg3[%add3A_47, %dma_start3A_183, %dma_start3A_184] : memref<128x40x125xi32, #tpu.memory_space<hbm>> -> memref<1x40x125xi32, #tpu.memory_space<hbm>>
      %dma_start3A_186 = tpu.memref_squeeze %dma_start3A_185 : memref<1x40x125xi32, #tpu.memory_space<hbm>> -> memref<40x125xi32, #tpu.memory_space<hbm>>
      tpu.enqueue_dma source(%dma_start3A_186 : memref<40x125xi32, #tpu.memory_space<hbm>>) target(%arg7 : memref<40x125xi32, #tpu.memory_space<vmem>>) target_semaphore(%run_scoped3A_178 : memref<!tpu.dma_semaphore, #tpu.memory_space<semaphore_mem>>)
      %dma_wait3A_187 = arith.constant 0 : i32
      %dma_wait3A_188 = arith.constant 0 : i32
      %dma_wait3A_189 = tpu.memref_slice %arg3[%add3A_47, %dma_wait3A_187, %dma_wait3A_188] : memref<128x40x125xi32, #tpu.memory_space<hbm>> -> memref<1x40x125xi32, #tpu.memory_space<hbm>>
      %dma_wait3A_190 = tpu.memref_squeeze %dma_wait3A_189 : memref<1x40x125xi32, #tpu.memory_space<hbm>> -> memref<40x125xi32, #tpu.memory_space<hbm>>
      %dma_wait3A_191 = arith.constant 0 : i32
      %dma_wait3A_192 = arith.constant 0 : i32
      %dma_wait3A_193 = tpu.memref_slice %arg3[%add3A_47, %dma_wait3A_191, %dma_wait3A_192] : memref<128x40x125xi32, #tpu.memory_space<hbm>> -> memref<1x40x125xi32, #tpu.memory_space<hbm>>
      %dma_wait3A_194 = tpu.memref_squeeze %dma_wait3A_193 : memref<1x40x125xi32, #tpu.memory_space<hbm>> -> memref<40x125xi32, #tpu.memory_space<hbm>>
      tpu.wait_dma2 semaphore(%run_scoped3A_178 : memref<!tpu.dma_semaphore, #tpu.memory_space<semaphore_mem>>) src(%dma_wait3A_194 : memref<40x125xi32, #tpu.memory_space<hbm>>) dst(%arg7 : memref<40x125xi32, #tpu.memory_space<vmem>>)
      tpu.yield
    }) : () -> ()
    "tpu.region"() ({
      %run_scoped3A_178 = tpu.sem_alloc : memref<!tpu.dma_semaphore, #tpu.memory_space<semaphore_mem>>
      %dma_start3A_179 = arith.constant 0 : i32
      %dma_start3A_180 = arith.constant 0 : i32
      %dma_start3A_181 = tpu.memref_slice %arg4[%add3A_44, %dma_start3A_179, %dma_start3A_180] : memref<64x40x125xi32, #tpu.memory_space<hbm>> -> memref<1x40x125xi32, #tpu.memory_space<hbm>>
      %dma_start3A_182 = tpu.memref_squeeze %dma_start3A_181 : memref<1x40x125xi32, #tpu.memory_space<hbm>> -> memref<40x125xi32, #tpu.memory_space<hbm>>
      %dma_start3A_183 = arith.constant 0 : i32
      %dma_start3A_184 = arith.constant 0 : i32
      %dma_start3A_185 = tpu.memref_slice %arg4[%add3A_44, %dma_start3A_183, %dma_start3A_184] : memref<64x40x125xi32, #tpu.memory_space<hbm>> -> memref<1x40x125xi32, #tpu.memory_space<hbm>>
      %dma_start3A_186 = tpu.memref_squeeze %dma_start3A_185 : memref<1x40x125xi32, #tpu.memory_space<hbm>> -> memref<40x125xi32, #tpu.memory_space<hbm>>
      tpu.enqueue_dma source(%dma_start3A_186 : memref<40x125xi32, #tpu.memory_space<hbm>>) target(%arg8 : memref<40x125xi32, #tpu.memory_space<vmem>>) target_semaphore(%run_scoped3A_178 : memref<!tpu.dma_semaphore, #tpu.memory_space<semaphore_mem>>)
      %dma_wait3A_187 = arith.constant 0 : i32
      %dma_wait3A_188 = arith.constant 0 : i32
      %dma_wait3A_189 = tpu.memref_slice %arg4[%add3A_44, %dma_wait3A_187, %dma_wait3A_188] : memref<64x40x125xi32, #tpu.memory_space<hbm>> -> memref<1x40x125xi32, #tpu.memory_space<hbm>>
      %dma_wait3A_190 = tpu.memref_squeeze %dma_wait3A_189 : memref<1x40x125xi32, #tpu.memory_space<hbm>> -> memref<40x125xi32, #tpu.memory_space<hbm>>
      %dma_wait3A_191 = arith.constant 0 : i32
      %dma_wait3A_192 = arith.constant 0 : i32
      %dma_wait3A_193 = tpu.memref_slice %arg4[%add3A_44, %dma_wait3A_191, %dma_wait3A_192] : memref<64x40x125xi32, #tpu.memory_space<hbm>> -> memref<1x40x125xi32, #tpu.memory_space<hbm>>
      %dma_wait3A_194 = tpu.memref_squeeze %dma_wait3A_193 : memref<1x40x125xi32, #tpu.memory_space<hbm>> -> memref<40x125xi32, #tpu.memory_space<hbm>>
      tpu.wait_dma2 semaphore(%run_scoped3A_178 : memref<!tpu.dma_semaphore, #tpu.memory_space<semaphore_mem>>) src(%dma_wait3A_194 : memref<40x125xi32, #tpu.memory_space<hbm>>) dst(%arg8 : memref<40x125xi32, #tpu.memory_space<vmem>>)
      tpu.yield
    }) : () -> ()
    %dma_start3A_48 = arith.constant 0 : i32
    %dma_start3A_49 = arith.constant 0 : i32
    %dma_start3A_50 = tpu.memref_slice %arg7[%dma_start3A_48, %dma_start3A_49] : memref<40x125xi32, #tpu.memory_space<vmem>> -> memref<1x125xi32, #tpu.memory_space<vmem>>
    %dma_start3A_51 = tpu.memref_squeeze %dma_start3A_50 : memref<1x125xi32, #tpu.memory_space<vmem>> -> memref<125xi32, #tpu.memory_space<vmem>>
    %dma_start3A_52 = arith.constant 0 : i32
    %dma_start3A_53 = arith.constant 0 : i32
    %dma_start3A_54 = tpu.memref_slice %arg2[%dma_start3A_52, %dma_start3A_53] : memref<20000x128xf32, #tpu.memory_space<hbm>> -> memref<20000x128xf32, #tpu.memory_space<hbm>>
    tpu.enqueue_indirect_dma source(%dma_start3A_54 : memref<20000x128xf32, #tpu.memory_space<hbm>>) target(%arg9 : memref<125x128xf32, #tpu.memory_space<vmem>>) offsets(%dma_start3A_51 : memref<125xi32, #tpu.memory_space<vmem>>) semaphore(%arg12 : memref<!tpu.dma_semaphore, #tpu.memory_space<semaphore_mem>>)
    %dma_start3A_55 = arith.constant 1 : i32
    %dma_start3A_56 = arith.constant 0 : i32
    %dma_start3A_57 = tpu.memref_slice %arg7[%dma_start3A_55, %dma_start3A_56] : memref<40x125xi32, #tpu.memory_space<vmem>> -> memref<1x125xi32, #tpu.memory_space<vmem>>
    %dma_start3A_58 = tpu.memref_squeeze %dma_start3A_57 : memref<1x125xi32, #tpu.memory_space<vmem>> -> memref<125xi32, #tpu.memory_space<vmem>>
    %dma_start3A_59 = arith.constant 0 : i32
    %dma_start3A_60 = arith.constant 0 : i32
    %dma_start3A_61 = tpu.memref_slice %arg2[%dma_start3A_59, %dma_start3A_60] : memref<20000x128xf32, #tpu.memory_space<hbm>> -> memref<20000x128xf32, #tpu.memory_space<hbm>>
    tpu.enqueue_indirect_dma source(%dma_start3A_61 : memref<20000x128xf32, #tpu.memory_space<hbm>>) target(%arg10 : memref<125x128xf32, #tpu.memory_space<vmem>>) offsets(%dma_start3A_58 : memref<125xi32, #tpu.memory_space<vmem>>) semaphore(%arg13 : memref<!tpu.dma_semaphore, #tpu.memory_space<semaphore_mem>>)
    %scan3A_62 = arith.constant 0 : i32
    %scan3A_63 = arith.constant 0 : i32
    %scan3A_64 = arith.constant 19 : i32
    %scan3A_65 = arith.addi %scan3A_63, %scan3A_64 : i32
    %scan3A_66 = arith.constant 1 : i32
    scf.for %scan3A_178 = %scan3A_63 to %scan3A_65 step %scan3A_66  : i32 {
      %mul3A_179 = arith.constant 2 : i32
      %mul3A_180 = arith.muli %mul3A_179, %scan3A_178 : i32
      %dma_wait3A_181 = arith.constant 0 : i32
      %dma_wait3A_182 = arith.constant 0 : i32
      %dma_wait3A_183 = tpu.memref_slice %arg7[%dma_wait3A_181, %dma_wait3A_182] : memref<40x125xi32, #tpu.memory_space<vmem>> -> memref<1x125xi32, #tpu.memory_space<vmem>>
      %dma_wait3A_184 = tpu.memref_squeeze %dma_wait3A_183 : memref<1x125xi32, #tpu.memory_space<vmem>> -> memref<125xi32, #tpu.memory_space<vmem>>
      %dma_wait3A_185 = arith.constant 0 : i32
      %dma_wait3A_186 = arith.constant 0 : i32
      %dma_wait3A_187 = tpu.memref_slice %arg2[%dma_wait3A_185, %dma_wait3A_186] : memref<20000x128xf32, #tpu.memory_space<hbm>> -> memref<20000x128xf32, #tpu.memory_space<hbm>>
      tpu.wait_indirect_dma semaphore(%arg12 : memref<!tpu.dma_semaphore, #tpu.memory_space<semaphore_mem>>) src(%dma_wait3A_187 : memref<20000x128xf32, #tpu.memory_space<hbm>>) dst(%arg9 : memref<125x128xf32, #tpu.memory_space<vmem>>)
      "tpu.region"() ({
        %run_scoped3A_213 = tpu.sem_alloc : memref<!tpu.dma_semaphore, #tpu.memory_space<semaphore_mem>>
        %dma_start3A_214 = arith.constant 0 : i32
        %dma_start3A_215 = tpu.memref_slice %arg8[%mul3A_180, %dma_start3A_214] : memref<40x125xi32, #tpu.memory_space<vmem>> -> memref<1x125xi32, #tpu.memory_space<vmem>>
        %dma_start3A_216 = tpu.memref_squeeze %dma_start3A_215 : memref<1x125xi32, #tpu.memory_space<vmem>> -> memref<125xi32, #tpu.memory_space<vmem>>
        %dma_start3A_217 = arith.constant 0 : i32
        %dma_start3A_218 = arith.constant 0 : i32
        %dma_start3A_219 = tpu.memref_slice %arg11[%dma_start3A_217, %dma_start3A_218] : memref<10000x128xf32, #tpu.memory_space<vmem_shared>> -> memref<10000x128xf32, #tpu.memory_space<vmem_shared>>
        tpu.enqueue_indirect_dma source(%arg9 : memref<125x128xf32, #tpu.memory_space<vmem>>) target(%dma_start3A_219 : memref<10000x128xf32, #tpu.memory_space<vmem_shared>>) offsets(%dma_start3A_216 : memref<125xi32, #tpu.memory_space<vmem>>) semaphore(%run_scoped3A_213 : memref<!tpu.dma_semaphore, #tpu.memory_space<semaphore_mem>>) {add = true}
        %dma_wait3A_220 = arith.constant 0 : i32
        %dma_wait3A_221 = tpu.memref_slice %arg8[%mul3A_180, %dma_wait3A_220] : memref<40x125xi32, #tpu.memory_space<vmem>> -> memref<1x125xi32, #tpu.memory_space<vmem>>
        %dma_wait3A_222 = tpu.memref_squeeze %dma_wait3A_221 : memref<1x125xi32, #tpu.memory_space<vmem>> -> memref<125xi32, #tpu.memory_space<vmem>>
        %dma_wait3A_223 = arith.constant 0 : i32
        %dma_wait3A_224 = arith.constant 0 : i32
        %dma_wait3A_225 = tpu.memref_slice %arg11[%dma_wait3A_223, %dma_wait3A_224] : memref<10000x128xf32, #tpu.memory_space<vmem_shared>> -> memref<10000x128xf32, #tpu.memory_space<vmem_shared>>
        tpu.wait_indirect_dma semaphore(%run_scoped3A_213 : memref<!tpu.dma_semaphore, #tpu.memory_space<semaphore_mem>>) src(%arg9 : memref<125x128xf32, #tpu.memory_space<vmem>>) dst(%dma_wait3A_225 : memref<10000x128xf32, #tpu.memory_space<vmem_shared>>)
        tpu.yield
      }) : () -> ()
      %add3A_188 = arith.constant 2 : i32
      %add3A_189 = arith.addi %mul3A_180, %add3A_188 : i32
      %dma_start3A_190 = arith.constant 0 : i32
      %dma_start3A_191 = tpu.memref_slice %arg7[%add3A_189, %dma_start3A_190] : memref<40x125xi32, #tpu.memory_space<vmem>> -> memref<1x125xi32, #tpu.memory_space<vmem>>
      %dma_start3A_192 = tpu.memref_squeeze %dma_start3A_191 : memref<1x125xi32, #tpu.memory_space<vmem>> -> memref<125xi32, #tpu.memory_space<vmem>>
      %dma_start3A_193 = arith.constant 0 : i32
      %dma_start3A_194 = arith.constant 0 : i32
      %dma_start3A_195 = tpu.memref_slice %arg2[%dma_start3A_193, %dma_start3A_194] : memref<20000x128xf32, #tpu.memory_space<hbm>> -> memref<20000x128xf32, #tpu.memory_space<hbm>>
      tpu.enqueue_indirect_dma source(%dma_start3A_195 : memref<20000x128xf32, #tpu.memory_space<hbm>>) target(%arg9 : memref<125x128xf32, #tpu.memory_space<vmem>>) offsets(%dma_start3A_192 : memref<125xi32, #tpu.memory_space<vmem>>) semaphore(%arg12 : memref<!tpu.dma_semaphore, #tpu.memory_space<semaphore_mem>>)
      %dma_wait3A_196 = arith.constant 0 : i32
      %dma_wait3A_197 = arith.constant 0 : i32
      %dma_wait3A_198 = tpu.memref_slice %arg7[%dma_wait3A_196, %dma_wait3A_197] : memref<40x125xi32, #tpu.memory_space<vmem>> -> memref<1x125xi32, #tpu.memory_space<vmem>>
      %dma_wait3A_199 = tpu.memref_squeeze %dma_wait3A_198 : memref<1x125xi32, #tpu.memory_space<vmem>> -> memref<125xi32, #tpu.memory_space<vmem>>
      %dma_wait3A_200 = arith.constant 0 : i32
      %dma_wait3A_201 = arith.constant 0 : i32
      %dma_wait3A_202 = tpu.memref_slice %arg2[%dma_wait3A_200, %dma_wait3A_201] : memref<20000x128xf32, #tpu.memory_space<hbm>> -> memref<20000x128xf32, #tpu.memory_space<hbm>>
      tpu.wait_indirect_dma semaphore(%arg13 : memref<!tpu.dma_semaphore, #tpu.memory_space<semaphore_mem>>) src(%dma_wait3A_202 : memref<20000x128xf32, #tpu.memory_space<hbm>>) dst(%arg10 : memref<125x128xf32, #tpu.memory_space<vmem>>)
      %add3A_203 = arith.constant 1 : i32
      %add3A_204 = arith.addi %mul3A_180, %add3A_203 : i32
      "tpu.region"() ({
        %run_scoped3A_213 = tpu.sem_alloc : memref<!tpu.dma_semaphore, #tpu.memory_space<semaphore_mem>>
        %dma_start3A_214 = arith.constant 0 : i32
        %dma_start3A_215 = tpu.memref_slice %arg8[%add3A_204, %dma_start3A_214] : memref<40x125xi32, #tpu.memory_space<vmem>> -> memref<1x125xi32, #tpu.memory_space<vmem>>
        %dma_start3A_216 = tpu.memref_squeeze %dma_start3A_215 : memref<1x125xi32, #tpu.memory_space<vmem>> -> memref<125xi32, #tpu.memory_space<vmem>>
        %dma_start3A_217 = arith.constant 0 : i32
        %dma_start3A_218 = arith.constant 0 : i32
        %dma_start3A_219 = tpu.memref_slice %arg11[%dma_start3A_217, %dma_start3A_218] : memref<10000x128xf32, #tpu.memory_space<vmem_shared>> -> memref<10000x128xf32, #tpu.memory_space<vmem_shared>>
        tpu.enqueue_indirect_dma source(%arg10 : memref<125x128xf32, #tpu.memory_space<vmem>>) target(%dma_start3A_219 : memref<10000x128xf32, #tpu.memory_space<vmem_shared>>) offsets(%dma_start3A_216 : memref<125xi32, #tpu.memory_space<vmem>>) semaphore(%run_scoped3A_213 : memref<!tpu.dma_semaphore, #tpu.memory_space<semaphore_mem>>) {add = true}
        %dma_wait3A_220 = arith.constant 0 : i32
        %dma_wait3A_221 = tpu.memref_slice %arg8[%add3A_204, %dma_wait3A_220] : memref<40x125xi32, #tpu.memory_space<vmem>> -> memref<1x125xi32, #tpu.memory_space<vmem>>
        %dma_wait3A_222 = tpu.memref_squeeze %dma_wait3A_221 : memref<1x125xi32, #tpu.memory_space<vmem>> -> memref<125xi32, #tpu.memory_space<vmem>>
        %dma_wait3A_223 = arith.constant 0 : i32
        %dma_wait3A_224 = arith.constant 0 : i32
        %dma_wait3A_225 = tpu.memref_slice %arg11[%dma_wait3A_223, %dma_wait3A_224] : memref<10000x128xf32, #tpu.memory_space<vmem_shared>> -> memref<10000x128xf32, #tpu.memory_space<vmem_shared>>
        tpu.wait_indirect_dma semaphore(%run_scoped3A_213 : memref<!tpu.dma_semaphore, #tpu.memory_space<semaphore_mem>>) src(%arg10 : memref<125x128xf32, #tpu.memory_space<vmem>>) dst(%dma_wait3A_225 : memref<10000x128xf32, #tpu.memory_space<vmem_shared>>)
        tpu.yield
      }) : () -> ()
      %add3A_205 = arith.constant 3 : i32
      %add3A_206 = arith.addi %mul3A_180, %add3A_205 : i32
      %dma_start3A_207 = arith.constant 0 : i32
      %dma_start3A_208 = tpu.memref_slice %arg7[%add3A_206, %dma_start3A_207] : memref<40x125xi32, #tpu.memory_space<vmem>> -> memref<1x125xi32, #tpu.memory_space<vmem>>
      %dma_start3A_209 = tpu.memref_squeeze %dma_start3A_208 : memref<1x125xi32, #tpu.memory_space<vmem>> -> memref<125xi32, #tpu.memory_space<vmem>>
      %dma_start3A_210 = arith.constant 0 : i32
      %dma_start3A_211 = arith.constant 0 : i32
      %dma_start3A_212 = tpu.memref_slice %arg2[%dma_start3A_210, %dma_start3A_211] : memref<20000x128xf32, #tpu.memory_space<hbm>> -> memref<20000x128xf32, #tpu.memory_space<hbm>>
      tpu.enqueue_indirect_dma source(%dma_start3A_212 : memref<20000x128xf32, #tpu.memory_space<hbm>>) target(%arg10 : memref<125x128xf32, #tpu.memory_space<vmem>>) offsets(%dma_start3A_209 : memref<125xi32, #tpu.memory_space<vmem>>) semaphore(%arg13 : memref<!tpu.dma_semaphore, #tpu.memory_space<semaphore_mem>>)
    }
    %scan3A_67 = arith.constant 19 : i32
    %dma_wait3A_68 = arith.constant 0 : i32
    %dma_wait3A_69 = arith.constant 0 : i32
    %dma_wait3A_70 = tpu.memref_slice %arg7[%dma_wait3A_68, %dma_wait3A_69] : memref<40x125xi32, #tpu.memory_space<vmem>> -> memref<1x125xi32, #tpu.memory_space<vmem>>
    %dma_wait3A_71 = tpu.memref_squeeze %dma_wait3A_70 : memref<1x125xi32, #tpu.memory_space<vmem>> -> memref<125xi32, #tpu.memory_space<vmem>>
    %dma_wait3A_72 = arith.constant 0 : i32
    %dma_wait3A_73 = arith.constant 0 : i32
    %dma_wait3A_74 = tpu.memref_slice %arg2[%dma_wait3A_72, %dma_wait3A_73] : memref<20000x128xf32, #tpu.memory_space<hbm>> -> memref<20000x128xf32, #tpu.memory_space<hbm>>
    tpu.wait_indirect_dma semaphore(%arg12 : memref<!tpu.dma_semaphore, #tpu.memory_space<semaphore_mem>>) src(%dma_wait3A_74 : memref<20000x128xf32, #tpu.memory_space<hbm>>) dst(%arg9 : memref<125x128xf32, #tpu.memory_space<vmem>>)
    %run_scoped3A_75 = arith.constant 38 : i32
    "tpu.region"() ({
      %run_scoped3A_178 = tpu.sem_alloc : memref<!tpu.dma_semaphore, #tpu.memory_space<semaphore_mem>>
      %dma_start3A_179 = arith.constant 0 : i32
      %dma_start3A_180 = tpu.memref_slice %arg8[%run_scoped3A_75, %dma_start3A_179] : memref<40x125xi32, #tpu.memory_space<vmem>> -> memref<1x125xi32, #tpu.memory_space<vmem>>
      %dma_start3A_181 = tpu.memref_squeeze %dma_start3A_180 : memref<1x125xi32, #tpu.memory_space<vmem>> -> memref<125xi32, #tpu.memory_space<vmem>>
      %dma_start3A_182 = arith.constant 0 : i32
      %dma_start3A_183 = arith.constant 0 : i32
      %dma_start3A_184 = tpu.memref_slice %arg11[%dma_start3A_182, %dma_start3A_183] : memref<10000x128xf32, #tpu.memory_space<vmem_shared>> -> memref<10000x128xf32, #tpu.memory_space<vmem_shared>>
      tpu.enqueue_indirect_dma source(%arg9 : memref<125x128xf32, #tpu.memory_space<vmem>>) target(%dma_start3A_184 : memref<10000x128xf32, #tpu.memory_space<vmem_shared>>) offsets(%dma_start3A_181 : memref<125xi32, #tpu.memory_space<vmem>>) semaphore(%run_scoped3A_178 : memref<!tpu.dma_semaphore, #tpu.memory_space<semaphore_mem>>) {add = true}
      %dma_wait3A_185 = arith.constant 0 : i32
      %dma_wait3A_186 = tpu.memref_slice %arg8[%run_scoped3A_75, %dma_wait3A_185] : memref<40x125xi32, #tpu.memory_space<vmem>> -> memref<1x125xi32, #tpu.memory_space<vmem>>
      %dma_wait3A_187 = tpu.memref_squeeze %dma_wait3A_186 : memref<1x125xi32, #tpu.memory_space<vmem>> -> memref<125xi32, #tpu.memory_space<vmem>>
      %dma_wait3A_188 = arith.constant 0 : i32
      %dma_wait3A_189 = arith.constant 0 : i32
      %dma_wait3A_190 = tpu.memref_slice %arg11[%dma_wait3A_188, %dma_wait3A_189] : memref<10000x128xf32, #tpu.memory_space<vmem_shared>> -> memref<10000x128xf32, #tpu.memory_space<vmem_shared>>
      tpu.wait_indirect_dma semaphore(%run_scoped3A_178 : memref<!tpu.dma_semaphore, #tpu.memory_space<semaphore_mem>>) src(%arg9 : memref<125x128xf32, #tpu.memory_space<vmem>>) dst(%dma_wait3A_190 : memref<10000x128xf32, #tpu.memory_space<vmem_shared>>)
      tpu.yield
    }) : () -> ()
    %dma_wait3A_76 = arith.constant 0 : i32
    %dma_wait3A_77 = arith.constant 0 : i32
    %dma_wait3A_78 = tpu.memref_slice %arg7[%dma_wait3A_76, %dma_wait3A_77] : memref<40x125xi32, #tpu.memory_space<vmem>> -> memref<1x125xi32, #tpu.memory_space<vmem>>
    %dma_wait3A_79 = tpu.memref_squeeze %dma_wait3A_78 : memref<1x125xi32, #tpu.memory_space<vmem>> -> memref<125xi32, #tpu.memory_space<vmem>>
    %dma_wait3A_80 = arith.constant 0 : i32
    %dma_wait3A_81 = arith.constant 0 : i32
    %dma_wait3A_82 = tpu.memref_slice %arg2[%dma_wait3A_80, %dma_wait3A_81] : memref<20000x128xf32, #tpu.memory_space<hbm>> -> memref<20000x128xf32, #tpu.memory_space<hbm>>
    tpu.wait_indirect_dma semaphore(%arg13 : memref<!tpu.dma_semaphore, #tpu.memory_space<semaphore_mem>>) src(%dma_wait3A_82 : memref<20000x128xf32, #tpu.memory_space<hbm>>) dst(%arg10 : memref<125x128xf32, #tpu.memory_space<vmem>>)
    %run_scoped3A_83 = arith.constant 39 : i32
    "tpu.region"() ({
      %run_scoped3A_178 = tpu.sem_alloc : memref<!tpu.dma_semaphore, #tpu.memory_space<semaphore_mem>>
      %dma_start3A_179 = arith.constant 0 : i32
      %dma_start3A_180 = tpu.memref_slice %arg8[%run_scoped3A_83, %dma_start3A_179] : memref<40x125xi32, #tpu.memory_space<vmem>> -> memref<1x125xi32, #tpu.memory_space<vmem>>
      %dma_start3A_181 = tpu.memref_squeeze %dma_start3A_180 : memref<1x125xi32, #tpu.memory_space<vmem>> -> memref<125xi32, #tpu.memory_space<vmem>>
      %dma_start3A_182 = arith.constant 0 : i32
      %dma_start3A_183 = arith.constant 0 : i32
      %dma_start3A_184 = tpu.memref_slice %arg11[%dma_start3A_182, %dma_start3A_183] : memref<10000x128xf32, #tpu.memory_space<vmem_shared>> -> memref<10000x128xf32, #tpu.memory_space<vmem_shared>>
      tpu.enqueue_indirect_dma source(%arg10 : memref<125x128xf32, #tpu.memory_space<vmem>>) target(%dma_start3A_184 : memref<10000x128xf32, #tpu.memory_space<vmem_shared>>) offsets(%dma_start3A_181 : memref<125xi32, #tpu.memory_space<vmem>>) semaphore(%run_scoped3A_178 : memref<!tpu.dma_semaphore, #tpu.memory_space<semaphore_mem>>) {add = true}
      %dma_wait3A_185 = arith.constant 0 : i32
      %dma_wait3A_186 = tpu.memref_slice %arg8[%run_scoped3A_83, %dma_wait3A_185] : memref<40x125xi32, #tpu.memory_space<vmem>> -> memref<1x125xi32, #tpu.memory_space<vmem>>
      %dma_wait3A_187 = tpu.memref_squeeze %dma_wait3A_186 : memref<1x125xi32, #tpu.memory_space<vmem>> -> memref<125xi32, #tpu.memory_space<vmem>>
      %dma_wait3A_188 = arith.constant 0 : i32
      %dma_wait3A_189 = arith.constant 0 : i32
      %dma_wait3A_190 = tpu.memref_slice %arg11[%dma_wait3A_188, %dma_wait3A_189] : memref<10000x128xf32, #tpu.memory_space<vmem_shared>> -> memref<10000x128xf32, #tpu.memory_space<vmem_shared>>
      tpu.wait_indirect_dma semaphore(%run_scoped3A_178 : memref<!tpu.dma_semaphore, #tpu.memory_space<semaphore_mem>>) src(%arg10 : memref<125x128xf32, #tpu.memory_space<vmem>>) dst(%dma_wait3A_190 : memref<10000x128xf32, #tpu.memory_space<vmem_shared>>)
      tpu.yield
    }) : () -> ()
    %mul3A_84 = arith.constant 4 : i32
    %mul3A_85 = arith.muli %arg1, %mul3A_84 : i32
    %add3A_86 = arith.constant 2 : i32
    %add3A_87 = arith.addi %mul3A_85, %add3A_86 : i32
    %mul3A_88 = arith.constant 64 : i32
    %mul3A_89 = arith.muli %arg0, %mul3A_88 : i32
    %add3A_90 = arith.addi %mul3A_89, %add3A_87 : i32
    "tpu.region"() ({
      %run_scoped3A_178 = tpu.sem_alloc : memref<!tpu.dma_semaphore, #tpu.memory_space<semaphore_mem>>
      %dma_start3A_179 = arith.constant 0 : i32
      %dma_start3A_180 = arith.constant 0 : i32
      %dma_start3A_181 = tpu.memref_slice %arg3[%add3A_90, %dma_start3A_179, %dma_start3A_180] : memref<128x40x125xi32, #tpu.memory_space<hbm>> -> memref<1x40x125xi32, #tpu.memory_space<hbm>>
      %dma_start3A_182 = tpu.memref_squeeze %dma_start3A_181 : memref<1x40x125xi32, #tpu.memory_space<hbm>> -> memref<40x125xi32, #tpu.memory_space<hbm>>
      %dma_start3A_183 = arith.constant 0 : i32
      %dma_start3A_184 = arith.constant 0 : i32
      %dma_start3A_185 = tpu.memref_slice %arg3[%add3A_90, %dma_start3A_183, %dma_start3A_184] : memref<128x40x125xi32, #tpu.memory_space<hbm>> -> memref<1x40x125xi32, #tpu.memory_space<hbm>>
      %dma_start3A_186 = tpu.memref_squeeze %dma_start3A_185 : memref<1x40x125xi32, #tpu.memory_space<hbm>> -> memref<40x125xi32, #tpu.memory_space<hbm>>
      tpu.enqueue_dma source(%dma_start3A_186 : memref<40x125xi32, #tpu.memory_space<hbm>>) target(%arg7 : memref<40x125xi32, #tpu.memory_space<vmem>>) target_semaphore(%run_scoped3A_178 : memref<!tpu.dma_semaphore, #tpu.memory_space<semaphore_mem>>)
      %dma_wait3A_187 = arith.constant 0 : i32
      %dma_wait3A_188 = arith.constant 0 : i32
      %dma_wait3A_189 = tpu.memref_slice %arg3[%add3A_90, %dma_wait3A_187, %dma_wait3A_188] : memref<128x40x125xi32, #tpu.memory_space<hbm>> -> memref<1x40x125xi32, #tpu.memory_space<hbm>>
      %dma_wait3A_190 = tpu.memref_squeeze %dma_wait3A_189 : memref<1x40x125xi32, #tpu.memory_space<hbm>> -> memref<40x125xi32, #tpu.memory_space<hbm>>
      %dma_wait3A_191 = arith.constant 0 : i32
      %dma_wait3A_192 = arith.constant 0 : i32
      %dma_wait3A_193 = tpu.memref_slice %arg3[%add3A_90, %dma_wait3A_191, %dma_wait3A_192] : memref<128x40x125xi32, #tpu.memory_space<hbm>> -> memref<1x40x125xi32, #tpu.memory_space<hbm>>
      %dma_wait3A_194 = tpu.memref_squeeze %dma_wait3A_193 : memref<1x40x125xi32, #tpu.memory_space<hbm>> -> memref<40x125xi32, #tpu.memory_space<hbm>>
      tpu.wait_dma2 semaphore(%run_scoped3A_178 : memref<!tpu.dma_semaphore, #tpu.memory_space<semaphore_mem>>) src(%dma_wait3A_194 : memref<40x125xi32, #tpu.memory_space<hbm>>) dst(%arg7 : memref<40x125xi32, #tpu.memory_space<vmem>>)
      tpu.yield
    }) : () -> ()
    "tpu.region"() ({
      %run_scoped3A_178 = tpu.sem_alloc : memref<!tpu.dma_semaphore, #tpu.memory_space<semaphore_mem>>
      %dma_start3A_179 = arith.constant 0 : i32
      %dma_start3A_180 = arith.constant 0 : i32
      %dma_start3A_181 = tpu.memref_slice %arg4[%add3A_87, %dma_start3A_179, %dma_start3A_180] : memref<64x40x125xi32, #tpu.memory_space<hbm>> -> memref<1x40x125xi32, #tpu.memory_space<hbm>>
      %dma_start3A_182 = tpu.memref_squeeze %dma_start3A_181 : memref<1x40x125xi32, #tpu.memory_space<hbm>> -> memref<40x125xi32, #tpu.memory_space<hbm>>
      %dma_start3A_183 = arith.constant 0 : i32
      %dma_start3A_184 = arith.constant 0 : i32
      %dma_start3A_185 = tpu.memref_slice %arg4[%add3A_87, %dma_start3A_183, %dma_start3A_184] : memref<64x40x125xi32, #tpu.memory_space<hbm>> -> memref<1x40x125xi32, #tpu.memory_space<hbm>>
      %dma_start3A_186 = tpu.memref_squeeze %dma_start3A_185 : memref<1x40x125xi32, #tpu.memory_space<hbm>> -> memref<40x125xi32, #tpu.memory_space<hbm>>
      tpu.enqueue_dma source(%dma_start3A_186 : memref<40x125xi32, #tpu.memory_space<hbm>>) target(%arg8 : memref<40x125xi32, #tpu.memory_space<vmem>>) target_semaphore(%run_scoped3A_178 : memref<!tpu.dma_semaphore, #tpu.memory_space<semaphore_mem>>)
      %dma_wait3A_187 = arith.constant 0 : i32
      %dma_wait3A_188 = arith.constant 0 : i32
      %dma_wait3A_189 = tpu.memref_slice %arg4[%add3A_87, %dma_wait3A_187, %dma_wait3A_188] : memref<64x40x125xi32, #tpu.memory_space<hbm>> -> memref<1x40x125xi32, #tpu.memory_space<hbm>>
      %dma_wait3A_190 = tpu.memref_squeeze %dma_wait3A_189 : memref<1x40x125xi32, #tpu.memory_space<hbm>> -> memref<40x125xi32, #tpu.memory_space<hbm>>
      %dma_wait3A_191 = arith.constant 0 : i32
      %dma_wait3A_192 = arith.constant 0 : i32
      %dma_wait3A_193 = tpu.memref_slice %arg4[%add3A_87, %dma_wait3A_191, %dma_wait3A_192] : memref<64x40x125xi32, #tpu.memory_space<hbm>> -> memref<1x40x125xi32, #tpu.memory_space<hbm>>
      %dma_wait3A_194 = tpu.memref_squeeze %dma_wait3A_193 : memref<1x40x125xi32, #tpu.memory_space<hbm>> -> memref<40x125xi32, #tpu.memory_space<hbm>>
      tpu.wait_dma2 semaphore(%run_scoped3A_178 : memref<!tpu.dma_semaphore, #tpu.memory_space<semaphore_mem>>) src(%dma_wait3A_194 : memref<40x125xi32, #tpu.memory_space<hbm>>) dst(%arg8 : memref<40x125xi32, #tpu.memory_space<vmem>>)
      tpu.yield
    }) : () -> ()
    %dma_start3A_91 = arith.constant 0 : i32
    %dma_start3A_92 = arith.constant 0 : i32
    %dma_start3A_93 = tpu.memref_slice %arg7[%dma_start3A_91, %dma_start3A_92] : memref<40x125xi32, #tpu.memory_space<vmem>> -> memref<1x125xi32, #tpu.memory_space<vmem>>
    %dma_start3A_94 = tpu.memref_squeeze %dma_start3A_93 : memref<1x125xi32, #tpu.memory_space<vmem>> -> memref<125xi32, #tpu.memory_space<vmem>>
    %dma_start3A_95 = arith.constant 0 : i32
    %dma_start3A_96 = arith.constant 0 : i32
    %dma_start3A_97 = tpu.memref_slice %arg2[%dma_start3A_95, %dma_start3A_96] : memref<20000x128xf32, #tpu.memory_space<hbm>> -> memref<20000x128xf32, #tpu.memory_space<hbm>>
    tpu.enqueue_indirect_dma source(%dma_start3A_97 : memref<20000x128xf32, #tpu.memory_space<hbm>>) target(%arg9 : memref<125x128xf32, #tpu.memory_space<vmem>>) offsets(%dma_start3A_94 : memref<125xi32, #tpu.memory_space<vmem>>) semaphore(%arg12 : memref<!tpu.dma_semaphore, #tpu.memory_space<semaphore_mem>>)
    %dma_start3A_98 = arith.constant 1 : i32
    %dma_start3A_99 = arith.constant 0 : i32
    %dma_start3A_100 = tpu.memref_slice %arg7[%dma_start3A_98, %dma_start3A_99] : memref<40x125xi32, #tpu.memory_space<vmem>> -> memref<1x125xi32, #tpu.memory_space<vmem>>
    %dma_start3A_101 = tpu.memref_squeeze %dma_start3A_100 : memref<1x125xi32, #tpu.memory_space<vmem>> -> memref<125xi32, #tpu.memory_space<vmem>>
    %dma_start3A_102 = arith.constant 0 : i32
    %dma_start3A_103 = arith.constant 0 : i32
    %dma_start3A_104 = tpu.memref_slice %arg2[%dma_start3A_102, %dma_start3A_103] : memref<20000x128xf32, #tpu.memory_space<hbm>> -> memref<20000x128xf32, #tpu.memory_space<hbm>>
    tpu.enqueue_indirect_dma source(%dma_start3A_104 : memref<20000x128xf32, #tpu.memory_space<hbm>>) target(%arg10 : memref<125x128xf32, #tpu.memory_space<vmem>>) offsets(%dma_start3A_101 : memref<125xi32, #tpu.memory_space<vmem>>) semaphore(%arg13 : memref<!tpu.dma_semaphore, #tpu.memory_space<semaphore_mem>>)
    %scan3A_105 = arith.constant 0 : i32
    %scan3A_106 = arith.constant 0 : i32
    %scan3A_107 = arith.constant 19 : i32
    %scan3A_108 = arith.addi %scan3A_106, %scan3A_107 : i32
    %scan3A_109 = arith.constant 1 : i32
    scf.for %scan3A_178 = %scan3A_106 to %scan3A_108 step %scan3A_109  : i32 {
      %mul3A_179 = arith.constant 2 : i32
      %mul3A_180 = arith.muli %mul3A_179, %scan3A_178 : i32
      %dma_wait3A_181 = arith.constant 0 : i32
      %dma_wait3A_182 = arith.constant 0 : i32
      %dma_wait3A_183 = tpu.memref_slice %arg7[%dma_wait3A_181, %dma_wait3A_182] : memref<40x125xi32, #tpu.memory_space<vmem>> -> memref<1x125xi32, #tpu.memory_space<vmem>>
      %dma_wait3A_184 = tpu.memref_squeeze %dma_wait3A_183 : memref<1x125xi32, #tpu.memory_space<vmem>> -> memref<125xi32, #tpu.memory_space<vmem>>
      %dma_wait3A_185 = arith.constant 0 : i32
      %dma_wait3A_186 = arith.constant 0 : i32
      %dma_wait3A_187 = tpu.memref_slice %arg2[%dma_wait3A_185, %dma_wait3A_186] : memref<20000x128xf32, #tpu.memory_space<hbm>> -> memref<20000x128xf32, #tpu.memory_space<hbm>>
      tpu.wait_indirect_dma semaphore(%arg12 : memref<!tpu.dma_semaphore, #tpu.memory_space<semaphore_mem>>) src(%dma_wait3A_187 : memref<20000x128xf32, #tpu.memory_space<hbm>>) dst(%arg9 : memref<125x128xf32, #tpu.memory_space<vmem>>)
      "tpu.region"() ({
        %run_scoped3A_213 = tpu.sem_alloc : memref<!tpu.dma_semaphore, #tpu.memory_space<semaphore_mem>>
        %dma_start3A_214 = arith.constant 0 : i32
        %dma_start3A_215 = tpu.memref_slice %arg8[%mul3A_180, %dma_start3A_214] : memref<40x125xi32, #tpu.memory_space<vmem>> -> memref<1x125xi32, #tpu.memory_space<vmem>>
        %dma_start3A_216 = tpu.memref_squeeze %dma_start3A_215 : memref<1x125xi32, #tpu.memory_space<vmem>> -> memref<125xi32, #tpu.memory_space<vmem>>
        %dma_start3A_217 = arith.constant 0 : i32
        %dma_start3A_218 = arith.constant 0 : i32
        %dma_start3A_219 = tpu.memref_slice %arg11[%dma_start3A_217, %dma_start3A_218] : memref<10000x128xf32, #tpu.memory_space<vmem_shared>> -> memref<10000x128xf32, #tpu.memory_space<vmem_shared>>
        tpu.enqueue_indirect_dma source(%arg9 : memref<125x128xf32, #tpu.memory_space<vmem>>) target(%dma_start3A_219 : memref<10000x128xf32, #tpu.memory_space<vmem_shared>>) offsets(%dma_start3A_216 : memref<125xi32, #tpu.memory_space<vmem>>) semaphore(%run_scoped3A_213 : memref<!tpu.dma_semaphore, #tpu.memory_space<semaphore_mem>>) {add = true}
        %dma_wait3A_220 = arith.constant 0 : i32
        %dma_wait3A_221 = tpu.memref_slice %arg8[%mul3A_180, %dma_wait3A_220] : memref<40x125xi32, #tpu.memory_space<vmem>> -> memref<1x125xi32, #tpu.memory_space<vmem>>
        %dma_wait3A_222 = tpu.memref_squeeze %dma_wait3A_221 : memref<1x125xi32, #tpu.memory_space<vmem>> -> memref<125xi32, #tpu.memory_space<vmem>>
        %dma_wait3A_223 = arith.constant 0 : i32
        %dma_wait3A_224 = arith.constant 0 : i32
        %dma_wait3A_225 = tpu.memref_slice %arg11[%dma_wait3A_223, %dma_wait3A_224] : memref<10000x128xf32, #tpu.memory_space<vmem_shared>> -> memref<10000x128xf32, #tpu.memory_space<vmem_shared>>
        tpu.wait_indirect_dma semaphore(%run_scoped3A_213 : memref<!tpu.dma_semaphore, #tpu.memory_space<semaphore_mem>>) src(%arg9 : memref<125x128xf32, #tpu.memory_space<vmem>>) dst(%dma_wait3A_225 : memref<10000x128xf32, #tpu.memory_space<vmem_shared>>)
        tpu.yield
      }) : () -> ()
      %add3A_188 = arith.constant 2 : i32
      %add3A_189 = arith.addi %mul3A_180, %add3A_188 : i32
      %dma_start3A_190 = arith.constant 0 : i32
      %dma_start3A_191 = tpu.memref_slice %arg7[%add3A_189, %dma_start3A_190] : memref<40x125xi32, #tpu.memory_space<vmem>> -> memref<1x125xi32, #tpu.memory_space<vmem>>
      %dma_start3A_192 = tpu.memref_squeeze %dma_start3A_191 : memref<1x125xi32, #tpu.memory_space<vmem>> -> memref<125xi32, #tpu.memory_space<vmem>>
      %dma_start3A_193 = arith.constant 0 : i32
      %dma_start3A_194 = arith.constant 0 : i32
      %dma_start3A_195 = tpu.memref_slice %arg2[%dma_start3A_193, %dma_start3A_194] : memref<20000x128xf32, #tpu.memory_space<hbm>> -> memref<20000x128xf32, #tpu.memory_space<hbm>>
      tpu.enqueue_indirect_dma source(%dma_start3A_195 : memref<20000x128xf32, #tpu.memory_space<hbm>>) target(%arg9 : memref<125x128xf32, #tpu.memory_space<vmem>>) offsets(%dma_start3A_192 : memref<125xi32, #tpu.memory_space<vmem>>) semaphore(%arg12 : memref<!tpu.dma_semaphore, #tpu.memory_space<semaphore_mem>>)
      %dma_wait3A_196 = arith.constant 0 : i32
      %dma_wait3A_197 = arith.constant 0 : i32
      %dma_wait3A_198 = tpu.memref_slice %arg7[%dma_wait3A_196, %dma_wait3A_197] : memref<40x125xi32, #tpu.memory_space<vmem>> -> memref<1x125xi32, #tpu.memory_space<vmem>>
      %dma_wait3A_199 = tpu.memref_squeeze %dma_wait3A_198 : memref<1x125xi32, #tpu.memory_space<vmem>> -> memref<125xi32, #tpu.memory_space<vmem>>
      %dma_wait3A_200 = arith.constant 0 : i32
      %dma_wait3A_201 = arith.constant 0 : i32
      %dma_wait3A_202 = tpu.memref_slice %arg2[%dma_wait3A_200, %dma_wait3A_201] : memref<20000x128xf32, #tpu.memory_space<hbm>> -> memref<20000x128xf32, #tpu.memory_space<hbm>>
      tpu.wait_indirect_dma semaphore(%arg13 : memref<!tpu.dma_semaphore, #tpu.memory_space<semaphore_mem>>) src(%dma_wait3A_202 : memref<20000x128xf32, #tpu.memory_space<hbm>>) dst(%arg10 : memref<125x128xf32, #tpu.memory_space<vmem>>)
      %add3A_203 = arith.constant 1 : i32
      %add3A_204 = arith.addi %mul3A_180, %add3A_203 : i32
      "tpu.region"() ({
        %run_scoped3A_213 = tpu.sem_alloc : memref<!tpu.dma_semaphore, #tpu.memory_space<semaphore_mem>>
        %dma_start3A_214 = arith.constant 0 : i32
        %dma_start3A_215 = tpu.memref_slice %arg8[%add3A_204, %dma_start3A_214] : memref<40x125xi32, #tpu.memory_space<vmem>> -> memref<1x125xi32, #tpu.memory_space<vmem>>
        %dma_start3A_216 = tpu.memref_squeeze %dma_start3A_215 : memref<1x125xi32, #tpu.memory_space<vmem>> -> memref<125xi32, #tpu.memory_space<vmem>>
        %dma_start3A_217 = arith.constant 0 : i32
        %dma_start3A_218 = arith.constant 0 : i32
        %dma_start3A_219 = tpu.memref_slice %arg11[%dma_start3A_217, %dma_start3A_218] : memref<10000x128xf32, #tpu.memory_space<vmem_shared>> -> memref<10000x128xf32, #tpu.memory_space<vmem_shared>>
        tpu.enqueue_indirect_dma source(%arg10 : memref<125x128xf32, #tpu.memory_space<vmem>>) target(%dma_start3A_219 : memref<10000x128xf32, #tpu.memory_space<vmem_shared>>) offsets(%dma_start3A_216 : memref<125xi32, #tpu.memory_space<vmem>>) semaphore(%run_scoped3A_213 : memref<!tpu.dma_semaphore, #tpu.memory_space<semaphore_mem>>) {add = true}
        %dma_wait3A_220 = arith.constant 0 : i32
        %dma_wait3A_221 = tpu.memref_slice %arg8[%add3A_204, %dma_wait3A_220] : memref<40x125xi32, #tpu.memory_space<vmem>> -> memref<1x125xi32, #tpu.memory_space<vmem>>
        %dma_wait3A_222 = tpu.memref_squeeze %dma_wait3A_221 : memref<1x125xi32, #tpu.memory_space<vmem>> -> memref<125xi32, #tpu.memory_space<vmem>>
        %dma_wait3A_223 = arith.constant 0 : i32
        %dma_wait3A_224 = arith.constant 0 : i32
        %dma_wait3A_225 = tpu.memref_slice %arg11[%dma_wait3A_223, %dma_wait3A_224] : memref<10000x128xf32, #tpu.memory_space<vmem_shared>> -> memref<10000x128xf32, #tpu.memory_space<vmem_shared>>
        tpu.wait_indirect_dma semaphore(%run_scoped3A_213 : memref<!tpu.dma_semaphore, #tpu.memory_space<semaphore_mem>>) src(%arg10 : memref<125x128xf32, #tpu.memory_space<vmem>>) dst(%dma_wait3A_225 : memref<10000x128xf32, #tpu.memory_space<vmem_shared>>)
        tpu.yield
      }) : () -> ()
      %add3A_205 = arith.constant 3 : i32
      %add3A_206 = arith.addi %mul3A_180, %add3A_205 : i32
      %dma_start3A_207 = arith.constant 0 : i32
      %dma_start3A_208 = tpu.memref_slice %arg7[%add3A_206, %dma_start3A_207] : memref<40x125xi32, #tpu.memory_space<vmem>> -> memref<1x125xi32, #tpu.memory_space<vmem>>
      %dma_start3A_209 = tpu.memref_squeeze %dma_start3A_208 : memref<1x125xi32, #tpu.memory_space<vmem>> -> memref<125xi32, #tpu.memory_space<vmem>>
      %dma_start3A_210 = arith.constant 0 : i32
      %dma_start3A_211 = arith.constant 0 : i32
      %dma_start3A_212 = tpu.memref_slice %arg2[%dma_start3A_210, %dma_start3A_211] : memref<20000x128xf32, #tpu.memory_space<hbm>> -> memref<20000x128xf32, #tpu.memory_space<hbm>>
      tpu.enqueue_indirect_dma source(%dma_start3A_212 : memref<20000x128xf32, #tpu.memory_space<hbm>>) target(%arg10 : memref<125x128xf32, #tpu.memory_space<vmem>>) offsets(%dma_start3A_209 : memref<125xi32, #tpu.memory_space<vmem>>) semaphore(%arg13 : memref<!tpu.dma_semaphore, #tpu.memory_space<semaphore_mem>>)
    }
    %scan3A_110 = arith.constant 19 : i32
    %dma_wait3A_111 = arith.constant 0 : i32
    %dma_wait3A_112 = arith.constant 0 : i32
    %dma_wait3A_113 = tpu.memref_slice %arg7[%dma_wait3A_111, %dma_wait3A_112] : memref<40x125xi32, #tpu.memory_space<vmem>> -> memref<1x125xi32, #tpu.memory_space<vmem>>
    %dma_wait3A_114 = tpu.memref_squeeze %dma_wait3A_113 : memref<1x125xi32, #tpu.memory_space<vmem>> -> memref<125xi32, #tpu.memory_space<vmem>>
    %dma_wait3A_115 = arith.constant 0 : i32
    %dma_wait3A_116 = arith.constant 0 : i32
    %dma_wait3A_117 = tpu.memref_slice %arg2[%dma_wait3A_115, %dma_wait3A_116] : memref<20000x128xf32, #tpu.memory_space<hbm>> -> memref<20000x128xf32, #tpu.memory_space<hbm>>
    tpu.wait_indirect_dma semaphore(%arg12 : memref<!tpu.dma_semaphore, #tpu.memory_space<semaphore_mem>>) src(%dma_wait3A_117 : memref<20000x128xf32, #tpu.memory_space<hbm>>) dst(%arg9 : memref<125x128xf32, #tpu.memory_space<vmem>>)
    %run_scoped3A_118 = arith.constant 38 : i32
    "tpu.region"() ({
      %run_scoped3A_178 = tpu.sem_alloc : memref<!tpu.dma_semaphore, #tpu.memory_space<semaphore_mem>>
      %dma_start3A_179 = arith.constant 0 : i32
      %dma_start3A_180 = tpu.memref_slice %arg8[%run_scoped3A_118, %dma_start3A_179] : memref<40x125xi32, #tpu.memory_space<vmem>> -> memref<1x125xi32, #tpu.memory_space<vmem>>
      %dma_start3A_181 = tpu.memref_squeeze %dma_start3A_180 : memref<1x125xi32, #tpu.memory_space<vmem>> -> memref<125xi32, #tpu.memory_space<vmem>>
      %dma_start3A_182 = arith.constant 0 : i32
      %dma_start3A_183 = arith.constant 0 : i32
      %dma_start3A_184 = tpu.memref_slice %arg11[%dma_start3A_182, %dma_start3A_183] : memref<10000x128xf32, #tpu.memory_space<vmem_shared>> -> memref<10000x128xf32, #tpu.memory_space<vmem_shared>>
      tpu.enqueue_indirect_dma source(%arg9 : memref<125x128xf32, #tpu.memory_space<vmem>>) target(%dma_start3A_184 : memref<10000x128xf32, #tpu.memory_space<vmem_shared>>) offsets(%dma_start3A_181 : memref<125xi32, #tpu.memory_space<vmem>>) semaphore(%run_scoped3A_178 : memref<!tpu.dma_semaphore, #tpu.memory_space<semaphore_mem>>) {add = true}
      %dma_wait3A_185 = arith.constant 0 : i32
      %dma_wait3A_186 = tpu.memref_slice %arg8[%run_scoped3A_118, %dma_wait3A_185] : memref<40x125xi32, #tpu.memory_space<vmem>> -> memref<1x125xi32, #tpu.memory_space<vmem>>
      %dma_wait3A_187 = tpu.memref_squeeze %dma_wait3A_186 : memref<1x125xi32, #tpu.memory_space<vmem>> -> memref<125xi32, #tpu.memory_space<vmem>>
      %dma_wait3A_188 = arith.constant 0 : i32
      %dma_wait3A_189 = arith.constant 0 : i32
      %dma_wait3A_190 = tpu.memref_slice %arg11[%dma_wait3A_188, %dma_wait3A_189] : memref<10000x128xf32, #tpu.memory_space<vmem_shared>> -> memref<10000x128xf32, #tpu.memory_space<vmem_shared>>
      tpu.wait_indirect_dma semaphore(%run_scoped3A_178 : memref<!tpu.dma_semaphore, #tpu.memory_space<semaphore_mem>>) src(%arg9 : memref<125x128xf32, #tpu.memory_space<vmem>>) dst(%dma_wait3A_190 : memref<10000x128xf32, #tpu.memory_space<vmem_shared>>)
      tpu.yield
    }) : () -> ()
    %dma_wait3A_119 = arith.constant 0 : i32
    %dma_wait3A_120 = arith.constant 0 : i32
    %dma_wait3A_121 = tpu.memref_slice %arg7[%dma_wait3A_119, %dma_wait3A_120] : memref<40x125xi32, #tpu.memory_space<vmem>> -> memref<1x125xi32, #tpu.memory_space<vmem>>
    %dma_wait3A_122 = tpu.memref_squeeze %dma_wait3A_121 : memref<1x125xi32, #tpu.memory_space<vmem>> -> memref<125xi32, #tpu.memory_space<vmem>>
    %dma_wait3A_123 = arith.constant 0 : i32
    %dma_wait3A_124 = arith.constant 0 : i32
    %dma_wait3A_125 = tpu.memref_slice %arg2[%dma_wait3A_123, %dma_wait3A_124] : memref<20000x128xf32, #tpu.memory_space<hbm>> -> memref<20000x128xf32, #tpu.memory_space<hbm>>
    tpu.wait_indirect_dma semaphore(%arg13 : memref<!tpu.dma_semaphore, #tpu.memory_space<semaphore_mem>>) src(%dma_wait3A_125 : memref<20000x128xf32, #tpu.memory_space<hbm>>) dst(%arg10 : memref<125x128xf32, #tpu.memory_space<vmem>>)
    %run_scoped3A_126 = arith.constant 39 : i32
    "tpu.region"() ({
      %run_scoped3A_178 = tpu.sem_alloc : memref<!tpu.dma_semaphore, #tpu.memory_space<semaphore_mem>>
      %dma_start3A_179 = arith.constant 0 : i32
      %dma_start3A_180 = tpu.memref_slice %arg8[%run_scoped3A_126, %dma_start3A_179] : memref<40x125xi32, #tpu.memory_space<vmem>> -> memref<1x125xi32, #tpu.memory_space<vmem>>
      %dma_start3A_181 = tpu.memref_squeeze %dma_start3A_180 : memref<1x125xi32, #tpu.memory_space<vmem>> -> memref<125xi32, #tpu.memory_space<vmem>>
      %dma_start3A_182 = arith.constant 0 : i32
      %dma_start3A_183 = arith.constant 0 : i32
      %dma_start3A_184 = tpu.memref_slice %arg11[%dma_start3A_182, %dma_start3A_183] : memref<10000x128xf32, #tpu.memory_space<vmem_shared>> -> memref<10000x128xf32, #tpu.memory_space<vmem_shared>>
      tpu.enqueue_indirect_dma source(%arg10 : memref<125x128xf32, #tpu.memory_space<vmem>>) target(%dma_start3A_184 : memref<10000x128xf32, #tpu.memory_space<vmem_shared>>) offsets(%dma_start3A_181 : memref<125xi32, #tpu.memory_space<vmem>>) semaphore(%run_scoped3A_178 : memref<!tpu.dma_semaphore, #tpu.memory_space<semaphore_mem>>) {add = true}
      %dma_wait3A_185 = arith.constant 0 : i32
      %dma_wait3A_186 = tpu.memref_slice %arg8[%run_scoped3A_126, %dma_wait3A_185] : memref<40x125xi32, #tpu.memory_space<vmem>> -> memref<1x125xi32, #tpu.memory_space<vmem>>
      %dma_wait3A_187 = tpu.memref_squeeze %dma_wait3A_186 : memref<1x125xi32, #tpu.memory_space<vmem>> -> memref<125xi32, #tpu.memory_space<vmem>>
      %dma_wait3A_188 = arith.constant 0 : i32
      %dma_wait3A_189 = arith.constant 0 : i32
      %dma_wait3A_190 = tpu.memref_slice %arg11[%dma_wait3A_188, %dma_wait3A_189] : memref<10000x128xf32, #tpu.memory_space<vmem_shared>> -> memref<10000x128xf32, #tpu.memory_space<vmem_shared>>
      tpu.wait_indirect_dma semaphore(%run_scoped3A_178 : memref<!tpu.dma_semaphore, #tpu.memory_space<semaphore_mem>>) src(%arg10 : memref<125x128xf32, #tpu.memory_space<vmem>>) dst(%dma_wait3A_190 : memref<10000x128xf32, #tpu.memory_space<vmem_shared>>)
      tpu.yield
    }) : () -> ()
    %mul3A_127 = arith.constant 4 : i32
    %mul3A_128 = arith.muli %arg1, %mul3A_127 : i32
    %add3A_129 = arith.constant 3 : i32
    %add3A_130 = arith.addi %mul3A_128, %add3A_129 : i32
    %mul3A_131 = arith.constant 64 : i32
    %mul3A_132 = arith.muli %arg0, %mul3A_131 : i32
    %add3A_133 = arith.addi %mul3A_132, %add3A_130 : i32
    "tpu.region"() ({
      %run_scoped3A_178 = tpu.sem_alloc : memref<!tpu.dma_semaphore, #tpu.memory_space<semaphore_mem>>
      %dma_start3A_179 = arith.constant 0 : i32
      %dma_start3A_180 = arith.constant 0 : i32
      %dma_start3A_181 = tpu.memref_slice %arg3[%add3A_133, %dma_start3A_179, %dma_start3A_180] : memref<128x40x125xi32, #tpu.memory_space<hbm>> -> memref<1x40x125xi32, #tpu.memory_space<hbm>>
      %dma_start3A_182 = tpu.memref_squeeze %dma_start3A_181 : memref<1x40x125xi32, #tpu.memory_space<hbm>> -> memref<40x125xi32, #tpu.memory_space<hbm>>
      %dma_start3A_183 = arith.constant 0 : i32
      %dma_start3A_184 = arith.constant 0 : i32
      %dma_start3A_185 = tpu.memref_slice %arg3[%add3A_133, %dma_start3A_183, %dma_start3A_184] : memref<128x40x125xi32, #tpu.memory_space<hbm>> -> memref<1x40x125xi32, #tpu.memory_space<hbm>>
      %dma_start3A_186 = tpu.memref_squeeze %dma_start3A_185 : memref<1x40x125xi32, #tpu.memory_space<hbm>> -> memref<40x125xi32, #tpu.memory_space<hbm>>
      tpu.enqueue_dma source(%dma_start3A_186 : memref<40x125xi32, #tpu.memory_space<hbm>>) target(%arg7 : memref<40x125xi32, #tpu.memory_space<vmem>>) target_semaphore(%run_scoped3A_178 : memref<!tpu.dma_semaphore, #tpu.memory_space<semaphore_mem>>)
      %dma_wait3A_187 = arith.constant 0 : i32
      %dma_wait3A_188 = arith.constant 0 : i32
      %dma_wait3A_189 = tpu.memref_slice %arg3[%add3A_133, %dma_wait3A_187, %dma_wait3A_188] : memref<128x40x125xi32, #tpu.memory_space<hbm>> -> memref<1x40x125xi32, #tpu.memory_space<hbm>>
      %dma_wait3A_190 = tpu.memref_squeeze %dma_wait3A_189 : memref<1x40x125xi32, #tpu.memory_space<hbm>> -> memref<40x125xi32, #tpu.memory_space<hbm>>
      %dma_wait3A_191 = arith.constant 0 : i32
      %dma_wait3A_192 = arith.constant 0 : i32
      %dma_wait3A_193 = tpu.memref_slice %arg3[%add3A_133, %dma_wait3A_191, %dma_wait3A_192] : memref<128x40x125xi32, #tpu.memory_space<hbm>> -> memref<1x40x125xi32, #tpu.memory_space<hbm>>
      %dma_wait3A_194 = tpu.memref_squeeze %dma_wait3A_193 : memref<1x40x125xi32, #tpu.memory_space<hbm>> -> memref<40x125xi32, #tpu.memory_space<hbm>>
      tpu.wait_dma2 semaphore(%run_scoped3A_178 : memref<!tpu.dma_semaphore, #tpu.memory_space<semaphore_mem>>) src(%dma_wait3A_194 : memref<40x125xi32, #tpu.memory_space<hbm>>) dst(%arg7 : memref<40x125xi32, #tpu.memory_space<vmem>>)
      tpu.yield
    }) : () -> ()
    "tpu.region"() ({
      %run_scoped3A_178 = tpu.sem_alloc : memref<!tpu.dma_semaphore, #tpu.memory_space<semaphore_mem>>
      %dma_start3A_179 = arith.constant 0 : i32
      %dma_start3A_180 = arith.constant 0 : i32
      %dma_start3A_181 = tpu.memref_slice %arg4[%add3A_130, %dma_start3A_179, %dma_start3A_180] : memref<64x40x125xi32, #tpu.memory_space<hbm>> -> memref<1x40x125xi32, #tpu.memory_space<hbm>>
      %dma_start3A_182 = tpu.memref_squeeze %dma_start3A_181 : memref<1x40x125xi32, #tpu.memory_space<hbm>> -> memref<40x125xi32, #tpu.memory_space<hbm>>
      %dma_start3A_183 = arith.constant 0 : i32
      %dma_start3A_184 = arith.constant 0 : i32
      %dma_start3A_185 = tpu.memref_slice %arg4[%add3A_130, %dma_start3A_183, %dma_start3A_184] : memref<64x40x125xi32, #tpu.memory_space<hbm>> -> memref<1x40x125xi32, #tpu.memory_space<hbm>>
      %dma_start3A_186 = tpu.memref_squeeze %dma_start3A_185 : memref<1x40x125xi32, #tpu.memory_space<hbm>> -> memref<40x125xi32, #tpu.memory_space<hbm>>
      tpu.enqueue_dma source(%dma_start3A_186 : memref<40x125xi32, #tpu.memory_space<hbm>>) target(%arg8 : memref<40x125xi32, #tpu.memory_space<vmem>>) target_semaphore(%run_scoped3A_178 : memref<!tpu.dma_semaphore, #tpu.memory_space<semaphore_mem>>)
      %dma_wait3A_187 = arith.constant 0 : i32
      %dma_wait3A_188 = arith.constant 0 : i32
      %dma_wait3A_189 = tpu.memref_slice %arg4[%add3A_130, %dma_wait3A_187, %dma_wait3A_188] : memref<64x40x125xi32, #tpu.memory_space<hbm>> -> memref<1x40x125xi32, #tpu.memory_space<hbm>>
      %dma_wait3A_190 = tpu.memref_squeeze %dma_wait3A_189 : memref<1x40x125xi32, #tpu.memory_space<hbm>> -> memref<40x125xi32, #tpu.memory_space<hbm>>
      %dma_wait3A_191 = arith.constant 0 : i32
      %dma_wait3A_192 = arith.constant 0 : i32
      %dma_wait3A_193 = tpu.memref_slice %arg4[%add3A_130, %dma_wait3A_191, %dma_wait3A_192] : memref<64x40x125xi32, #tpu.memory_space<hbm>> -> memref<1x40x125xi32, #tpu.memory_space<hbm>>
      %dma_wait3A_194 = tpu.memref_squeeze %dma_wait3A_193 : memref<1x40x125xi32, #tpu.memory_space<hbm>> -> memref<40x125xi32, #tpu.memory_space<hbm>>
      tpu.wait_dma2 semaphore(%run_scoped3A_178 : memref<!tpu.dma_semaphore, #tpu.memory_space<semaphore_mem>>) src(%dma_wait3A_194 : memref<40x125xi32, #tpu.memory_space<hbm>>) dst(%arg8 : memref<40x125xi32, #tpu.memory_space<vmem>>)
      tpu.yield
    }) : () -> ()
    %dma_start3A_134 = arith.constant 0 : i32
    %dma_start3A_135 = arith.constant 0 : i32
    %dma_start3A_136 = tpu.memref_slice %arg7[%dma_start3A_134, %dma_start3A_135] : memref<40x125xi32, #tpu.memory_space<vmem>> -> memref<1x125xi32, #tpu.memory_space<vmem>>
    %dma_start3A_137 = tpu.memref_squeeze %dma_start3A_136 : memref<1x125xi32, #tpu.memory_space<vmem>> -> memref<125xi32, #tpu.memory_space<vmem>>
    %dma_start3A_138 = arith.constant 0 : i32
    %dma_start3A_139 = arith.constant 0 : i32
    %dma_start3A_140 = tpu.memref_slice %arg2[%dma_start3A_138, %dma_start3A_139] : memref<20000x128xf32, #tpu.memory_space<hbm>> -> memref<20000x128xf32, #tpu.memory_space<hbm>>
    tpu.enqueue_indirect_dma source(%dma_start3A_140 : memref<20000x128xf32, #tpu.memory_space<hbm>>) target(%arg9 : memref<125x128xf32, #tpu.memory_space<vmem>>) offsets(%dma_start3A_137 : memref<125xi32, #tpu.memory_space<vmem>>) semaphore(%arg12 : memref<!tpu.dma_semaphore, #tpu.memory_space<semaphore_mem>>)
    %dma_start3A_141 = arith.constant 1 : i32
    %dma_start3A_142 = arith.constant 0 : i32
    %dma_start3A_143 = tpu.memref_slice %arg7[%dma_start3A_141, %dma_start3A_142] : memref<40x125xi32, #tpu.memory_space<vmem>> -> memref<1x125xi32, #tpu.memory_space<vmem>>
    %dma_start3A_144 = tpu.memref_squeeze %dma_start3A_143 : memref<1x125xi32, #tpu.memory_space<vmem>> -> memref<125xi32, #tpu.memory_space<vmem>>
    %dma_start3A_145 = arith.constant 0 : i32
    %dma_start3A_146 = arith.constant 0 : i32
    %dma_start3A_147 = tpu.memref_slice %arg2[%dma_start3A_145, %dma_start3A_146] : memref<20000x128xf32, #tpu.memory_space<hbm>> -> memref<20000x128xf32, #tpu.memory_space<hbm>>
    tpu.enqueue_indirect_dma source(%dma_start3A_147 : memref<20000x128xf32, #tpu.memory_space<hbm>>) target(%arg10 : memref<125x128xf32, #tpu.memory_space<vmem>>) offsets(%dma_start3A_144 : memref<125xi32, #tpu.memory_space<vmem>>) semaphore(%arg13 : memref<!tpu.dma_semaphore, #tpu.memory_space<semaphore_mem>>)
    %scan3A_148 = arith.constant 0 : i32
    %scan3A_149 = arith.constant 0 : i32
    %scan3A_150 = arith.constant 19 : i32
    %scan3A_151 = arith.addi %scan3A_149, %scan3A_150 : i32
    %scan3A_152 = arith.constant 1 : i32
    scf.for %scan3A_178 = %scan3A_149 to %scan3A_151 step %scan3A_152  : i32 {
      %mul3A_179 = arith.constant 2 : i32
      %mul3A_180 = arith.muli %mul3A_179, %scan3A_178 : i32
      %dma_wait3A_181 = arith.constant 0 : i32
      %dma_wait3A_182 = arith.constant 0 : i32
      %dma_wait3A_183 = tpu.memref_slice %arg7[%dma_wait3A_181, %dma_wait3A_182] : memref<40x125xi32, #tpu.memory_space<vmem>> -> memref<1x125xi32, #tpu.memory_space<vmem>>
      %dma_wait3A_184 = tpu.memref_squeeze %dma_wait3A_183 : memref<1x125xi32, #tpu.memory_space<vmem>> -> memref<125xi32, #tpu.memory_space<vmem>>
      %dma_wait3A_185 = arith.constant 0 : i32
      %dma_wait3A_186 = arith.constant 0 : i32
      %dma_wait3A_187 = tpu.memref_slice %arg2[%dma_wait3A_185, %dma_wait3A_186] : memref<20000x128xf32, #tpu.memory_space<hbm>> -> memref<20000x128xf32, #tpu.memory_space<hbm>>
      tpu.wait_indirect_dma semaphore(%arg12 : memref<!tpu.dma_semaphore, #tpu.memory_space<semaphore_mem>>) src(%dma_wait3A_187 : memref<20000x128xf32, #tpu.memory_space<hbm>>) dst(%arg9 : memref<125x128xf32, #tpu.memory_space<vmem>>)
      "tpu.region"() ({
        %run_scoped3A_213 = tpu.sem_alloc : memref<!tpu.dma_semaphore, #tpu.memory_space<semaphore_mem>>
        %dma_start3A_214 = arith.constant 0 : i32
        %dma_start3A_215 = tpu.memref_slice %arg8[%mul3A_180, %dma_start3A_214] : memref<40x125xi32, #tpu.memory_space<vmem>> -> memref<1x125xi32, #tpu.memory_space<vmem>>
        %dma_start3A_216 = tpu.memref_squeeze %dma_start3A_215 : memref<1x125xi32, #tpu.memory_space<vmem>> -> memref<125xi32, #tpu.memory_space<vmem>>
        %dma_start3A_217 = arith.constant 0 : i32
        %dma_start3A_218 = arith.constant 0 : i32
        %dma_start3A_219 = tpu.memref_slice %arg11[%dma_start3A_217, %dma_start3A_218] : memref<10000x128xf32, #tpu.memory_space<vmem_shared>> -> memref<10000x128xf32, #tpu.memory_space<vmem_shared>>
        tpu.enqueue_indirect_dma source(%arg9 : memref<125x128xf32, #tpu.memory_space<vmem>>) target(%dma_start3A_219 : memref<10000x128xf32, #tpu.memory_space<vmem_shared>>) offsets(%dma_start3A_216 : memref<125xi32, #tpu.memory_space<vmem>>) semaphore(%run_scoped3A_213 : memref<!tpu.dma_semaphore, #tpu.memory_space<semaphore_mem>>) {add = true}
        %dma_wait3A_220 = arith.constant 0 : i32
        %dma_wait3A_221 = tpu.memref_slice %arg8[%mul3A_180, %dma_wait3A_220] : memref<40x125xi32, #tpu.memory_space<vmem>> -> memref<1x125xi32, #tpu.memory_space<vmem>>
        %dma_wait3A_222 = tpu.memref_squeeze %dma_wait3A_221 : memref<1x125xi32, #tpu.memory_space<vmem>> -> memref<125xi32, #tpu.memory_space<vmem>>
        %dma_wait3A_223 = arith.constant 0 : i32
        %dma_wait3A_224 = arith.constant 0 : i32
        %dma_wait3A_225 = tpu.memref_slice %arg11[%dma_wait3A_223, %dma_wait3A_224] : memref<10000x128xf32, #tpu.memory_space<vmem_shared>> -> memref<10000x128xf32, #tpu.memory_space<vmem_shared>>
        tpu.wait_indirect_dma semaphore(%run_scoped3A_213 : memref<!tpu.dma_semaphore, #tpu.memory_space<semaphore_mem>>) src(%arg9 : memref<125x128xf32, #tpu.memory_space<vmem>>) dst(%dma_wait3A_225 : memref<10000x128xf32, #tpu.memory_space<vmem_shared>>)
        tpu.yield
      }) : () -> ()
      %add3A_188 = arith.constant 2 : i32
      %add3A_189 = arith.addi %mul3A_180, %add3A_188 : i32
      %dma_start3A_190 = arith.constant 0 : i32
      %dma_start3A_191 = tpu.memref_slice %arg7[%add3A_189, %dma_start3A_190] : memref<40x125xi32, #tpu.memory_space<vmem>> -> memref<1x125xi32, #tpu.memory_space<vmem>>
      %dma_start3A_192 = tpu.memref_squeeze %dma_start3A_191 : memref<1x125xi32, #tpu.memory_space<vmem>> -> memref<125xi32, #tpu.memory_space<vmem>>
      %dma_start3A_193 = arith.constant 0 : i32
      %dma_start3A_194 = arith.constant 0 : i32
      %dma_start3A_195 = tpu.memref_slice %arg2[%dma_start3A_193, %dma_start3A_194] : memref<20000x128xf32, #tpu.memory_space<hbm>> -> memref<20000x128xf32, #tpu.memory_space<hbm>>
      tpu.enqueue_indirect_dma source(%dma_start3A_195 : memref<20000x128xf32, #tpu.memory_space<hbm>>) target(%arg9 : memref<125x128xf32, #tpu.memory_space<vmem>>) offsets(%dma_start3A_192 : memref<125xi32, #tpu.memory_space<vmem>>) semaphore(%arg12 : memref<!tpu.dma_semaphore, #tpu.memory_space<semaphore_mem>>)
      %dma_wait3A_196 = arith.constant 0 : i32
      %dma_wait3A_197 = arith.constant 0 : i32
      %dma_wait3A_198 = tpu.memref_slice %arg7[%dma_wait3A_196, %dma_wait3A_197] : memref<40x125xi32, #tpu.memory_space<vmem>> -> memref<1x125xi32, #tpu.memory_space<vmem>>
      %dma_wait3A_199 = tpu.memref_squeeze %dma_wait3A_198 : memref<1x125xi32, #tpu.memory_space<vmem>> -> memref<125xi32, #tpu.memory_space<vmem>>
      %dma_wait3A_200 = arith.constant 0 : i32
      %dma_wait3A_201 = arith.constant 0 : i32
      %dma_wait3A_202 = tpu.memref_slice %arg2[%dma_wait3A_200, %dma_wait3A_201] : memref<20000x128xf32, #tpu.memory_space<hbm>> -> memref<20000x128xf32, #tpu.memory_space<hbm>>
      tpu.wait_indirect_dma semaphore(%arg13 : memref<!tpu.dma_semaphore, #tpu.memory_space<semaphore_mem>>) src(%dma_wait3A_202 : memref<20000x128xf32, #tpu.memory_space<hbm>>) dst(%arg10 : memref<125x128xf32, #tpu.memory_space<vmem>>)
      %add3A_203 = arith.constant 1 : i32
      %add3A_204 = arith.addi %mul3A_180, %add3A_203 : i32
      "tpu.region"() ({
        %run_scoped3A_213 = tpu.sem_alloc : memref<!tpu.dma_semaphore, #tpu.memory_space<semaphore_mem>>
        %dma_start3A_214 = arith.constant 0 : i32
        %dma_start3A_215 = tpu.memref_slice %arg8[%add3A_204, %dma_start3A_214] : memref<40x125xi32, #tpu.memory_space<vmem>> -> memref<1x125xi32, #tpu.memory_space<vmem>>
        %dma_start3A_216 = tpu.memref_squeeze %dma_start3A_215 : memref<1x125xi32, #tpu.memory_space<vmem>> -> memref<125xi32, #tpu.memory_space<vmem>>
        %dma_start3A_217 = arith.constant 0 : i32
        %dma_start3A_218 = arith.constant 0 : i32
        %dma_start3A_219 = tpu.memref_slice %arg11[%dma_start3A_217, %dma_start3A_218] : memref<10000x128xf32, #tpu.memory_space<vmem_shared>> -> memref<10000x128xf32, #tpu.memory_space<vmem_shared>>
        tpu.enqueue_indirect_dma source(%arg10 : memref<125x128xf32, #tpu.memory_space<vmem>>) target(%dma_start3A_219 : memref<10000x128xf32, #tpu.memory_space<vmem_shared>>) offsets(%dma_start3A_216 : memref<125xi32, #tpu.memory_space<vmem>>) semaphore(%run_scoped3A_213 : memref<!tpu.dma_semaphore, #tpu.memory_space<semaphore_mem>>) {add = true}
        %dma_wait3A_220 = arith.constant 0 : i32
        %dma_wait3A_221 = tpu.memref_slice %arg8[%add3A_204, %dma_wait3A_220] : memref<40x125xi32, #tpu.memory_space<vmem>> -> memref<1x125xi32, #tpu.memory_space<vmem>>
        %dma_wait3A_222 = tpu.memref_squeeze %dma_wait3A_221 : memref<1x125xi32, #tpu.memory_space<vmem>> -> memref<125xi32, #tpu.memory_space<vmem>>
        %dma_wait3A_223 = arith.constant 0 : i32
        %dma_wait3A_224 = arith.constant 0 : i32
        %dma_wait3A_225 = tpu.memref_slice %arg11[%dma_wait3A_223, %dma_wait3A_224] : memref<10000x128xf32, #tpu.memory_space<vmem_shared>> -> memref<10000x128xf32, #tpu.memory_space<vmem_shared>>
        tpu.wait_indirect_dma semaphore(%run_scoped3A_213 : memref<!tpu.dma_semaphore, #tpu.memory_space<semaphore_mem>>) src(%arg10 : memref<125x128xf32, #tpu.memory_space<vmem>>) dst(%dma_wait3A_225 : memref<10000x128xf32, #tpu.memory_space<vmem_shared>>)
        tpu.yield
      }) : () -> ()
      %add3A_205 = arith.constant 3 : i32
      %add3A_206 = arith.addi %mul3A_180, %add3A_205 : i32
      %dma_start3A_207 = arith.constant 0 : i32
      %dma_start3A_208 = tpu.memref_slice %arg7[%add3A_206, %dma_start3A_207] : memref<40x125xi32, #tpu.memory_space<vmem>> -> memref<1x125xi32, #tpu.memory_space<vmem>>
      %dma_start3A_209 = tpu.memref_squeeze %dma_start3A_208 : memref<1x125xi32, #tpu.memory_space<vmem>> -> memref<125xi32, #tpu.memory_space<vmem>>
      %dma_start3A_210 = arith.constant 0 : i32
      %dma_start3A_211 = arith.constant 0 : i32
      %dma_start3A_212 = tpu.memref_slice %arg2[%dma_start3A_210, %dma_start3A_211] : memref<20000x128xf32, #tpu.memory_space<hbm>> -> memref<20000x128xf32, #tpu.memory_space<hbm>>
      tpu.enqueue_indirect_dma source(%dma_start3A_212 : memref<20000x128xf32, #tpu.memory_space<hbm>>) target(%arg10 : memref<125x128xf32, #tpu.memory_space<vmem>>) offsets(%dma_start3A_209 : memref<125xi32, #tpu.memory_space<vmem>>) semaphore(%arg13 : memref<!tpu.dma_semaphore, #tpu.memory_space<semaphore_mem>>)
    }
    %scan3A_153 = arith.constant 19 : i32
    %dma_wait3A_154 = arith.constant 0 : i32
    %dma_wait3A_155 = arith.constant 0 : i32
    %dma_wait3A_156 = tpu.memref_slice %arg7[%dma_wait3A_154, %dma_wait3A_155] : memref<40x125xi32, #tpu.memory_space<vmem>> -> memref<1x125xi32, #tpu.memory_space<vmem>>
    %dma_wait3A_157 = tpu.memref_squeeze %dma_wait3A_156 : memref<1x125xi32, #tpu.memory_space<vmem>> -> memref<125xi32, #tpu.memory_space<vmem>>
    %dma_wait3A_158 = arith.constant 0 : i32
    %dma_wait3A_159 = arith.constant 0 : i32
    %dma_wait3A_160 = tpu.memref_slice %arg2[%dma_wait3A_158, %dma_wait3A_159] : memref<20000x128xf32, #tpu.memory_space<hbm>> -> memref<20000x128xf32, #tpu.memory_space<hbm>>
    tpu.wait_indirect_dma semaphore(%arg12 : memref<!tpu.dma_semaphore, #tpu.memory_space<semaphore_mem>>) src(%dma_wait3A_160 : memref<20000x128xf32, #tpu.memory_space<hbm>>) dst(%arg9 : memref<125x128xf32, #tpu.memory_space<vmem>>)
    %run_scoped3A_161 = arith.constant 38 : i32
    "tpu.region"() ({
      %run_scoped3A_178 = tpu.sem_alloc : memref<!tpu.dma_semaphore, #tpu.memory_space<semaphore_mem>>
      %dma_start3A_179 = arith.constant 0 : i32
      %dma_start3A_180 = tpu.memref_slice %arg8[%run_scoped3A_161, %dma_start3A_179] : memref<40x125xi32, #tpu.memory_space<vmem>> -> memref<1x125xi32, #tpu.memory_space<vmem>>
      %dma_start3A_181 = tpu.memref_squeeze %dma_start3A_180 : memref<1x125xi32, #tpu.memory_space<vmem>> -> memref<125xi32, #tpu.memory_space<vmem>>
      %dma_start3A_182 = arith.constant 0 : i32
      %dma_start3A_183 = arith.constant 0 : i32
      %dma_start3A_184 = tpu.memref_slice %arg11[%dma_start3A_182, %dma_start3A_183] : memref<10000x128xf32, #tpu.memory_space<vmem_shared>> -> memref<10000x128xf32, #tpu.memory_space<vmem_shared>>
      tpu.enqueue_indirect_dma source(%arg9 : memref<125x128xf32, #tpu.memory_space<vmem>>) target(%dma_start3A_184 : memref<10000x128xf32, #tpu.memory_space<vmem_shared>>) offsets(%dma_start3A_181 : memref<125xi32, #tpu.memory_space<vmem>>) semaphore(%run_scoped3A_178 : memref<!tpu.dma_semaphore, #tpu.memory_space<semaphore_mem>>) {add = true}
      %dma_wait3A_185 = arith.constant 0 : i32
      %dma_wait3A_186 = tpu.memref_slice %arg8[%run_scoped3A_161, %dma_wait3A_185] : memref<40x125xi32, #tpu.memory_space<vmem>> -> memref<1x125xi32, #tpu.memory_space<vmem>>
      %dma_wait3A_187 = tpu.memref_squeeze %dma_wait3A_186 : memref<1x125xi32, #tpu.memory_space<vmem>> -> memref<125xi32, #tpu.memory_space<vmem>>
      %dma_wait3A_188 = arith.constant 0 : i32
      %dma_wait3A_189 = arith.constant 0 : i32
      %dma_wait3A_190 = tpu.memref_slice %arg11[%dma_wait3A_188, %dma_wait3A_189] : memref<10000x128xf32, #tpu.memory_space<vmem_shared>> -> memref<10000x128xf32, #tpu.memory_space<vmem_shared>>
      tpu.wait_indirect_dma semaphore(%run_scoped3A_178 : memref<!tpu.dma_semaphore, #tpu.memory_space<semaphore_mem>>) src(%arg9 : memref<125x128xf32, #tpu.memory_space<vmem>>) dst(%dma_wait3A_190 : memref<10000x128xf32, #tpu.memory_space<vmem_shared>>)
      tpu.yield
    }) : () -> ()
    %dma_wait3A_162 = arith.constant 0 : i32
    %dma_wait3A_163 = arith.constant 0 : i32
    %dma_wait3A_164 = tpu.memref_slice %arg7[%dma_wait3A_162, %dma_wait3A_163] : memref<40x125xi32, #tpu.memory_space<vmem>> -> memref<1x125xi32, #tpu.memory_space<vmem>>
    %dma_wait3A_165 = tpu.memref_squeeze %dma_wait3A_164 : memref<1x125xi32, #tpu.memory_space<vmem>> -> memref<125xi32, #tpu.memory_space<vmem>>
    %dma_wait3A_166 = arith.constant 0 : i32
    %dma_wait3A_167 = arith.constant 0 : i32
    %dma_wait3A_168 = tpu.memref_slice %arg2[%dma_wait3A_166, %dma_wait3A_167] : memref<20000x128xf32, #tpu.memory_space<hbm>> -> memref<20000x128xf32, #tpu.memory_space<hbm>>
    tpu.wait_indirect_dma semaphore(%arg13 : memref<!tpu.dma_semaphore, #tpu.memory_space<semaphore_mem>>) src(%dma_wait3A_168 : memref<20000x128xf32, #tpu.memory_space<hbm>>) dst(%arg10 : memref<125x128xf32, #tpu.memory_space<vmem>>)
    %run_scoped3A_169 = arith.constant 39 : i32
    "tpu.region"() ({
      %run_scoped3A_178 = tpu.sem_alloc : memref<!tpu.dma_semaphore, #tpu.memory_space<semaphore_mem>>
      %dma_start3A_179 = arith.constant 0 : i32
      %dma_start3A_180 = tpu.memref_slice %arg8[%run_scoped3A_169, %dma_start3A_179] : memref<40x125xi32, #tpu.memory_space<vmem>> -> memref<1x125xi32, #tpu.memory_space<vmem>>
      %dma_start3A_181 = tpu.memref_squeeze %dma_start3A_180 : memref<1x125xi32, #tpu.memory_space<vmem>> -> memref<125xi32, #tpu.memory_space<vmem>>
      %dma_start3A_182 = arith.constant 0 : i32
      %dma_start3A_183 = arith.constant 0 : i32
      %dma_start3A_184 = tpu.memref_slice %arg11[%dma_start3A_182, %dma_start3A_183] : memref<10000x128xf32, #tpu.memory_space<vmem_shared>> -> memref<10000x128xf32, #tpu.memory_space<vmem_shared>>
      tpu.enqueue_indirect_dma source(%arg10 : memref<125x128xf32, #tpu.memory_space<vmem>>) target(%dma_start3A_184 : memref<10000x128xf32, #tpu.memory_space<vmem_shared>>) offsets(%dma_start3A_181 : memref<125xi32, #tpu.memory_space<vmem>>) semaphore(%run_scoped3A_178 : memref<!tpu.dma_semaphore, #tpu.memory_space<semaphore_mem>>) {add = true}
      %dma_wait3A_185 = arith.constant 0 : i32
      %dma_wait3A_186 = tpu.memref_slice %arg8[%run_scoped3A_169, %dma_wait3A_185] : memref<40x125xi32, #tpu.memory_space<vmem>> -> memref<1x125xi32, #tpu.memory_space<vmem>>
      %dma_wait3A_187 = tpu.memref_squeeze %dma_wait3A_186 : memref<1x125xi32, #tpu.memory_space<vmem>> -> memref<125xi32, #tpu.memory_space<vmem>>
      %dma_wait3A_188 = arith.constant 0 : i32
      %dma_wait3A_189 = arith.constant 0 : i32
      %dma_wait3A_190 = tpu.memref_slice %arg11[%dma_wait3A_188, %dma_wait3A_189] : memref<10000x128xf32, #tpu.memory_space<vmem_shared>> -> memref<10000x128xf32, #tpu.memory_space<vmem_shared>>
      tpu.wait_indirect_dma semaphore(%run_scoped3A_178 : memref<!tpu.dma_semaphore, #tpu.memory_space<semaphore_mem>>) src(%arg10 : memref<125x128xf32, #tpu.memory_space<vmem>>) dst(%dma_wait3A_190 : memref<10000x128xf32, #tpu.memory_space<vmem_shared>>)
      tpu.yield
    }) : () -> ()
    %barrier3A_170 = arith.constant 0 : index
    tpu.barrier barrier_id(%barrier3A_170)
    %mul3A_171 = arith.constant 624 : i32
    %mul3A_172 = arith.muli %arg1, %mul3A_171 : i32
    %mul3A_173 = arith.constant 10000 : i32
    %mul3A_174 = arith.muli %arg0, %mul3A_173 : i32
    %mul3A_175 = arith.constant 624 : i32
    %mul3A_176 = arith.muli %arg1, %mul3A_175 : i32
    %add3A_177 = arith.addi %mul3A_174, %mul3A_176 : i32
    "tpu.region"() ({
      %run_scoped3A_178 = tpu.sem_alloc : memref<!tpu.dma_semaphore, #tpu.memory_space<semaphore_mem>>
      %dma_start3A_179 = arith.constant 0 : i32
      %dma_start3A_180 = tpu.memref_slice %arg6[%add3A_177, %dma_start3A_179] : memref<20000x128xf32, #tpu.memory_space<hbm>> -> memref<640x128xf32, #tpu.memory_space<hbm>>
      %dma_start3A_181 = arith.constant 0 : i32
      %dma_start3A_182 = tpu.memref_slice %arg11[%mul3A_172, %dma_start3A_181] : memref<10000x128xf32, #tpu.memory_space<vmem_shared>> -> memref<640x128xf32, #tpu.memory_space<vmem_shared>>
      tpu.enqueue_dma source(%dma_start3A_182 : memref<640x128xf32, #tpu.memory_space<vmem_shared>>) target(%dma_start3A_180 : memref<640x128xf32, #tpu.memory_space<hbm>>) target_semaphore(%run_scoped3A_178 : memref<!tpu.dma_semaphore, #tpu.memory_space<semaphore_mem>>)
      %dma_wait3A_183 = arith.constant 0 : i32
      %dma_wait3A_184 = tpu.memref_slice %arg6[%add3A_177, %dma_wait3A_183] : memref<20000x128xf32, #tpu.memory_space<hbm>> -> memref<640x128xf32, #tpu.memory_space<hbm>>
      %dma_wait3A_185 = arith.constant 0 : i32
      %dma_wait3A_186 = tpu.memref_slice %arg11[%mul3A_172, %dma_wait3A_185] : memref<10000x128xf32, #tpu.memory_space<vmem_shared>> -> memref<640x128xf32, #tpu.memory_space<vmem_shared>>
      tpu.wait_dma2 semaphore(%run_scoped3A_178 : memref<!tpu.dma_semaphore, #tpu.memory_space<semaphore_mem>>) src(%dma_wait3A_186 : memref<640x128xf32, #tpu.memory_space<vmem_shared>>) dst(%dma_wait3A_184 : memref<640x128xf32, #tpu.memory_space<hbm>>)
      tpu.yield
    }) : () -> ()
    return
  }
}

module attributes {stable_mosaic.version = 14 : i64} {
  func.func @_tc1_body(%arg0: i32, %arg1: memref<2000x128xf32, #tpu.memory_space<vmem>>, %arg2: memref<128x256xf32, #tpu.memory_space<vmem>>, %arg3: memref<1x256xf32, #tpu.memory_space<vmem>>, %arg4: memref<256x256xf32, #tpu.memory_space<vmem>>, %arg5: memref<1x256xf32, #tpu.memory_space<vmem>>, %arg6: memref<256x256xf32, #tpu.memory_space<vmem>>, %arg7: memref<2x2000x1xf32, #tpu.memory_space<vmem>>, %arg8: memref<2x2000x128xf32, #tpu.memory_space<vmem>>, %arg9: memref<2000x1xf32, #tpu.memory_space<vmem>>) attributes {dimension_semantics = [#tpu.dimension_semantics<arbitrary>], iteration_bounds = array<i64: 5>, scalar_prefetch = 0 : i64, scratch_operands = 0 : i64, tpu.core_type = #tpu.core_type<tc>, window_params = [{transform_indices = @transform_0, window_bounds = array<i64: 2000, 128>}, {pipeline_mode = #tpu.pipeline_mode<synchronous>, transform_indices = @transform_1, window_bounds = array<i64: 128, 256>}, {pipeline_mode = #tpu.pipeline_mode<synchronous>, transform_indices = @transform_2, window_bounds = array<i64: 1, 256>}, {pipeline_mode = #tpu.pipeline_mode<synchronous>, transform_indices = @transform_3, window_bounds = array<i64: 256, 256>}, {pipeline_mode = #tpu.pipeline_mode<synchronous>, transform_indices = @transform_4, window_bounds = array<i64: 1, 256>}, {pipeline_mode = #tpu.pipeline_mode<synchronous>, transform_indices = @transform_5, window_bounds = array<i64: 256, 256>}, {transform_indices = @transform_6, window_bounds = array<i64: 2, 2000, 1>}, {transform_indices = @transform_7, window_bounds = array<i64: 2, 2000, 128>}, {transform_indices = @transform_8, window_bounds = array<i64: 2000, 1>}]} {
    %get3A = arith.constant 0 : index
    %get3A_0 = arith.constant 0 : index
    %get3A_1 = vector.load %arg1[%get3A, %get3A_0] : memref<2000x128xf32, #tpu.memory_space<vmem>>, vector<2000x128xf32>
    %get3A_2 = arith.constant 0 : index
    %get3A_3 = arith.constant 0 : index
    %get3A_4 = vector.load %arg2[%get3A_2, %get3A_3] : memref<128x256xf32, #tpu.memory_space<vmem>>, vector<128x256xf32>
    %dot_general3A = arith.constant dense<0.000000e+00> : vector<2000x256xf32>
    %dot_general3A_5 = tpu.matmul %get3A_1, %get3A_4, %dot_general3A {dimension_numbers = #tpu.dot_dimension_numbers<[1], [0], [0], [1], [0, 0, 1, 1], [], []>, transpose_lhs_hint = false} : vector<2000x128xf32>, vector<128x256xf32>, vector<2000x256xf32> -> vector<2000x256xf32>
    %get3A_6 = arith.constant 0 : index
    %get3A_7 = arith.constant 0 : index
    %get3A_8 = vector.load %arg3[%get3A_6, %get3A_7] : memref<1x256xf32, #tpu.memory_space<vmem>>, vector<1x256xf32>
    %add3A = vector.broadcast %get3A_8 : vector<1x256xf32> to vector<2000x256xf32>
    %add3A_9 = arith.addf %dot_general3A_5, %add3A : vector<2000x256xf32>
    %ge3A = arith.constant 0.000000e+00 : f32
    %ge3A_10 = vector.broadcast %ge3A : f32 to vector<2000x256xf32>
    %ge3A_11 = arith.cmpf oge, %add3A_9, %ge3A_10 : vector<2000x256xf32>
    %mul3A = arith.constant 0.00999999977 : f32
    %mul3A_12 = vector.broadcast %mul3A : f32 to vector<2000x256xf32>
    %mul3A_13 = arith.mulf %mul3A_12, %add3A_9 : vector<2000x256xf32>
    %select_n3A = arith.select %ge3A_11, %add3A_9, %mul3A_13 : vector<2000x256xi1>, vector<2000x256xf32>
    %get3A_14 = arith.constant 0 : index
    %get3A_15 = arith.constant 0 : index
    %get3A_16 = vector.load %arg4[%get3A_14, %get3A_15] : memref<256x256xf32, #tpu.memory_space<vmem>>, vector<256x256xf32>
    %dot_general3A_17 = arith.constant dense<0.000000e+00> : vector<2000x256xf32>
    %dot_general3A_18 = tpu.matmul %select_n3A, %get3A_16, %dot_general3A_17 {dimension_numbers = #tpu.dot_dimension_numbers<[1], [0], [0], [1], [0, 0, 1, 1], [], []>, transpose_lhs_hint = false} : vector<2000x256xf32>, vector<256x256xf32>, vector<2000x256xf32> -> vector<2000x256xf32>
    %get3A_19 = arith.constant 0 : index
    %get3A_20 = arith.constant 0 : index
    %get3A_21 = vector.load %arg5[%get3A_19, %get3A_20] : memref<1x256xf32, #tpu.memory_space<vmem>>, vector<1x256xf32>
    %add3A_22 = vector.broadcast %get3A_21 : vector<1x256xf32> to vector<2000x256xf32>
    %add3A_23 = arith.addf %dot_general3A_18, %add3A_22 : vector<2000x256xf32>
    %ge3A_24 = arith.constant 0.000000e+00 : f32
    %ge3A_25 = vector.broadcast %ge3A_24 : f32 to vector<2000x256xf32>
    %ge3A_26 = arith.cmpf oge, %add3A_23, %ge3A_25 : vector<2000x256xf32>
    %mul3A_27 = arith.constant 0.00999999977 : f32
    %mul3A_28 = vector.broadcast %mul3A_27 : f32 to vector<2000x256xf32>
    %mul3A_29 = arith.mulf %mul3A_28, %add3A_23 : vector<2000x256xf32>
    %select_n3A_30 = arith.select %ge3A_26, %add3A_23, %mul3A_29 : vector<2000x256xi1>, vector<2000x256xf32>
    %get3A_31 = arith.constant 0 : index
    %get3A_32 = arith.constant 0 : index
    %get3A_33 = vector.load %arg6[%get3A_31, %get3A_32] : memref<256x256xf32, #tpu.memory_space<vmem>>, vector<256x256xf32>
    %dot_general3A_34 = arith.constant dense<0.000000e+00> : vector<2000x256xf32>
    %dot_general3A_35 = tpu.matmul %select_n3A_30, %get3A_33, %dot_general3A_34 {dimension_numbers = #tpu.dot_dimension_numbers<[1], [0], [0], [1], [0, 0, 1, 1], [], []>, transpose_lhs_hint = false} : vector<2000x256xf32>, vector<256x256xf32>, vector<2000x256xf32> -> vector<2000x256xf32>
    %get3A_36 = arith.constant 0 : index
    %get3A_37 = arith.constant 0 : index
    %get3A_38 = arith.constant 0 : index
    %get3A_39 = vector.load %arg7[%get3A_36, %get3A_37, %get3A_38] : memref<2x2000x1xf32, #tpu.memory_space<vmem>>, vector<1x2000x1xf32>
    %get3A_40 = vector.shape_cast %get3A_39 : vector<1x2000x1xf32> to vector<2000x1xf32>
    %get3A_41 = arith.constant 1 : index
    %get3A_42 = arith.constant 0 : index
    %get3A_43 = arith.constant 0 : index
    %get3A_44 = vector.load %arg7[%get3A_41, %get3A_42, %get3A_43] : memref<2x2000x1xf32, #tpu.memory_space<vmem>>, vector<1x2000x1xf32>
    %get3A_45 = vector.shape_cast %get3A_44 : vector<1x2000x1xf32> to vector<2000x1xf32>
    %add3A_46 = arith.addf %get3A_40, %get3A_45 : vector<2000x1xf32>
    %add3A_47 = arith.constant 1.000000e+00 : f32
    %add3A_48 = vector.broadcast %add3A_47 : f32 to vector<2000x1xf32>
    %add3A_49 = arith.addf %add3A_46, %add3A_48 : vector<2000x1xf32>
    %rsqrt3A = math.rsqrt %add3A_49 : vector<2000x1xf32>
    %mul3A_50 = vector.broadcast %rsqrt3A : vector<2000x1xf32> to vector<2000x256xf32>
    %mul3A_51 = arith.mulf %dot_general3A_35, %mul3A_50 : vector<2000x256xf32>
    %swap3A = arith.constant 0 : index
    %swap3A_52 = arith.constant 0 : index
    %swap3A_53 = vector.load %arg9[%swap3A, %swap3A_52] : memref<2000x1xf32, #tpu.memory_space<vmem>>, vector<2000x1xf32>
    tpu.vector_store %arg9[%swap3A, %swap3A_52], %rsqrt3A {strides = array<i32>} : memref<2000x1xf32, #tpu.memory_space<vmem>>, vector<2000x1xf32>,
    %slice3A = vector.extract_strided_slice %mul3A_51 {offsets = [0, 0], sizes = [2000, 128], strides = [1, 1]} : vector<2000x256xf32> to vector<2000x128xf32>
    %swap3A_54 = arith.constant 0 : index
    %swap3A_55 = arith.constant 0 : index
    %swap3A_56 = arith.constant 0 : index
    %swap3A_57 = vector.load %arg8[%swap3A_54, %swap3A_55, %swap3A_56] : memref<2x2000x128xf32, #tpu.memory_space<vmem>>, vector<1x2000x128xf32>
    %swap3A_58 = vector.shape_cast %swap3A_57 : vector<1x2000x128xf32> to vector<2000x128xf32>
    %swap3A_59 = vector.shape_cast %slice3A : vector<2000x128xf32> to vector<1x2000x128xf32>
    tpu.vector_store %arg8[%swap3A_54, %swap3A_55, %swap3A_56], %swap3A_59 {strides = array<i32>} : memref<2x2000x128xf32, #tpu.memory_space<vmem>>, vector<1x2000x128xf32>,
    %slice3A_60 = vector.extract_strided_slice %mul3A_51 {offsets = [0, 128], sizes = [2000, 128], strides = [1, 1]} : vector<2000x256xf32> to vector<2000x128xf32>
    %swap3A_61 = arith.constant 1 : index
    %swap3A_62 = arith.constant 0 : index
    %swap3A_63 = arith.constant 0 : index
    %swap3A_64 = vector.load %arg8[%swap3A_61, %swap3A_62, %swap3A_63] : memref<2x2000x128xf32, #tpu.memory_space<vmem>>, vector<1x2000x128xf32>
    %swap3A_65 = vector.shape_cast %swap3A_64 : vector<1x2000x128xf32> to vector<2000x128xf32>
    %swap3A_66 = vector.shape_cast %slice3A_60 : vector<2000x128xf32> to vector<1x2000x128xf32>
    tpu.vector_store %arg8[%swap3A_61, %swap3A_62, %swap3A_63], %swap3A_66 {strides = array<i32>} : memref<2x2000x128xf32, #tpu.memory_space<vmem>>, vector<1x2000x128xf32>,
    return
  }
  func.func @transform_0(%arg0: i32) -> (i32, i32) {
    %c0_i32 = arith.constant 0 : i32
    %c0_i32_0 = arith.constant 0 : i32
    return %arg0, %c0_i32 : i32, i32
  }
  func.func @transform_1(%arg0: i32) -> (i32, i32) {
    %c0_i32 = arith.constant 0 : i32
    %c0_i32_0 = arith.constant 0 : i32
    %c0_i32_1 = arith.constant 0 : i32
    return %c0_i32, %c0_i32_0 : i32, i32
  }
  func.func @transform_2(%arg0: i32) -> (i32, i32) {
    %c0_i32 = arith.constant 0 : i32
    %c0_i32_0 = arith.constant 0 : i32
    %c0_i32_1 = arith.constant 0 : i32
    return %c0_i32, %c0_i32_0 : i32, i32
  }
  func.func @transform_3(%arg0: i32) -> (i32, i32) {
    %c0_i32 = arith.constant 0 : i32
    %c0_i32_0 = arith.constant 0 : i32
    %c0_i32_1 = arith.constant 0 : i32
    return %c0_i32, %c0_i32_0 : i32, i32
  }
  func.func @transform_4(%arg0: i32) -> (i32, i32) {
    %c0_i32 = arith.constant 0 : i32
    %c0_i32_0 = arith.constant 0 : i32
    %c0_i32_1 = arith.constant 0 : i32
    return %c0_i32, %c0_i32_0 : i32, i32
  }
  func.func @transform_5(%arg0: i32) -> (i32, i32) {
    %c0_i32 = arith.constant 0 : i32
    %c0_i32_0 = arith.constant 0 : i32
    %c0_i32_1 = arith.constant 0 : i32
    return %c0_i32, %c0_i32_0 : i32, i32
  }
  func.func @transform_6(%arg0: i32) -> (i32, i32, i32) {
    %c0_i32 = arith.constant 0 : i32
    %c0_i32_0 = arith.constant 0 : i32
    %c0_i32_1 = arith.constant 0 : i32
    return %c0_i32, %arg0, %c0_i32_0 : i32, i32, i32
  }
  func.func @transform_7(%arg0: i32) -> (i32, i32, i32) {
    %c0_i32 = arith.constant 0 : i32
    %c0_i32_0 = arith.constant 0 : i32
    %c0_i32_1 = arith.constant 0 : i32
    return %c0_i32, %arg0, %c0_i32_0 : i32, i32, i32
  }
  func.func @transform_8(%arg0: i32) -> (i32, i32) {
    %c0_i32 = arith.constant 0 : i32
    %c0_i32_0 = arith.constant 0 : i32
    return %arg0, %c0_i32 : i32, i32
  }
}

module attributes {stable_mosaic.version = 14 : i64} {
  func.func @_tc2_body(%arg0: i32, %arg1: memref<2x2000x128xf32, #tpu.memory_space<vmem>>, %arg2: memref<2x2000x128xf32, #tpu.memory_space<vmem>>, %arg3: memref<2000x1xf32, #tpu.memory_space<vmem>>, %arg4: memref<1x256xf32, #tpu.memory_space<vmem>>, %arg5: memref<256x128xf32, #tpu.memory_space<vmem>>, %arg6: memref<2000x256xf32, #tpu.memory_space<vmem>>, %arg7: memref<2000x128xf32, #tpu.memory_space<vmem>>) attributes {dimension_semantics = [#tpu.dimension_semantics<arbitrary>], iteration_bounds = array<i64: 5>, scalar_prefetch = 0 : i64, scratch_operands = 0 : i64, tpu.core_type = #tpu.core_type<tc>, window_params = [{transform_indices = @transform_0, window_bounds = array<i64: 2, 2000, 128>}, {transform_indices = @transform_1, window_bounds = array<i64: 2, 2000, 128>}, {transform_indices = @transform_2, window_bounds = array<i64: 2000, 1>}, {pipeline_mode = #tpu.pipeline_mode<synchronous>, transform_indices = @transform_3, window_bounds = array<i64: 1, 256>}, {pipeline_mode = #tpu.pipeline_mode<synchronous>, transform_indices = @transform_4, window_bounds = array<i64: 256, 128>}, {transform_indices = @transform_5, window_bounds = array<i64: 2000, 256>}, {transform_indices = @transform_6, window_bounds = array<i64: 2000, 128>}]} {
    %get3A = arith.constant 0 : index
    %get3A_0 = arith.constant 0 : index
    %get3A_1 = arith.constant 0 : index
    %get3A_2 = vector.load %arg1[%get3A, %get3A_0, %get3A_1] : memref<2x2000x128xf32, #tpu.memory_space<vmem>>, vector<1x2000x128xf32>
    %get3A_3 = vector.shape_cast %get3A_2 : vector<1x2000x128xf32> to vector<2000x128xf32>
    %get3A_4 = arith.constant 0 : index
    %get3A_5 = arith.constant 0 : index
    %get3A_6 = arith.constant 0 : index
    %get3A_7 = vector.load %arg2[%get3A_4, %get3A_5, %get3A_6] : memref<2x2000x128xf32, #tpu.memory_space<vmem>>, vector<1x2000x128xf32>
    %get3A_8 = vector.shape_cast %get3A_7 : vector<1x2000x128xf32> to vector<2000x128xf32>
    %add3A = arith.addf %get3A_3, %get3A_8 : vector<2000x128xf32>
    %get3A_9 = arith.constant 1 : index
    %get3A_10 = arith.constant 0 : index
    %get3A_11 = arith.constant 0 : index
    %get3A_12 = vector.load %arg1[%get3A_9, %get3A_10, %get3A_11] : memref<2x2000x128xf32, #tpu.memory_space<vmem>>, vector<1x2000x128xf32>
    %get3A_13 = vector.shape_cast %get3A_12 : vector<1x2000x128xf32> to vector<2000x128xf32>
    %get3A_14 = arith.constant 1 : index
    %get3A_15 = arith.constant 0 : index
    %get3A_16 = arith.constant 0 : index
    %get3A_17 = vector.load %arg2[%get3A_14, %get3A_15, %get3A_16] : memref<2x2000x128xf32, #tpu.memory_space<vmem>>, vector<1x2000x128xf32>
    %get3A_18 = vector.shape_cast %get3A_17 : vector<1x2000x128xf32> to vector<2000x128xf32>
    %add3A_19 = arith.addf %get3A_13, %get3A_18 : vector<2000x128xf32>
    %concatenate3A = tpu.concatenate %add3A, %add3A_19 in 1 : vector<2000x128xf32>, vector<2000x128xf32> -> vector<2000x256xf32>
    %get3A_20 = arith.constant 0 : index
    %get3A_21 = arith.constant 0 : index
    %get3A_22 = vector.load %arg3[%get3A_20, %get3A_21] : memref<2000x1xf32, #tpu.memory_space<vmem>>, vector<2000x1xf32>
    %mul3A = vector.broadcast %get3A_22 : vector<2000x1xf32> to vector<2000x256xf32>
    %mul3A_23 = arith.mulf %concatenate3A, %mul3A : vector<2000x256xf32>
    %get3A_24 = arith.constant 0 : index
    %get3A_25 = arith.constant 0 : index
    %get3A_26 = vector.load %arg4[%get3A_24, %get3A_25] : memref<1x256xf32, #tpu.memory_space<vmem>>, vector<1x256xf32>
    %add3A_27 = vector.broadcast %get3A_26 : vector<1x256xf32> to vector<2000x256xf32>
    %add3A_28 = arith.addf %mul3A_23, %add3A_27 : vector<2000x256xf32>
    %ge3A = arith.constant 0.000000e+00 : f32
    %ge3A_29 = vector.broadcast %ge3A : f32 to vector<2000x256xf32>
    %ge3A_30 = arith.cmpf oge, %add3A_28, %ge3A_29 : vector<2000x256xf32>
    %mul3A_31 = arith.constant 0.00999999977 : f32
    %mul3A_32 = vector.broadcast %mul3A_31 : f32 to vector<2000x256xf32>
    %mul3A_33 = arith.mulf %mul3A_32, %add3A_28 : vector<2000x256xf32>
    %select_n3A = arith.select %ge3A_30, %add3A_28, %mul3A_33 : vector<2000x256xi1>, vector<2000x256xf32>
    %mul3A_34 = arith.mulf %select_n3A, %select_n3A : vector<2000x256xf32>
    %reduce_sum3A = arith.constant dense<0.000000e+00> : vector<2000xf32>
    %reduce_sum3A_35 = vector.multi_reduction <add>, %mul3A_34, %reduce_sum3A [1] : vector<2000x256xf32> to vector<2000xf32>
    %broadcast_in_dim3A = vector.shape_cast %reduce_sum3A_35 : vector<2000xf32> to vector<2000x1xf32>
    %sqrt3A = math.sqrt %broadcast_in_dim3A : vector<2000x1xf32>
    %div3A = vector.broadcast %sqrt3A : vector<2000x1xf32> to vector<2000x256xf32>
    %div3A_36 = arith.divf %select_n3A, %div3A : vector<2000x256xf32>
    %swap3A = arith.constant 0 : index
    %swap3A_37 = arith.constant 0 : index
    %swap3A_38 = vector.load %arg6[%swap3A, %swap3A_37] : memref<2000x256xf32, #tpu.memory_space<vmem>>, vector<2000x256xf32>
    tpu.vector_store %arg6[%swap3A, %swap3A_37], %div3A_36 {strides = array<i32>} : memref<2000x256xf32, #tpu.memory_space<vmem>>, vector<2000x256xf32>,
    %get3A_39 = arith.constant 0 : index
    %get3A_40 = arith.constant 0 : index
    %get3A_41 = vector.load %arg5[%get3A_39, %get3A_40] : memref<256x128xf32, #tpu.memory_space<vmem>>, vector<256x128xf32>
    %dot_general3A = arith.constant dense<0.000000e+00> : vector<2000x128xf32>
    %dot_general3A_42 = tpu.matmul %div3A_36, %get3A_41, %dot_general3A {dimension_numbers = #tpu.dot_dimension_numbers<[1], [0], [0], [1], [0, 0, 1, 1], [], []>, transpose_lhs_hint = false} : vector<2000x256xf32>, vector<256x128xf32>, vector<2000x128xf32> -> vector<2000x128xf32>
    %mul3A_43 = vector.broadcast %get3A_22 : vector<2000x1xf32> to vector<2000x128xf32>
    %mul3A_44 = arith.mulf %dot_general3A_42, %mul3A_43 : vector<2000x128xf32>
    %swap3A_45 = arith.constant 0 : index
    %swap3A_46 = arith.constant 0 : index
    %swap3A_47 = vector.load %arg7[%swap3A_45, %swap3A_46] : memref<2000x128xf32, #tpu.memory_space<vmem>>, vector<2000x128xf32>
    tpu.vector_store %arg7[%swap3A_45, %swap3A_46], %mul3A_44 {strides = array<i32>} : memref<2000x128xf32, #tpu.memory_space<vmem>>, vector<2000x128xf32>,
    return
  }
  func.func @transform_0(%arg0: i32) -> (i32, i32, i32) {
    %c0_i32 = arith.constant 0 : i32
    %c0_i32_0 = arith.constant 0 : i32
    %c0_i32_1 = arith.constant 0 : i32
    return %c0_i32, %arg0, %c0_i32_0 : i32, i32, i32
  }
  func.func @transform_1(%arg0: i32) -> (i32, i32, i32) {
    %c0_i32 = arith.constant 0 : i32
    %c0_i32_0 = arith.constant 0 : i32
    %c0_i32_1 = arith.constant 0 : i32
    return %c0_i32, %arg0, %c0_i32_0 : i32, i32, i32
  }
  func.func @transform_2(%arg0: i32) -> (i32, i32) {
    %c0_i32 = arith.constant 0 : i32
    %c0_i32_0 = arith.constant 0 : i32
    return %arg0, %c0_i32 : i32, i32
  }
  func.func @transform_3(%arg0: i32) -> (i32, i32) {
    %c0_i32 = arith.constant 0 : i32
    %c0_i32_0 = arith.constant 0 : i32
    %c0_i32_1 = arith.constant 0 : i32
    return %c0_i32, %c0_i32_0 : i32, i32
  }
  func.func @transform_4(%arg0: i32) -> (i32, i32) {
    %c0_i32 = arith.constant 0 : i32
    %c0_i32_0 = arith.constant 0 : i32
    %c0_i32_1 = arith.constant 0 : i32
    return %c0_i32, %c0_i32_0 : i32, i32
  }
  func.func @transform_5(%arg0: i32) -> (i32, i32) {
    %c0_i32 = arith.constant 0 : i32
    %c0_i32_0 = arith.constant 0 : i32
    return %arg0, %c0_i32 : i32, i32
  }
  func.func @transform_6(%arg0: i32) -> (i32, i32) {
    %c0_i32 = arith.constant 0 : i32
    %c0_i32_0 = arith.constant 0 : i32
    return %arg0, %c0_i32 : i32, i32
  }
}

module attributes {stable_mosaic.version = 14 : i64} {
  func.func @_tc3_body(%arg0: i32, %arg1: memref<2x2000x128xf32, #tpu.memory_space<vmem>>, %arg2: memref<2000x128xf32, #tpu.memory_space<vmem>>, %arg3: memref<2000x1xf32, #tpu.memory_space<vmem>>, %arg4: memref<1x128xf32, #tpu.memory_space<vmem>>, %arg5: memref<2000x128xf32, #tpu.memory_space<vmem>>) attributes {dimension_semantics = [#tpu.dimension_semantics<arbitrary>], iteration_bounds = array<i64: 5>, scalar_prefetch = 0 : i64, scratch_operands = 0 : i64, tpu.core_type = #tpu.core_type<tc>, window_params = [{transform_indices = @transform_0, window_bounds = array<i64: 2, 2000, 128>}, {transform_indices = @transform_1, window_bounds = array<i64: 2000, 128>}, {transform_indices = @transform_2, window_bounds = array<i64: 2000, 1>}, {pipeline_mode = #tpu.pipeline_mode<synchronous>, transform_indices = @transform_3, window_bounds = array<i64: 1, 128>}, {transform_indices = @transform_4, window_bounds = array<i64: 2000, 128>}]} {
    %get3A = arith.constant 0 : index
    %get3A_0 = arith.constant 0 : index
    %get3A_1 = arith.constant 0 : index
    %get3A_2 = vector.load %arg1[%get3A, %get3A_0, %get3A_1] : memref<2x2000x128xf32, #tpu.memory_space<vmem>>, vector<1x2000x128xf32>
    %get3A_3 = vector.shape_cast %get3A_2 : vector<1x2000x128xf32> to vector<2000x128xf32>
    %get3A_4 = arith.constant 1 : index
    %get3A_5 = arith.constant 0 : index
    %get3A_6 = arith.constant 0 : index
    %get3A_7 = vector.load %arg1[%get3A_4, %get3A_5, %get3A_6] : memref<2x2000x128xf32, #tpu.memory_space<vmem>>, vector<1x2000x128xf32>
    %get3A_8 = vector.shape_cast %get3A_7 : vector<1x2000x128xf32> to vector<2000x128xf32>
    %add3A = arith.addf %get3A_3, %get3A_8 : vector<2000x128xf32>
    %get3A_9 = arith.constant 0 : index
    %get3A_10 = arith.constant 0 : index
    %get3A_11 = vector.load %arg2[%get3A_9, %get3A_10] : memref<2000x128xf32, #tpu.memory_space<vmem>>, vector<2000x128xf32>
    %add3A_12 = arith.addf %add3A, %get3A_11 : vector<2000x128xf32>
    %get3A_13 = arith.constant 0 : index
    %get3A_14 = arith.constant 0 : index
    %get3A_15 = vector.load %arg3[%get3A_13, %get3A_14] : memref<2000x1xf32, #tpu.memory_space<vmem>>, vector<2000x1xf32>
    %mul3A = vector.broadcast %get3A_15 : vector<2000x1xf32> to vector<2000x128xf32>
    %mul3A_16 = arith.mulf %add3A_12, %mul3A : vector<2000x128xf32>
    %get3A_17 = arith.constant 0 : index
    %get3A_18 = arith.constant 0 : index
    %get3A_19 = vector.load %arg4[%get3A_17, %get3A_18] : memref<1x128xf32, #tpu.memory_space<vmem>>, vector<1x128xf32>
    %add3A_20 = vector.broadcast %get3A_19 : vector<1x128xf32> to vector<2000x128xf32>
    %add3A_21 = arith.addf %mul3A_16, %add3A_20 : vector<2000x128xf32>
    %ge3A = arith.constant 0.000000e+00 : f32
    %ge3A_22 = vector.broadcast %ge3A : f32 to vector<2000x128xf32>
    %ge3A_23 = arith.cmpf oge, %add3A_21, %ge3A_22 : vector<2000x128xf32>
    %mul3A_24 = arith.constant 0.00999999977 : f32
    %mul3A_25 = vector.broadcast %mul3A_24 : f32 to vector<2000x128xf32>
    %mul3A_26 = arith.mulf %mul3A_25, %add3A_21 : vector<2000x128xf32>
    %select_n3A = arith.select %ge3A_23, %add3A_21, %mul3A_26 : vector<2000x128xi1>, vector<2000x128xf32>
    %mul3A_27 = arith.mulf %select_n3A, %select_n3A : vector<2000x128xf32>
    %reduce_sum3A = arith.constant dense<0.000000e+00> : vector<2000xf32>
    %reduce_sum3A_28 = vector.multi_reduction <add>, %mul3A_27, %reduce_sum3A [1] : vector<2000x128xf32> to vector<2000xf32>
    %broadcast_in_dim3A = vector.shape_cast %reduce_sum3A_28 : vector<2000xf32> to vector<2000x1xf32>
    %sqrt3A = math.sqrt %broadcast_in_dim3A : vector<2000x1xf32>
    %div3A = vector.broadcast %sqrt3A : vector<2000x1xf32> to vector<2000x128xf32>
    %div3A_29 = arith.divf %select_n3A, %div3A : vector<2000x128xf32>
    %swap3A = arith.constant 0 : index
    %swap3A_30 = arith.constant 0 : index
    %swap3A_31 = vector.load %arg5[%swap3A, %swap3A_30] : memref<2000x128xf32, #tpu.memory_space<vmem>>, vector<2000x128xf32>
    tpu.vector_store %arg5[%swap3A, %swap3A_30], %div3A_29 {strides = array<i32>} : memref<2000x128xf32, #tpu.memory_space<vmem>>, vector<2000x128xf32>,
    return
  }
  func.func @transform_0(%arg0: i32) -> (i32, i32, i32) {
    %c0_i32 = arith.constant 0 : i32
    %c0_i32_0 = arith.constant 0 : i32
    %c0_i32_1 = arith.constant 0 : i32
    return %c0_i32, %arg0, %c0_i32_0 : i32, i32, i32
  }
  func.func @transform_1(%arg0: i32) -> (i32, i32) {
    %c0_i32 = arith.constant 0 : i32
    %c0_i32_0 = arith.constant 0 : i32
    return %arg0, %c0_i32 : i32, i32
  }
  func.func @transform_2(%arg0: i32) -> (i32, i32) {
    %c0_i32 = arith.constant 0 : i32
    %c0_i32_0 = arith.constant 0 : i32
    return %arg0, %c0_i32 : i32, i32
  }
  func.func @transform_3(%arg0: i32) -> (i32, i32) {
    %c0_i32 = arith.constant 0 : i32
    %c0_i32_0 = arith.constant 0 : i32
    %c0_i32_1 = arith.constant 0 : i32
    return %c0_i32, %c0_i32_0 : i32, i32
  }
  func.func @transform_4(%arg0: i32) -> (i32, i32) {
    %c0_i32 = arith.constant 0 : i32
    %c0_i32_0 = arith.constant 0 : i32
    return %arg0, %c0_i32 : i32, i32
  }
}

</mosaic_0001>

<sc_bundles>
// kernel: kernel.11.cloned.1.call-start
scs
__scs_entry_jumppad:
0x0: {  	(pc) =	sbr.rel $0x88, $3  }
0x1: {  	(tag) =	ssettag $0x0;
	lr =	simm.s32 $0x1  }
0x2: {  	[smem:$0x3F97] =	sst lr;
	_ =	strace $0xD0000000  }
0x3: {  	_ = 	snop  }
0x4: {  	_ = 	snop  }
0x5: {  	_ = 	snop  }
0x6: {  	_ = 	snop  }
0x7: {  	_ = 	snop  }
__scs_overlays_trampoline_lowered:
0x8: {  	[smem:$0x3FA6] =	sst s0  }
0x9: {  	[smem:$0x3FA7] =	sst s1  }
0xa: {  	[smem:$0x3FA8] =	sst s2  }
0xb: {  	[smem:$0x3FA9] =	sst s3  }
0xc: {  	[smem:$0x3FAA] =	sst s4  }
0xd: {  	[smem:$0x3FAB] =	sst s5  }
0xe: {  	[smem:$0x3FAC] =	sst s6  }
0xf: {  	[smem:$0x3FAD] =	sst s7  }
0x10: {  	[smem:$0x3FAE] =	sst s8  }
0x11: {  	[smem:$0x3FAF] =	sst s9;
	s0 =	simm.s32 @!p0 $0x0  }
0x12: {  	s1 =	sld [smem:$0x3F95];
	s0 =	simm.s32 @p0 $0x1  }
0x13: {  	[smem:$0x3FB0] =	sst s0;
	s0 =	simm.s32 @!p1 $0x0  }
0x14: {  	s2 =	sld [smem:$0x3F94];
	s0 =	simm.s32 @p1 $0x1  }
0x15: {  	[smem:$0x3FB1] =	sst s0;
	s0 =	simm.s32 @!p2 $0x0  }
0x16: {  	s3 =	sld [smem:$0x3FDB];
	s0 =	simm.s32 @p2 $0x1  }
0x17: {  	s4 =	simm.s32 $0x1BF5;
	[smem:$0x3FB3] =	sst s0  }
0x18: {  	s0 =	sld [smem:$0x3F96];
	_ =	swait.ge [sflag:s4], $0x0  }
0x19: {  	s7 =	sld [smem:$0x3F97]  }
0x1a: {  	s8 =	sadd.s32 $0xFFFFE003, lr  }
0x1b: {  	s9 =	sadd.s32 $0xFFFFFEF7, lr;
	s5 =	simm.s32 $0xFFFFFFFF;
	p2 =	slt.u32 s8, $0xFFFFF086  }
0x1c: {  	p1 =	slt.u32 s9, $0xF7A;
	s5 =	simm.s32 @!p2 $0x0  }
0x1d: {  	s5 =	simm.s32 @p1 $0x1;
	p0 =	seq.s32 s7, s2  }
0x1e: {  	s7 =	smul.u32 @!p0 $0xF7A, s2;
	p2 =	seq.s32 @!p0 s5, $0x0  }
0x1f: {  	s9 =	smul.u32 $0xF7A, s1;
	s8 =	simm.s32 @!p0 $0x1BF5;
	p2 =	por !p2, p0  }
0x20: {  	[sflag:s8] =	ssyncset.s32 @!p0 $0xFFFFF086;
	s6 =	sadd.s32 @!p0 s3, s7;
	s7 =	simm.s32 @!p0 $0x108  }
0x21: {  	s3 =	sadd.s32 s3, s9;
	s6 =	sadd.s32 @!p0 $0x88, s6;
	s7 =	simm.s32 @p2 $0x1082  }
0x22: {  	[simem:s7], [sflag:s8] =	dma.local @!p0 [hbm:s6], $0xF7A  }
0x23: {  	s9 =	sor.u32 $0xD0000000, s2;
	s6 =	simm.s32 $0x108;
	_ =	swait.ge @!p0 [sflag:s8], $0x0  }
0x24: {  	s3 =	sadd.s32 $0x88, s3;
	s6 =	simm.s32 @!p1 $0x1082;
	[sflag:s4] =	ssyncset.s32 $0xFFFFF086  }
0x25: {  	[simem:s6], [sflag:s4] =	dma.local [hbm:s3], $0xF7A  }
0x26: {  	[smem:$0x3F97] =	sst s1;
	(tag) =	ssettag s2;
	_ =	strace s9  }
0x27: {  	s1 =	sld [smem:$0x3FA7]  }
0x28: {  	s2 =	sld [smem:$0x3FA8]  }
0x29: {  	s4 =	sld [smem:$0x3FAA]  }
0x2a: {  	p0 =	seq.s32 s5, $0x0;
	s5 =	sld [smem:$0x3FAB]  }
0x2b: {  	s6 =	sld [smem:$0x3FAC]  }
0x2c: {  	s7 =	sld [smem:$0x3FAD]  }
0x2d: {  	s3 =	simm.s32 $0x108;
	s8 =	sld [smem:$0x3FAE]  }
0x2e: {  	s3 =	simm.s32 @!p0 $0x1082;
	s9 =	sld [smem:$0x3FAF]  }
0x2f: {  	lr =	sadd.s32 s0, s3;
	s0 =	sld [smem:$0x3FA6]  }
0x30: {  	s3 =	sld [smem:$0x3FA9]  }
0x31: {  	[smem:$0x3FB2] =	sst s10  }
0x32: {  	s10 =	sld [smem:$0x3FB0];
	_ =	sdelay $0x3  }
0x33: {  	p0 =	seq.s32 s10, $0x1;
	s10 =	sld [smem:$0x3FB2];
	_ =	sdelay $0x3  }
0x34: {  	[smem:$0x3FB2] =	sst s10  }
0x35: {  	s10 =	sld [smem:$0x3FB1];
	_ =	sdelay $0x3  }
0x36: {  	p1 =	seq.s32 s10, $0x1;
	s10 =	sld [smem:$0x3FB2];
	_ =	sdelay $0x3  }
0x37: {  	[smem:$0x3FB2] =	sst s10  }
0x38: {  	s10 =	sld [smem:$0x3FB3]  }
0x39: {  	_ = 	snop;
	(pc) =	sbr.ind lr, $3  }
0x3a: {  	_ = 	snop  }
0x3b: {  	_ = 	snop  }
0x3c: {  	p2 =	seq.s32 s10, $0x1;
	s10 =	sld [smem:$0x3FB2]  }
0x3d: {  	_ =	shalt  }
0x3e: {  	_ =	shalt  }
0x3f: {  	_ =	shalt  }
0x40: {  	_ =	shalt  }
0x41: {  	_ =	shalt  }
0x42: {  	_ =	shalt  }
0x43: {  	_ =	shalt  }
0x44: {  	_ =	shalt  }
0x45: {  	_ =	shalt  }
0x46: {  	_ =	shalt  }
0x47: {  	_ =	shalt  }
0x48: {  	_ =	shalt  }
0x49: {  	_ =	shalt  }
0x4a: {  	_ =	shalt  }
0x4b: {  	_ =	shalt  }
0x4c: {  	_ =	shalt  }
0x4d: {  	_ =	shalt  }
0x4e: {  	_ =	shalt  }
0x4f: {  	_ =	shalt  }
0x50: {  	_ =	shalt  }
0x51: {  	_ =	shalt  }
0x52: {  	_ =	shalt  }
0x53: {  	_ =	shalt  }
0x54: {  	_ =	shalt  }
0x55: {  	_ =	shalt  }
0x56: {  	_ =	shalt  }
0x57: {  	_ =	shalt  }
0x58: {  	_ =	shalt  }
0x59: {  	_ =	shalt  }
0x5a: {  	_ =	shalt  }
0x5b: {  	_ =	shalt  }
0x5c: {  	_ =	shalt  }
0x5d: {  	_ =	shalt  }
0x5e: {  	_ =	shalt  }
0x5f: {  	_ =	shalt  }
0x60: {  	_ =	shalt  }
0x61: {  	_ =	shalt  }
0x62: {  	_ =	shalt  }
0x63: {  	_ =	shalt  }
0x64: {  	_ =	shalt  }
0x65: {  	_ =	shalt  }
0x66: {  	_ =	shalt  }
0x67: {  	_ =	shalt  }
0x68: {  	_ =	shalt  }
0x69: {  	_ =	shalt  }
0x6a: {  	_ =	shalt  }
0x6b: {  	_ =	shalt  }
0x6c: {  	_ =	shalt  }
0x6d: {  	_ =	shalt  }
0x6e: {  	_ =	shalt  }
0x6f: {  	_ =	shalt  }
0x70: {  	_ =	shalt  }
0x71: {  	_ =	shalt  }
0x72: {  	_ =	shalt  }
0x73: {  	_ =	shalt  }
0x74: {  	_ =	shalt  }
0x75: {  	_ =	shalt  }
0x76: {  	_ =	shalt  }
0x77: {  	_ =	shalt  }
0x78: {  	_ =	shalt  }
0x79: {  	_ =	shalt  }
0x7a: {  	_ =	shalt  }
0x7b: {  	_ =	shalt  }
0x7c: {  	_ =	shalt  }
0x7d: {  	_ =	shalt  }
0x7e: {  	_ =	shalt  }
0x7f: {  	_ =	shalt  }
0x80: {  	_ =	shalt  }
0x81: {  	_ =	shalt  }
0x82: {  	_ =	shalt  }
0x83: {  	_ =	shalt  }
0x84: {  	_ =	shalt  }
0x85: {  	_ =	shalt  }
0x86: {  	_ =	shalt  }
0x87: {  	_ =	shalt  }
.Lfunc_end0:
.L_simem_size_0:
called_computation.1_lowered:
.L_overlay_start_0:
0x88: {  	s2 =	sld [smem:$0x3FD9]  }
0x89: {  	s3 =	sld [smem:$0x3FFE];
	_ =	sdelay $0x1  }
0x8a: {  	s1 =	srdreg.scid  }
0x8b: {  	s0 =	sand.u32 $0x1, s1  }
0x8c: {  	s14 =	sshll.u32 s0, $0xA;
	s2 =	sadd.s32 s3, s2  }
0x8d: {  	s2 =	sadd.s32 s2, s14  }
0x8e: {  	[smem:$0x3FBE] =	sst s2  }
0x8f: {  	_ = 	snop  }
0x90: {  	s2 =	sld [smem:$0x3FD0];
	_ =	sdelay $0x2  }
0x91: {  	s15 =	simm.s32 $0xA;
	s4 =	simm.s32 $0x10  }
0x92: {  	[smem:s4], [sflag:s15] =	dma.local [hbm:s2], $0x1  }
0x93: {  	_ =	swait.eq [sflag:s15], $0x1  }
0x94: {  	s16 =	sld [smem:$0x10];
	[sflag:s15] =	ssyncset.done $0x0  }
0x95: {  	s17 =	sld [smem:$0x11];
	[sflag:s15] =	ssyncadd.s32 $0xFFFFFFFF  }
0x96: {  	s18 =	sld [smem:$0x12];
	(tm) =	ssettm $0x1  }
0x97: {  	s5 =	sld [smem:$0x3FFB];
	_ =	sdelay $0x3  }
0x98: {  	_ =	strace s5  }
0x99: {  	s5 =	sld [smem:$0x3FFC];
	_ =	sdelay $0x3  }
0x9a: {  	_ =	strace s5  }
0x9b: {  	s5 =	sld [smem:$0x3FFD];
	_ =	sdelay $0x3  }
0x9c: {  	_ =	strace s5  }
0x9d: {  	_ =	strace $0x8FFFFFFF  }
0x9e: {  	s19 =	sld [smem:$0x3FDB];
	_ =	sdelay $0x1  }
0x9f: {  	s6 =	simm.s32 $_scs_section_size  }
0xa0: {  	s7 =	simm.s32 $_size__tile_overlayer_lowered;
	s8 =	simm.s32 $_tile_overlayer_lowered  }
0xa1: {  	s22 =	simm.s32 $0x1BFF;
	s21 =	sshll.u32 s8, $0x1;
	s5 =	sadd.s32 s6, s19  }
0xa2: {  	s9 =	simm.s32 $0x0;
	s20 =	sshll.u32 s7, $0x1;
	s7 =	sadd.s32 s21, s5  }
0xa3: {  	[timem:s9], [sflag:s22] =	dma.local [hbm:s7], s20  }
0xa4: {  	_ =	swait.ge [sflag:s22], s20  }
0xa5: {  	s6 =	ssub.s32 $0x0, s20;
	[sflag:s22] =	ssyncset.done $0x0  }
0xa6: {  	[sflag:s22] =	ssyncadd.s32 s6;
	_ =	sdelay $0x1  }
0xa7: {  	s23 =	simm.s32 $0x1B8B  }
0xa8: {  	_ =	swait.ge [sflag:s23], $0x1  }
0xa9: {  	[sflag:s23] =	ssyncset.done $0x0  }
0xaa: {  	s25 =	simm.s32 $0x1B8E;
	s24 =	sld [smem:$0x3FFE];
	[sflag:s23] =	ssyncadd.s32 $0xFFFFFFFF  }
0xab: {  	s26 =	simm.s32 $execute0_lowered;
	[smem:$0x3FD2] =	sst s25  }
0xac: {  	s7 =	sshll.u32 s26, $0x1;
	_ =	strace $0x80000049;
	[dreg:$0x1] =	wrdreg $0xFFFFFFFF  }
0xad: {  	s28 =	simm.s32 $_size_execute0_lowered;
	s5 =	sadd.s32 s5, s7;
	[dreg:$0x0] =	wrdreg $0x0  }
0xae: {  	s7 =	sshll.u32 s28, $0x1;
	[dreg:$0x2] =	wrdreg s5  }
0xaf: {  	[dreg:$0x3] =	wrdreg s7  }
0xb0: {  	[dreg:$0x4] =	wrdreg $0xC0  }
0xb1: {  	_ =	task [dreg:s9], $0x5FFFF  }
0xb2: {  	[dreg:$0x1] =	wrdreg $0xFFFFFFFF  }
0xb3: {  	[dreg:$0x0] =	wrdreg $0x60  }
0xb4: {  	[dreg:$0x2] =	wrdreg s24  }
0xb5: {  	[dreg:$0x3] =	wrdreg s16  }
0xb6: {  	[dreg:$0x4] =	wrdreg s18  }
0xb7: {  	[dreg:$0x5] =	wrdreg s17  }
0xb8: {  	[dreg:$0x6] =	wrdreg $0xA8000  }
0xb9: {  	[dreg:$0x7] =	wrdreg $0x9  }
0xba: {  	_ =	task.clear_ibuf [dreg:s9], $0x8FFFF;
	_ =	strace $0x90000049  }
0xbb: {  	s29 =	simm.s32 $0x9;
	_ =	strace $0x8000004B  }
0xbc: {  	_ =	swait.ge [sflag:s29], $0x1  }
0xbd: {  	[sflag:s29] =	ssyncadd.s32 $0xFFFFFFFF  }
0xbe: {  	_ =	strace $0x9000004B  }
0xbf: {  	_ =	sfence  }
0xc0: {  	s30 =	sld [smem:$0x0];
	_ =	sdelay $0x2  }
0xc1: {  	s31 =	sshll.u32 s1, $0xD;
	s1 =	sshrl.u32 s1, $0x2  }
0xc2: {  	s3 =	sand.u32 $0x4000, s31;
	s1 =	sadd.s32 s1, s30  }
0xc3: {  	s0 =	sor.u32 s3, s0;
	s1 =	sshll.u32 s1, $0x11  }
0xc4: {  	s0 =	sor.u32 s1, s0  }
0xc5: {  	s0 =	sadd.s32 $0x8F2B, s0  }
0xc6: {  	[sflag:s0] =	ssyncadd.remote.s32 $0x1  }
0xc7: {  	_ =	sfence.sel $0xFFFF  }
0xc8: {  	[dreg:$0x0] =	wrdreg $0xFFFFFFFF;
	(pc) =	sbr.abs _section_cstart, $3  }
0xc9: {  	[dreg:$0x1] =	wrdreg $0xFFFFFFFF  }
0xca: {  	_ =	task.clear_ibuf [dreg:s9], $0x2FFFF;
	_ =	strace $0x9FFFFFFF  }
0xcb: {  	(tm) =	ssettm $0x7FFFFFFF  }
tec
execute0_lowered:
.L_overlay_start_1:
0x0: {  	(tag) =	ssettag $0x1  }
0x1: {  	s3 =	rddreg [dreg:$0x0]  }
0x2: {  	s13 =	rddreg [dreg:$0x1]  }
0x3: {  	s5 =	rddreg [dreg:$0x2]  }
0x4: {  	s15 =	rddreg [dreg:$0x3]  }
0x5: {  	s1 =	rddreg [dreg:$0x4];
	s2 =	simm.s32 $0x0;
	s6 =	srdreg.scid  }
0x6: {  	s28 =	simm.s32 $0x2780;
	s29 =	simm.s32 $0x0;
	[smem:$0x7FF] =	sst s2  }
0x7: {  	s4 =	sadd.s32 $0xD800, s3;
	s14 =	sadd.s32 $0x3800, s3;
	s3 =	stileid.u32  }
0x8: {  	s10 =	sand.u32 $0x1, s6;
	_ =	strace $0x8000004A;
	s16 =	smul.u32 $0x2700, s3  }
0x9: {  	s23 =	sshll.u32 s3, $0x2;
	s7 =	sshll.u32 s10, $0x6;
	s9 =	smul.u32 $0x4E000, s3  }
0xa: {  	s8 =	ssub.s32 $0x2, s10;
	s24 =	smul.u32 $0xA00, s3;
	s21 =	sshllo.u32 s3, $0x2  }
0xb: {  	s30 =	sshll.u32 s3, $0x6;
	s11 =	sor.u32 s23, s7;
	s31 =	smul.u32 $0x280, s21  }
0xc: {  	s12 =	sshrl.u32 s8, $0x1;
	s17 =	sor.u32 $0x1, s23;
	s11 =	smul.u32 $0x280, s11  }
0xd: {  	s6 =	sor.u32 $0x2, s23;
	s25 =	sor.u32 s7, s17;
	s17 =	smul.u32 $0x280, s17  }
0xe: {  	s23 =	sor.u32 s7, s21;
	s21 =	simm.s32 $0x2800;
	s22 =	smul.u32 $0x280, s6  }
0xf: {  	s18 =	ssub.s32 s8, s12;
	s9 =	sshrl.u32 s9, $0x2;
	s23 =	smul.u32 $0x280, s23  }
0x10: {  	s26 =	sor.u32 s7, s6;
	s8 =	sadd.s32 s14, s24;
	s24 =	smul.u32 $0x27100, s10  }
0x11: {  	s5 =	sadd.s32 s5, s16;
	s6 =	sor.u32 $0x1C03, s30;
	s12 =	smul.u32 $0x280, s25  }
0x12: {  	s19 =	sadd.s32 s9, s1;
	s20 =	smul.u32 $0x280, s26;
	s25 =	simm.s32 $0x2  }
0x13: {  	s26 =	simm.s32 $0x2700;
	s7 =	sadd.s32 s13, s11;
	s10 =	sadd.s32 s14, s17  }
0x14: {  	s16 =	sadd.s32 s16, s24;
	s17 =	sshrl.u32 s19, $0x3;
	s19 =	simm.s32 $0x1400  }
0x15: {  	s24 =	simm.s32 $0x1;
	s9 =	sadd.s32 s13, s12;
	s11 =	sadd.s32 s13, s20  }
0x16: {  	s12 =	sadd.s32 s14, s22;
	s13 =	sadd.s32 s13, s23;
	s14 =	sadd.s32 s14, s31  }
0x17: {  	s15 =	sadd.s32 s15, s16;
	s16 =	smax.u32 s18, $0x1;
	s18 =	simm.s32 $0x3  }
0x18: {  	s20 =	simm.s32 $0x7D;
	s22 =	simm.s32 $0x80;
	s23 =	simm.s32 $0x6800  }
.LBB2_1:
0x19: {  	[spmem:s17], [sflag:s6] =	dma.local [hbm:s5], $0x2800  }
0x1a: {  	_ =	swait.ge [sflag:s18], $0x2800  }
0x1b: {  	[sflag:s18] =	ssyncset.done $0x0  }
0x1c: {  	[sflag:s18] =	ssyncadd.s32 $0xFFFFD800  }
0x1d: {  	[bflag:$0x0] =	sbarrier.arrive $0xFFFF  }
0x1e: {  	[tilespmem:s2], [sflag:$0x3] =	stream.linear.gather [hbm4b:s7+s2], $0x1400, $0x38;
	[tilespmem:$0x1E080] =	vst v63  }
0x1f: {  	_ =	swait.ge [sflag:s18], $0x1400  }
0x20: {  	[sflag:s18] =	ssyncset.done $0x0  }
0x21: {  	[sflag:s18] =	ssyncadd.s32 $0xFFFFEC00  }
0x22: {  	[tilespmem:s19], [sflag:$0x3] =	stream.linear.gather [hbm4b:s8+s2], $0x1400, $0x38;
	[tilespmem:$0x1E080] =	vst v63  }
0x23: {  	_ =	swait.ge [sflag:s18], $0x1400  }
0x24: {  	[sflag:s18] =	ssyncset.done $0x0  }
0x25: {  	[sflag:s18] =	ssyncadd.s32 $0xFFFFEC00  }
0x26: {  	[tilespmem:s21], [sflag:$0x1] =	stream.indirect.gather [hbm4b:s4+s20], $0x80, s2, s20, $0xb8;
	[tilespmem:$0x1E080] =	vst v63  }
0x27: {  	_ = 	snop  }
0x28: {  	[tilespmem:s23], [sflag:$0x2] =	stream.indirect.gather [hbm4b:s4+s20], $0x80, s22, s20, $0xb8;
	[tilespmem:$0x1E080] =	vst v63  }
0x29: {  	_ =	swait.ge [sflag:s24], $0x3E80  }
0x2a: {  	[sflag:s24] =	ssyncset.done $0x0  }
0x2b: {  	s30 =	simm.s32 $0x1400;
	[sflag:s24] =	ssyncadd.s32 $0xFFFFC180  }
0x2c: {  	[spmem:s1] =	stream.indirect.scatter.add.f32 [tilespmem:s21], [sflag:$0x3], $0x80, s30, s20, $0xb8;
	[tilespmem:$0x1E080] =	vst v63  }
0x2d: {  	_ =	swait.ge [sflag:s18], $0x3E80  }
0x2e: {  	[sflag:s18] =	ssyncset.done $0x0  }
0x2f: {  	s30 =	simm.s32 $0x100;
	[sflag:s18] =	ssyncadd.s32 $0xFFFFC180  }
0x30: {  	[tilespmem:s21], [sflag:$0x1] =	stream.indirect.gather [hbm4b:s4+s20], $0x80, s30, s20, $0xb8;
	[tilespmem:$0x1E080] =	vst v63  }
0x31: {  	_ =	swait.ge [sflag:s25], $0x3E80  }
0x32: {  	[sflag:s25] =	ssyncset.done $0x0  }
0x33: {  	s30 =	simm.s32 $0x1480;
	[sflag:s25] =	ssyncadd.s32 $0xFFFFC180  }
0x34: {  	[spmem:s1] =	stream.indirect.scatter.add.f32 [tilespmem:s23], [sflag:$0x3], $0x80, s30, s20, $0xb8;
	[tilespmem:$0x1E080] =	vst v63  }
0x35: {  	_ =	swait.ge [sflag:s18], $0x3E80  }
0x36: {  	[sflag:s18] =	ssyncset.done $0x0  }
0x37: {  	s31 =	simm.s32 $0x180;
	s30 =	simm.s32 $0x400;
	[sflag:s18] =	ssyncadd.s32 $0xFFFFC180  }
.LBB2_2:
0x38: {  	[tilespmem:s23], [sflag:$0x2] =	stream.indirect.gather [hbm4b:s4+s20], $0x80, s31, s20, $0xb8;
	[tilespmem:$0x1E080] =	vst v63  }
0x39: {  	s31 =	smov.u32 s30  }
0x3a: {  	p0 =	sne.s32 s30, $0x4800;
	s30 =	sadd.s32 $0x400, s30;
	_ =	swait.ge [sflag:s24], $0x3E80  }
0x3b: {  	s31 =	sshra.s32 s31, $0x2;
	[sflag:s24] =	ssyncset.done $0x0  }
0x3c: {  	s0 =	sadd.s32 $0x1400, s31;
	[sflag:s24] =	ssyncadd.s32 $0xFFFFC180  }
0x3d: {  	[spmem:s1] =	stream.indirect.scatter.add.f32 [tilespmem:s21], [sflag:$0x3], $0x80, s0, s20, $0xb8;
	[tilespmem:$0x1E080] =	vst v63  }
0x3e: {  	_ =	swait.ge [sflag:s18], $0x3E80  }
0x3f: {  	[sflag:s18] =	ssyncset.done $0x0  }
0x40: {  	s0 =	sadd.s32 $0x100, s31;
	[sflag:s18] =	ssyncadd.s32 $0xFFFFC180  }
0x41: {  	[tilespmem:s21], [sflag:$0x1] =	stream.indirect.gather [hbm4b:s4+s20], $0x80, s0, s20, $0xb8;
	[tilespmem:$0x1E080] =	vst v63  }
0x42: {  	_ =	swait.ge [sflag:s25], $0x3E80  }
0x43: {  	[sflag:s25] =	ssyncset.done $0x0  }
.Ltmp0:
0x44: {  	s0 =	sadd.s32 $0x1480, s31;
	[sflag:s25] =	ssyncadd.s32 $0xFFFFC180;
	(pc) =	sbr.rel @p0 .LBB2_2-.Ltmp0, $4  }
0x45: {  	[spmem:s1] =	stream.indirect.scatter.add.f32 [tilespmem:s23], [sflag:$0x3], $0x80, s0, s20, $0xb8;
	[tilespmem:$0x1E080] =	vst v63  }
0x46: {  	_ =	swait.ge [sflag:s18], $0x3E80  }
0x47: {  	[sflag:s18] =	ssyncset.done $0x0  }
0x48: {  	s31 =	sadd.s32 $0x180, s31;
	[sflag:s18] =	ssyncadd.s32 $0xFFFFC180  }
0x49: {  	[tilespmem:s23], [sflag:$0x2] =	stream.indirect.gather [hbm4b:s4+s20], $0x80, s31, s20, $0xb8;
	[tilespmem:$0x1E080] =	vst v63  }
0x4a: {  	_ =	swait.ge [sflag:s24], $0x3E80  }
0x4b: {  	[sflag:s24] =	ssyncset.done $0x0  }
0x4c: {  	[sflag:s24] =	ssyncadd.s32 $0xFFFFC180  }
0x4d: {  	[spmem:s1] =	stream.indirect.scatter.add.f32 [tilespmem:s21], [sflag:$0x3], $0x80, s26, s20, $0xb8;
	[tilespmem:$0x1E080] =	vst v63  }
0x4e: {  	_ =	swait.ge [sflag:s18], $0x3E80  }
0x4f: {  	[sflag:s18] =	ssyncset.done $0x0  }
0x50: {  	[sflag:s18] =	ssyncadd.s32 $0xFFFFC180  }
0x51: {  	_ =	swait.ge [sflag:s25], $0x3E80  }
0x52: {  	[sflag:s25] =	ssyncset.done $0x0  }
0x53: {  	[sflag:s25] =	ssyncadd.s32 $0xFFFFC180  }
0x54: {  	[spmem:s1] =	stream.indirect.scatter.add.f32 [tilespmem:s23], [sflag:$0x3], $0x80, s28, s20, $0xb8;
	[tilespmem:$0x1E080] =	vst v63  }
0x55: {  	_ =	swait.ge [sflag:s18], $0x3E80  }
0x56: {  	[sflag:s18] =	ssyncset.done $0x0  }
0x57: {  	s0 =	simm.s32 $0x0;
	[sflag:s18] =	ssyncadd.s32 $0xFFFFC180  }
0x58: {  	[tilespmem:s0], [sflag:$0x3] =	stream.linear.gather [hbm4b:s9+s0], $0x1400, $0x38;
	[tilespmem:$0x1E080] =	vst v63  }
0x59: {  	_ =	swait.ge [sflag:s18], $0x1400  }
0x5a: {  	[sflag:s18] =	ssyncset.done $0x0  }
0x5b: {  	[sflag:s18] =	ssyncadd.s32 $0xFFFFEC00  }
0x5c: {  	[tilespmem:s19], [sflag:$0x3] =	stream.linear.gather [hbm4b:s10+s0], $0x1400, $0x38;
	[tilespmem:$0x1E080] =	vst v63  }
0x5d: {  	_ =	swait.ge [sflag:s18], $0x1400  }
0x5e: {  	[sflag:s18] =	ssyncset.done $0x0  }
0x5f: {  	[sflag:s18] =	ssyncadd.s32 $0xFFFFEC00  }
0x60: {  	[tilespmem:s21], [sflag:$0x1] =	stream.indirect.gather [hbm4b:s4+s20], $0x80, s0, s20, $0xb8;
	[tilespmem:$0x1E080] =	vst v63  }
0x61: {  	_ = 	snop  }
0x62: {  	[tilespmem:s23], [sflag:$0x2] =	stream.indirect.gather [hbm4b:s4+s20], $0x80, s22, s20, $0xb8;
	[tilespmem:$0x1E080] =	vst v63  }
0x63: {  	_ =	swait.ge [sflag:s24], $0x3E80  }
0x64: {  	[sflag:s24] =	ssyncset.done $0x0  }
0x65: {  	s0 =	simm.s32 $0x1400;
	[sflag:s24] =	ssyncadd.s32 $0xFFFFC180  }
0x66: {  	[spmem:s1] =	stream.indirect.scatter.add.f32 [tilespmem:s21], [sflag:$0x3], $0x80, s0, s20, $0xb8;
	[tilespmem:$0x1E080] =	vst v63  }
0x67: {  	_ =	swait.ge [sflag:s18], $0x3E80  }
0x68: {  	[sflag:s18] =	ssyncset.done $0x0  }
0x69: {  	s0 =	simm.s32 $0x100;
	[sflag:s18] =	ssyncadd.s32 $0xFFFFC180  }
0x6a: {  	[tilespmem:s21], [sflag:$0x1] =	stream.indirect.gather [hbm4b:s4+s20], $0x80, s0, s20, $0xb8;
	[tilespmem:$0x1E080] =	vst v63  }
0x6b: {  	_ =	swait.ge [sflag:s25], $0x3E80  }
0x6c: {  	[sflag:s25] =	ssyncset.done $0x0  }
0x6d: {  	s0 =	simm.s32 $0x1480;
	[sflag:s25] =	ssyncadd.s32 $0xFFFFC180  }
0x6e: {  	[spmem:s1] =	stream.indirect.scatter.add.f32 [tilespmem:s23], [sflag:$0x3], $0x80, s0, s20, $0xb8;
	[tilespmem:$0x1E080] =	vst v63  }
0x6f: {  	_ =	swait.ge [sflag:s18], $0x3E80  }
0x70: {  	[sflag:s18] =	ssyncset.done $0x0  }
0x71: {  	s30 =	simm.s32 $0x400;
	s31 =	simm.s32 $0x180;
	[sflag:s18] =	ssyncadd.s32 $0xFFFFC180  }
.LBB2_4:
0x72: {  	[tilespmem:s23], [sflag:$0x2] =	stream.indirect.gather [hbm4b:s4+s20], $0x80, s31, s20, $0xb8;
	[tilespmem:$0x1E080] =	vst v63  }
0x73: {  	s0 =	smov.u32 s30  }
0x74: {  	p0 =	sne.s32 s30, $0x4800;
	s30 =	sadd.s32 $0x400, s30;
	_ =	swait.ge [sflag:s24], $0x3E80  }
0x75: {  	s0 =	sshra.s32 s0, $0x2;
	[sflag:s24] =	ssyncset.done $0x0  }
0x76: {  	s31 =	sadd.s32 $0x1400, s0;
	[sflag:s24] =	ssyncadd.s32 $0xFFFFC180  }
0x77: {  	[spmem:s1] =	stream.indirect.scatter.add.f32 [tilespmem:s21], [sflag:$0x3], $0x80, s31, s20, $0xb8;
	[tilespmem:$0x1E080] =	vst v63  }
0x78: {  	_ =	swait.ge [sflag:s18], $0x3E80  }
0x79: {  	[sflag:s18] =	ssyncset.done $0x0  }
0x7a: {  	s31 =	sadd.s32 $0x100, s0;
	[sflag:s18] =	ssyncadd.s32 $0xFFFFC180  }
0x7b: {  	[tilespmem:s21], [sflag:$0x1] =	stream.indirect.gather [hbm4b:s4+s20], $0x80, s31, s20, $0xb8;
	[tilespmem:$0x1E080] =	vst v63  }
0x7c: {  	_ =	swait.ge [sflag:s25], $0x3E80  }
0x7d: {  	[sflag:s25] =	ssyncset.done $0x0  }
.Ltmp1:
0x7e: {  	s31 =	sadd.s32 $0x1480, s0;
	[sflag:s25] =	ssyncadd.s32 $0xFFFFC180;
	(pc) =	sbr.rel @p0 .LBB2_4-.Ltmp1, $4  }
0x7f: {  	[spmem:s1] =	stream.indirect.scatter.add.f32 [tilespmem:s23], [sflag:$0x3], $0x80, s31, s20, $0xb8;
	[tilespmem:$0x1E080] =	vst v63  }
0x80: {  	_ =	swait.ge [sflag:s18], $0x3E80  }
0x81: {  	[sflag:s18] =	ssyncset.done $0x0  }
0x82: {  	s31 =	sadd.s32 $0x180, s0;
	[sflag:s18] =	ssyncadd.s32 $0xFFFFC180  }
0x83: {  	[tilespmem:s23], [sflag:$0x2] =	stream.indirect.gather [hbm4b:s4+s20], $0x80, s31, s20, $0xb8;
	[tilespmem:$0x1E080] =	vst v63  }
0x84: {  	_ =	swait.ge [sflag:s24], $0x3E80  }
0x85: {  	[sflag:s24] =	ssyncset.done $0x0  }
0x86: {  	[sflag:s24] =	ssyncadd.s32 $0xFFFFC180  }
0x87: {  	[spmem:s1] =	stream.indirect.scatter.add.f32 [tilespmem:s21], [sflag:$0x3], $0x80, s26, s20, $0xb8;
	[tilespmem:$0x1E080] =	vst v63  }
0x88: {  	_ =	swait.ge [sflag:s18], $0x3E80  }
0x89: {  	[sflag:s18] =	ssyncset.done $0x0  }
0x8a: {  	[sflag:s18] =	ssyncadd.s32 $0xFFFFC180  }
0x8b: {  	_ =	swait.ge [sflag:s25], $0x3E80  }
0x8c: {  	[sflag:s25] =	ssyncset.done $0x0  }
0x8d: {  	[sflag:s25] =	ssyncadd.s32 $0xFFFFC180  }
0x8e: {  	[spmem:s1] =	stream.indirect.scatter.add.f32 [tilespmem:s23], [sflag:$0x3], $0x80, s28, s20, $0xb8;
	[tilespmem:$0x1E080] =	vst v63  }
0x8f: {  	_ =	swait.ge [sflag:s18], $0x3E80  }
0x90: {  	[sflag:s18] =	ssyncset.done $0x0  }
0x91: {  	s0 =	simm.s32 $0x0;
	[sflag:s18] =	ssyncadd.s32 $0xFFFFC180  }
0x92: {  	[tilespmem:s0], [sflag:$0x3] =	stream.linear.gather [hbm4b:s11+s0], $0x1400, $0x38;
	[tilespmem:$0x1E080] =	vst v63  }
0x93: {  	_ =	swait.ge [sflag:s18], $0x1400  }
0x94: {  	[sflag:s18] =	ssyncset.done $0x0  }
0x95: {  	[sflag:s18] =	ssyncadd.s32 $0xFFFFEC00  }
0x96: {  	[tilespmem:s19], [sflag:$0x3] =	stream.linear.gather [hbm4b:s12+s0], $0x1400, $0x38;
	[tilespmem:$0x1E080] =	vst v63  }
0x97: {  	_ =	swait.ge [sflag:s18], $0x1400  }
0x98: {  	[sflag:s18] =	ssyncset.done $0x0  }
0x99: {  	[sflag:s18] =	ssyncadd.s32 $0xFFFFEC00  }
0x9a: {  	[tilespmem:s21], [sflag:$0x1] =	stream.indirect.gather [hbm4b:s4+s20], $0x80, s0, s20, $0xb8;
	[tilespmem:$0x1E080] =	vst v63  }
0x9b: {  	_ = 	snop  }
0x9c: {  	[tilespmem:s23], [sflag:$0x2] =	stream.indirect.gather [hbm4b:s4+s20], $0x80, s22, s20, $0xb8;
	[tilespmem:$0x1E080] =	vst v63  }
0x9d: {  	_ =	swait.ge [sflag:s24], $0x3E80  }
0x9e: {  	[sflag:s24] =	ssyncset.done $0x0  }
0x9f: {  	s0 =	simm.s32 $0x1400;
	[sflag:s24] =	ssyncadd.s32 $0xFFFFC180  }
0xa0: {  	[spmem:s1] =	stream.indirect.scatter.add.f32 [tilespmem:s21], [sflag:$0x3], $0x80, s0, s20, $0xb8;
	[tilespmem:$0x1E080] =	vst v63  }
0xa1: {  	_ =	swait.ge [sflag:s18], $0x3E80  }
0xa2: {  	[sflag:s18] =	ssyncset.done $0x0  }
0xa3: {  	s0 =	simm.s32 $0x100;
	[sflag:s18] =	ssyncadd.s32 $0xFFFFC180  }
0xa4: {  	[tilespmem:s21], [sflag:$0x1] =	stream.indirect.gather [hbm4b:s4+s20], $0x80, s0, s20, $0xb8;
	[tilespmem:$0x1E080] =	vst v63  }
0xa5: {  	_ =	swait.ge [sflag:s25], $0x3E80  }
0xa6: {  	[sflag:s25] =	ssyncset.done $0x0  }
0xa7: {  	s0 =	simm.s32 $0x1480;
	[sflag:s25] =	ssyncadd.s32 $0xFFFFC180  }
0xa8: {  	[spmem:s1] =	stream.indirect.scatter.add.f32 [tilespmem:s23], [sflag:$0x3], $0x80, s0, s20, $0xb8;
	[tilespmem:$0x1E080] =	vst v63  }
0xa9: {  	_ =	swait.ge [sflag:s18], $0x3E80  }
0xaa: {  	[sflag:s18] =	ssyncset.done $0x0  }
0xab: {  	s30 =	simm.s32 $0x400;
	s31 =	simm.s32 $0x180;
	[sflag:s18] =	ssyncadd.s32 $0xFFFFC180  }
.LBB2_6:
0xac: {  	[tilespmem:s23], [sflag:$0x2] =	stream.indirect.gather [hbm4b:s4+s20], $0x80, s31, s20, $0xb8;
	[tilespmem:$0x1E080] =	vst v63  }
0xad: {  	s0 =	smov.u32 s30  }
0xae: {  	p0 =	sne.s32 s30, $0x4800;
	s30 =	sadd.s32 $0x400, s30;
	_ =	swait.ge [sflag:s24], $0x3E80  }
0xaf: {  	s0 =	sshra.s32 s0, $0x2;
	[sflag:s24] =	ssyncset.done $0x0  }
0xb0: {  	s31 =	sadd.s32 $0x1400, s0;
	[sflag:s24] =	ssyncadd.s32 $0xFFFFC180  }
0xb1: {  	[spmem:s1] =	stream.indirect.scatter.add.f32 [tilespmem:s21], [sflag:$0x3], $0x80, s31, s20, $0xb8;
	[tilespmem:$0x1E080] =	vst v63  }
0xb2: {  	_ =	swait.ge [sflag:s18], $0x3E80  }
0xb3: {  	[sflag:s18] =	ssyncset.done $0x0  }
0xb4: {  	s31 =	sadd.s32 $0x100, s0;
	[sflag:s18] =	ssyncadd.s32 $0xFFFFC180  }
0xb5: {  	[tilespmem:s21], [sflag:$0x1] =	stream.indirect.gather [hbm4b:s4+s20], $0x80, s31, s20, $0xb8;
	[tilespmem:$0x1E080] =	vst v63  }
0xb6: {  	_ =	swait.ge [sflag:s25], $0x3E80  }
0xb7: {  	[sflag:s25] =	ssyncset.done $0x0  }
.Ltmp2:
0xb8: {  	s31 =	sadd.s32 $0x1480, s0;
	[sflag:s25] =	ssyncadd.s32 $0xFFFFC180;
	(pc) =	sbr.rel @p0 .LBB2_6-.Ltmp2, $4  }
0xb9: {  	[spmem:s1] =	stream.indirect.scatter.add.f32 [tilespmem:s23], [sflag:$0x3], $0x80, s31, s20, $0xb8;
	[tilespmem:$0x1E080] =	vst v63  }
0xba: {  	_ =	swait.ge [sflag:s18], $0x3E80  }
0xbb: {  	[sflag:s18] =	ssyncset.done $0x0  }
0xbc: {  	s31 =	sadd.s32 $0x180, s0;
	[sflag:s18] =	ssyncadd.s32 $0xFFFFC180  }
0xbd: {  	[tilespmem:s23], [sflag:$0x2] =	stream.indirect.gather [hbm4b:s4+s20], $0x80, s31, s20, $0xb8;
	[tilespmem:$0x1E080] =	vst v63  }
0xbe: {  	_ =	swait.ge [sflag:s24], $0x3E80  }
0xbf: {  	[sflag:s24] =	ssyncset.done $0x0  }
0xc0: {  	[sflag:s24] =	ssyncadd.s32 $0xFFFFC180  }
0xc1: {  	[spmem:s1] =	stream.indirect.scatter.add.f32 [tilespmem:s21], [sflag:$0x3], $0x80, s26, s20, $0xb8;
	[tilespmem:$0x1E080] =	vst v63  }
0xc2: {  	_ =	swait.ge [sflag:s18], $0x3E80  }
0xc3: {  	[sflag:s18] =	ssyncset.done $0x0  }
0xc4: {  	[sflag:s18] =	ssyncadd.s32 $0xFFFFC180  }
0xc5: {  	_ =	swait.ge [sflag:s25], $0x3E80  }
0xc6: {  	[sflag:s25] =	ssyncset.done $0x0  }
0xc7: {  	[sflag:s25] =	ssyncadd.s32 $0xFFFFC180  }
0xc8: {  	[spmem:s1] =	stream.indirect.scatter.add.f32 [tilespmem:s23], [sflag:$0x3], $0x80, s28, s20, $0xb8;
	[tilespmem:$0x1E080] =	vst v63  }
0xc9: {  	_ =	swait.ge [sflag:s18], $0x3E80  }
0xca: {  	[sflag:s18] =	ssyncset.done $0x0  }
0xcb: {  	s0 =	simm.s32 $0x0;
	[sflag:s18] =	ssyncadd.s32 $0xFFFFC180  }
0xcc: {  	[tilespmem:s0], [sflag:$0x3] =	stream.linear.gather [hbm4b:s13+s0], $0x1400, $0x38;
	[tilespmem:$0x1E080] =	vst v63  }
0xcd: {  	_ =	swait.ge [sflag:s18], $0x1400  }
0xce: {  	[sflag:s18] =	ssyncset.done $0x0  }
0xcf: {  	[sflag:s18] =	ssyncadd.s32 $0xFFFFEC00  }
0xd0: {  	[tilespmem:s19], [sflag:$0x3] =	stream.linear.gather [hbm4b:s14+s0], $0x1400, $0x38;
	[tilespmem:$0x1E080] =	vst v63  }
0xd1: {  	_ =	swait.ge [sflag:s18], $0x1400  }
0xd2: {  	[sflag:s18] =	ssyncset.done $0x0  }
0xd3: {  	[sflag:s18] =	ssyncadd.s32 $0xFFFFEC00  }
0xd4: {  	[tilespmem:s21], [sflag:$0x1] =	stream.indirect.gather [hbm4b:s4+s20], $0x80, s0, s20, $0xb8;
	[tilespmem:$0x1E080] =	vst v63  }
0xd5: {  	_ = 	snop  }
0xd6: {  	[tilespmem:s23], [sflag:$0x2] =	stream.indirect.gather [hbm4b:s4+s20], $0x80, s22, s20, $0xb8;
	[tilespmem:$0x1E080] =	vst v63  }
0xd7: {  	_ =	swait.ge [sflag:s24], $0x3E80  }
0xd8: {  	[sflag:s24] =	ssyncset.done $0x0  }
0xd9: {  	s0 =	simm.s32 $0x1400;
	[sflag:s24] =	ssyncadd.s32 $0xFFFFC180  }
0xda: {  	[spmem:s1] =	stream.indirect.scatter.add.f32 [tilespmem:s21], [sflag:$0x3], $0x80, s0, s20, $0xb8;
	[tilespmem:$0x1E080] =	vst v63  }
0xdb: {  	_ =	swait.ge [sflag:s18], $0x3E80  }
0xdc: {  	[sflag:s18] =	ssyncset.done $0x0  }
0xdd: {  	s0 =	simm.s32 $0x100;
	[sflag:s18] =	ssyncadd.s32 $0xFFFFC180  }
0xde: {  	[tilespmem:s21], [sflag:$0x1] =	stream.indirect.gather [hbm4b:s4+s20], $0x80, s0, s20, $0xb8;
	[tilespmem:$0x1E080] =	vst v63  }
0xdf: {  	_ =	swait.ge [sflag:s25], $0x3E80  }
0xe0: {  	[sflag:s25] =	ssyncset.done $0x0  }
0xe1: {  	s0 =	simm.s32 $0x1480;
	[sflag:s25] =	ssyncadd.s32 $0xFFFFC180  }
0xe2: {  	[spmem:s1] =	stream.indirect.scatter.add.f32 [tilespmem:s23], [sflag:$0x3], $0x80, s0, s20, $0xb8;
	[tilespmem:$0x1E080] =	vst v63  }
0xe3: {  	_ =	swait.ge [sflag:s18], $0x3E80  }
0xe4: {  	[sflag:s18] =	ssyncset.done $0x0  }
0xe5: {  	s30 =	simm.s32 $0x400;
	s31 =	simm.s32 $0x180;
	[sflag:s18] =	ssyncadd.s32 $0xFFFFC180  }
.LBB2_8:
0xe6: {  	[tilespmem:s23], [sflag:$0x2] =	stream.indirect.gather [hbm4b:s4+s20], $0x80, s31, s20, $0xb8;
	[tilespmem:$0x1E080] =	vst v63  }
0xe7: {  	s0 =	smov.u32 s30  }
0xe8: {  	p0 =	sne.s32 s30, $0x4800;
	s30 =	sadd.s32 $0x400, s30;
	_ =	swait.ge [sflag:s24], $0x3E80  }
0xe9: {  	s0 =	sshra.s32 s0, $0x2;
	[sflag:s24] =	ssyncset.done $0x0  }
0xea: {  	s31 =	sadd.s32 $0x1400, s0;
	[sflag:s24] =	ssyncadd.s32 $0xFFFFC180  }
0xeb: {  	[spmem:s1] =	stream.indirect.scatter.add.f32 [tilespmem:s21], [sflag:$0x3], $0x80, s31, s20, $0xb8;
	[tilespmem:$0x1E080] =	vst v63  }
0xec: {  	_ =	swait.ge [sflag:s18], $0x3E80  }
0xed: {  	[sflag:s18] =	ssyncset.done $0x0  }
0xee: {  	s31 =	sadd.s32 $0x100, s0;
	[sflag:s18] =	ssyncadd.s32 $0xFFFFC180  }
0xef: {  	[tilespmem:s21], [sflag:$0x1] =	stream.indirect.gather [hbm4b:s4+s20], $0x80, s31, s20, $0xb8;
	[tilespmem:$0x1E080] =	vst v63  }
0xf0: {  	_ =	swait.ge [sflag:s25], $0x3E80  }
0xf1: {  	[sflag:s25] =	ssyncset.done $0x0  }
.Ltmp3:
0xf2: {  	s31 =	sadd.s32 $0x1480, s0;
	[sflag:s25] =	ssyncadd.s32 $0xFFFFC180;
	(pc) =	sbr.rel @p0 .LBB2_8-.Ltmp3, $4  }
0xf3: {  	[spmem:s1] =	stream.indirect.scatter.add.f32 [tilespmem:s23], [sflag:$0x3], $0x80, s31, s20, $0xb8;
	[tilespmem:$0x1E080] =	vst v63  }
0xf4: {  	_ =	swait.ge [sflag:s18], $0x3E80  }
0xf5: {  	[sflag:s18] =	ssyncset.done $0x0  }
0xf6: {  	s31 =	sadd.s32 $0x180, s0;
	[sflag:s18] =	ssyncadd.s32 $0xFFFFC180  }
0xf7: {  	[tilespmem:s23], [sflag:$0x2] =	stream.indirect.gather [hbm4b:s4+s20], $0x80, s31, s20, $0xb8;
	[tilespmem:$0x1E080] =	vst v63  }
0xf8: {  	_ =	swait.ge [sflag:s24], $0x3E80  }
0xf9: {  	[sflag:s24] =	ssyncset.done $0x0  }
0xfa: {  	[sflag:s24] =	ssyncadd.s32 $0xFFFFC180  }
0xfb: {  	[spmem:s1] =	stream.indirect.scatter.add.f32 [tilespmem:s21], [sflag:$0x3], $0x80, s26, s20, $0xb8;
	[tilespmem:$0x1E080] =	vst v63  }
0xfc: {  	_ =	swait.ge [sflag:s18], $0x3E80  }
0xfd: {  	[sflag:s18] =	ssyncset.done $0x0  }
0xfe: {  	[sflag:s18] =	ssyncadd.s32 $0xFFFFC180  }
0xff: {  	_ =	swait.ge [sflag:s25], $0x3E80  }
0x100: {  	[sflag:s25] =	ssyncset.done $0x0  }
0x101: {  	[sflag:s25] =	ssyncadd.s32 $0xFFFFC180  }
0x102: {  	[spmem:s1] =	stream.indirect.scatter.add.f32 [tilespmem:s23], [sflag:$0x3], $0x80, s28, s20, $0xb8;
	[tilespmem:$0x1E080] =	vst v63  }
0x103: {  	_ =	swait.ge [sflag:s18], $0x3E80  }
0x104: {  	s29 =	sadd.s32 $0x1, s29;
	[sflag:s18] =	ssyncset.done $0x0  }
0x105: {  	p0 =	sne.s32 s29, s16;
	[sflag:s18] =	ssyncadd.s32 $0xFFFFC180  }
.Ltmp4:
0x106: {  	[bflag:$0x0] =	sbarrier.arrive $0xFFFF;
	(pc) =	sbr.rel @p0 .LBB2_1-.Ltmp4, $4  }
0x107: {  	[hbm:s15], [sflag:s6] =	dma.local [spmem:s17], $0x2800  }
0x108: {  	_ =	swait.ge [sflag:s18], $0x2800  }
0x109: {  	[sflag:s18] =	ssyncset.done $0x0  }
0x10a: {  	[sflag:s18] =	ssyncadd.s32 $0xFFFFD800  }
0x10b: {  	_ =	sfence.sel $0x180000  }
0x10c: {  	[bflag:$0x0] =	sbarrier.arrive $0xFFFF  }
0x10d: {  	_ =	strace $0x9000004A  }
0x10e: {  	[bflag:$0x2] =	sbarrier.arrive $0xFFFF  }
0x10f: {  	p0 =	sne.s32 s3, $0x0;
	s0 =	rddreg [dreg:$0x5]  }
0x110: {  	s0 =	sadd.s32 @!p0 $0x100000, s0  }
0x111: {  	[sflag:s0] =	ssyncadd.tile.s32 @!p0 $0x1;
	_ =	shalt  }
.Lfunc_end2:
_tile_overlayer_lowered:
.L_overlay_start_2:
0x112: {  	(tag) =	ssettag $0x2  }
0x113: {  	s0 =	rddreg [dreg:$0x0];
	s2 =	stileid.u32  }
0x114: {  	s1 =	rddreg [dreg:$0x1];
	p0 =	sne.s32 s2, $0x0  }
0x115: {  	s3 =	rddreg [dreg:$0x2];
	[bflag:$0x3] =	sbarrier.arrive $0xFFFF;
	s2 =	simm.s32 @!p0 $0x1C03  }
0x116: {  	[timem:s3], [sflag:s2] =	dma.local @!p0 [hbm:s0], s1  }
0x117: {  	s0 =	simm.s32 @!p0 $0x3  }
0x118: {  	_ =	swait.ge @!p0 [sflag:s0], s1  }
0x119: {  	s1 =	ssub.s32 @!p0 $0x0, s1;
	[sflag:s0] =	ssyncset.done @!p0 $0x0  }
0x11a: {  	[sflag:s0] =	ssyncadd.s32 @!p0 s1  }
0x11b: {  	[bflag:$0x3] =	sbarrier.arrive $0xFFFF  }
0x11c: {  	_ =	shalt  }

// kernel: kernel.14.cloned.1.call-start
scs
__scs_entry_jumppad:
0x0: {  	(pc) =	sbr.rel $0x88, $3  }
0x1: {  	(tag) =	ssettag $0x0;
	lr =	simm.s32 $0x1  }
0x2: {  	[smem:$0x3F97] =	sst lr;
	_ =	strace $0xD0000000  }
0x3: {  	_ = 	snop  }
0x4: {  	_ = 	snop  }
0x5: {  	_ = 	snop  }
0x6: {  	_ = 	snop  }
0x7: {  	_ = 	snop  }
__scs_overlays_trampoline_lowered:
0x8: {  	[smem:$0x3FA6] =	sst s0  }
0x9: {  	[smem:$0x3FA7] =	sst s1  }
0xa: {  	[smem:$0x3FA8] =	sst s2  }
0xb: {  	[smem:$0x3FA9] =	sst s3  }
0xc: {  	[smem:$0x3FAA] =	sst s4  }
0xd: {  	[smem:$0x3FAB] =	sst s5  }
0xe: {  	[smem:$0x3FAC] =	sst s6  }
0xf: {  	[smem:$0x3FAD] =	sst s7  }
0x10: {  	[smem:$0x3FAE] =	sst s8  }
0x11: {  	[smem:$0x3FAF] =	sst s9;
	s0 =	simm.s32 @!p0 $0x0  }
0x12: {  	s1 =	sld [smem:$0x3F95];
	s0 =	simm.s32 @p0 $0x1  }
0x13: {  	[smem:$0x3FB0] =	sst s0;
	s0 =	simm.s32 @!p1 $0x0  }
0x14: {  	s2 =	sld [smem:$0x3F94];
	s0 =	simm.s32 @p1 $0x1  }
0x15: {  	[smem:$0x3FB1] =	sst s0;
	s0 =	simm.s32 @!p2 $0x0  }
0x16: {  	s3 =	sld [smem:$0x3FDB];
	s0 =	simm.s32 @p2 $0x1  }
0x17: {  	s4 =	simm.s32 $0x1BF5;
	[smem:$0x3FB3] =	sst s0  }
0x18: {  	s0 =	sld [smem:$0x3F96];
	_ =	swait.ge [sflag:s4], $0x0  }
0x19: {  	s7 =	sld [smem:$0x3F97]  }
0x1a: {  	s8 =	sadd.s32 $0xFFFFE003, lr  }
0x1b: {  	s9 =	sadd.s32 $0xFFFFFEF7, lr;
	s5 =	simm.s32 $0xFFFFFFFF;
	p2 =	slt.u32 s8, $0xFFFFF086  }
0x1c: {  	p1 =	slt.u32 s9, $0xF7A;
	s5 =	simm.s32 @!p2 $0x0  }
0x1d: {  	s5 =	simm.s32 @p1 $0x1;
	p0 =	seq.s32 s7, s2  }
0x1e: {  	s7 =	smul.u32 @!p0 $0xF7A, s2;
	p2 =	seq.s32 @!p0 s5, $0x0  }
0x1f: {  	s9 =	smul.u32 $0xF7A, s1;
	s8 =	simm.s32 @!p0 $0x1BF5;
	p2 =	por !p2, p0  }
0x20: {  	[sflag:s8] =	ssyncset.s32 @!p0 $0xFFFFF086;
	s6 =	sadd.s32 @!p0 s3, s7;
	s7 =	simm.s32 @!p0 $0x108  }
0x21: {  	s3 =	sadd.s32 s3, s9;
	s6 =	sadd.s32 @!p0 $0x88, s6;
	s7 =	simm.s32 @p2 $0x1082  }
0x22: {  	[simem:s7], [sflag:s8] =	dma.local @!p0 [hbm:s6], $0xF7A  }
0x23: {  	s9 =	sor.u32 $0xD0000000, s2;
	s6 =	simm.s32 $0x108;
	_ =	swait.ge @!p0 [sflag:s8], $0x0  }
0x24: {  	s3 =	sadd.s32 $0x88, s3;
	s6 =	simm.s32 @!p1 $0x1082;
	[sflag:s4] =	ssyncset.s32 $0xFFFFF086  }
0x25: {  	[simem:s6], [sflag:s4] =	dma.local [hbm:s3], $0xF7A  }
0x26: {  	[smem:$0x3F97] =	sst s1;
	(tag) =	ssettag s2;
	_ =	strace s9  }
0x27: {  	s1 =	sld [smem:$0x3FA7]  }
0x28: {  	s2 =	sld [smem:$0x3FA8]  }
0x29: {  	s4 =	sld [smem:$0x3FAA]  }
0x2a: {  	p0 =	seq.s32 s5, $0x0;
	s5 =	sld [smem:$0x3FAB]  }
0x2b: {  	s6 =	sld [smem:$0x3FAC]  }
0x2c: {  	s7 =	sld [smem:$0x3FAD]  }
0x2d: {  	s3 =	simm.s32 $0x108;
	s8 =	sld [smem:$0x3FAE]  }
0x2e: {  	s3 =	simm.s32 @!p0 $0x1082;
	s9 =	sld [smem:$0x3FAF]  }
0x2f: {  	lr =	sadd.s32 s0, s3;
	s0 =	sld [smem:$0x3FA6]  }
0x30: {  	s3 =	sld [smem:$0x3FA9]  }
0x31: {  	[smem:$0x3FB2] =	sst s10  }
0x32: {  	s10 =	sld [smem:$0x3FB0];
	_ =	sdelay $0x3  }
0x33: {  	p0 =	seq.s32 s10, $0x1;
	s10 =	sld [smem:$0x3FB2];
	_ =	sdelay $0x3  }
0x34: {  	[smem:$0x3FB2] =	sst s10  }
0x35: {  	s10 =	sld [smem:$0x3FB1];
	_ =	sdelay $0x3  }
0x36: {  	p1 =	seq.s32 s10, $0x1;
	s10 =	sld [smem:$0x3FB2];
	_ =	sdelay $0x3  }
0x37: {  	[smem:$0x3FB2] =	sst s10  }
0x38: {  	s10 =	sld [smem:$0x3FB3]  }
0x39: {  	_ = 	snop;
	(pc) =	sbr.ind lr, $3  }
0x3a: {  	_ = 	snop  }
0x3b: {  	_ = 	snop  }
0x3c: {  	p2 =	seq.s32 s10, $0x1;
	s10 =	sld [smem:$0x3FB2]  }
0x3d: {  	_ =	shalt  }
0x3e: {  	_ =	shalt  }
0x3f: {  	_ =	shalt  }
0x40: {  	_ =	shalt  }
0x41: {  	_ =	shalt  }
0x42: {  	_ =	shalt  }
0x43: {  	_ =	shalt  }
0x44: {  	_ =	shalt  }
0x45: {  	_ =	shalt  }
0x46: {  	_ =	shalt  }
0x47: {  	_ =	shalt  }
0x48: {  	_ =	shalt  }
0x49: {  	_ =	shalt  }
0x4a: {  	_ =	shalt  }
0x4b: {  	_ =	shalt  }
0x4c: {  	_ =	shalt  }
0x4d: {  	_ =	shalt  }
0x4e: {  	_ =	shalt  }
0x4f: {  	_ =	shalt  }
0x50: {  	_ =	shalt  }
0x51: {  	_ =	shalt  }
0x52: {  	_ =	shalt  }
0x53: {  	_ =	shalt  }
0x54: {  	_ =	shalt  }
0x55: {  	_ =	shalt  }
0x56: {  	_ =	shalt  }
0x57: {  	_ =	shalt  }
0x58: {  	_ =	shalt  }
0x59: {  	_ =	shalt  }
0x5a: {  	_ =	shalt  }
0x5b: {  	_ =	shalt  }
0x5c: {  	_ =	shalt  }
0x5d: {  	_ =	shalt  }
0x5e: {  	_ =	shalt  }
0x5f: {  	_ =	shalt  }
0x60: {  	_ =	shalt  }
0x61: {  	_ =	shalt  }
0x62: {  	_ =	shalt  }
0x63: {  	_ =	shalt  }
0x64: {  	_ =	shalt  }
0x65: {  	_ =	shalt  }
0x66: {  	_ =	shalt  }
0x67: {  	_ =	shalt  }
0x68: {  	_ =	shalt  }
0x69: {  	_ =	shalt  }
0x6a: {  	_ =	shalt  }
0x6b: {  	_ =	shalt  }
0x6c: {  	_ =	shalt  }
0x6d: {  	_ =	shalt  }
0x6e: {  	_ =	shalt  }
0x6f: {  	_ =	shalt  }
0x70: {  	_ =	shalt  }
0x71: {  	_ =	shalt  }
0x72: {  	_ =	shalt  }
0x73: {  	_ =	shalt  }
0x74: {  	_ =	shalt  }
0x75: {  	_ =	shalt  }
0x76: {  	_ =	shalt  }
0x77: {  	_ =	shalt  }
0x78: {  	_ =	shalt  }
0x79: {  	_ =	shalt  }
0x7a: {  	_ =	shalt  }
0x7b: {  	_ =	shalt  }
0x7c: {  	_ =	shalt  }
0x7d: {  	_ =	shalt  }
0x7e: {  	_ =	shalt  }
0x7f: {  	_ =	shalt  }
0x80: {  	_ =	shalt  }
0x81: {  	_ =	shalt  }
0x82: {  	_ =	shalt  }
0x83: {  	_ =	shalt  }
0x84: {  	_ =	shalt  }
0x85: {  	_ =	shalt  }
0x86: {  	_ =	shalt  }
0x87: {  	_ =	shalt  }
.Lfunc_end0:
.L_simem_size_0:
called_computation.2_lowered:
.L_overlay_start_0:
0x88: {  	s2 =	sld [smem:$0x3FD9]  }
0x89: {  	s3 =	sld [smem:$0x3FFE];
	_ =	sdelay $0x1  }
0x8a: {  	s1 =	srdreg.scid  }
0x8b: {  	s0 =	sand.u32 $0x1, s1  }
0x8c: {  	s14 =	sshll.u32 s0, $0xA;
	s2 =	sadd.s32 s3, s2  }
0x8d: {  	s2 =	sadd.s32 s2, s14  }
0x8e: {  	[smem:$0x3FBE] =	sst s2  }
0x8f: {  	_ = 	snop  }
0x90: {  	s2 =	sld [smem:$0x3FD0];
	_ =	sdelay $0x2  }
0x91: {  	s15 =	simm.s32 $0xA;
	s4 =	simm.s32 $0x10  }
0x92: {  	[smem:s4], [sflag:s15] =	dma.local [hbm:s2], $0x1  }
0x93: {  	_ =	swait.eq [sflag:s15], $0x1  }
0x94: {  	[sflag:s15] =	ssyncset.done $0x0  }
0x95: {  	s16 =	sld [smem:$0x10];
	[sflag:s15] =	ssyncadd.s32 $0xFFFFFFFF  }
0x96: {  	s17 =	sld [smem:$0x12];
	(tm) =	ssettm $0x1  }
0x97: {  	s18 =	sld [smem:$0x3FFB];
	_ =	sdelay $0x3  }
0x98: {  	_ =	strace s18  }
0x99: {  	s4 =	sld [smem:$0x3FFC];
	_ =	sdelay $0x3  }
0x9a: {  	_ =	strace s4  }
0x9b: {  	s4 =	sld [smem:$0x3FFD];
	_ =	sdelay $0x3  }
0x9c: {  	_ =	strace s4  }
0x9d: {  	_ =	strace $0x8FFFFFFF  }
0x9e: {  	s19 =	sld [smem:$0x3FDB];
	_ =	sdelay $0x1  }
0x9f: {  	s5 =	simm.s32 $_scs_section_size  }
0xa0: {  	s6 =	simm.s32 $_size__tile_overlayer_lowered;
	s7 =	simm.s32 $_tile_overlayer_lowered  }
0xa1: {  	s22 =	simm.s32 $0x1BFF;
	s21 =	sshll.u32 s7, $0x1;
	s4 =	sadd.s32 s5, s19  }
0xa2: {  	s8 =	simm.s32 $0x0;
	s20 =	sshll.u32 s6, $0x1;
	s6 =	sadd.s32 s21, s4  }
0xa3: {  	[timem:s8], [sflag:s22] =	dma.local [hbm:s6], s20  }
0xa4: {  	_ =	swait.ge [sflag:s22], s20  }
0xa5: {  	s5 =	ssub.s32 $0x0, s20;
	[sflag:s22] =	ssyncset.done $0x0  }
0xa6: {  	[sflag:s22] =	ssyncadd.s32 s5;
	_ =	sdelay $0x1  }
0xa7: {  	s23 =	simm.s32 $0x1B8B  }
0xa8: {  	_ =	swait.ge [sflag:s23], $0x1  }
0xa9: {  	[sflag:s23] =	ssyncset.done $0x0  }
0xaa: {  	s25 =	simm.s32 $0x1B8E;
	s24 =	sld [smem:$0x3FFE];
	[sflag:s23] =	ssyncadd.s32 $0xFFFFFFFF  }
0xab: {  	s26 =	simm.s32 $execute0_lowered;
	[smem:$0x3FD2] =	sst s25  }
0xac: {  	s6 =	sshll.u32 s26, $0x1;
	_ =	strace $0x8000004C;
	[dreg:$0x1] =	wrdreg $0xFFFFFFFF  }
0xad: {  	s28 =	simm.s32 $_size_execute0_lowered;
	s4 =	sadd.s32 s4, s6;
	[dreg:$0x0] =	wrdreg $0x0  }
0xae: {  	s6 =	sshll.u32 s28, $0x1;
	[dreg:$0x2] =	wrdreg s4  }
0xaf: {  	[dreg:$0x3] =	wrdreg s6  }
0xb0: {  	[dreg:$0x4] =	wrdreg $0xC0  }
0xb1: {  	_ =	task [dreg:s8], $0x5FFFF  }
0xb2: {  	[dreg:$0x1] =	wrdreg $0xFFFFFFFF  }
0xb3: {  	[dreg:$0x0] =	wrdreg $0x60  }
0xb4: {  	[dreg:$0x2] =	wrdreg s16  }
0xb5: {  	[dreg:$0x3] =	wrdreg s24  }
0xb6: {  	[dreg:$0x4] =	wrdreg s17  }
0xb7: {  	[dreg:$0x5] =	wrdreg $0xA8000  }
0xb8: {  	[dreg:$0x6] =	wrdreg $0x9  }
0xb9: {  	_ =	task.clear_ibuf [dreg:s8], $0x7FFFF;
	_ =	strace $0x9000004C  }
0xba: {  	s29 =	simm.s32 $0x9;
	_ =	strace $0x8000004E  }
0xbb: {  	_ =	swait.ge [sflag:s29], $0x1  }
0xbc: {  	[sflag:s29] =	ssyncadd.s32 $0xFFFFFFFF  }
0xbd: {  	_ =	strace $0x9000004E  }
0xbe: {  	_ =	sfence  }
0xbf: {  	s30 =	sld [smem:$0x0];
	_ =	sdelay $0x2  }
0xc0: {  	s31 =	sshll.u32 s1, $0xD;
	s1 =	sshrl.u32 s1, $0x2  }
0xc1: {  	s3 =	sand.u32 $0x4000, s31;
	s1 =	sadd.s32 s1, s30  }
0xc2: {  	s0 =	sor.u32 s3, s0;
	s1 =	sshll.u32 s1, $0x11  }
0xc3: {  	s0 =	sor.u32 s1, s0  }
0xc4: {  	s0 =	sadd.s32 $0x8F2B, s0  }
0xc5: {  	[sflag:s0] =	ssyncadd.remote.s32 $0x1  }
0xc6: {  	_ =	sfence.sel $0xFFFF  }
0xc7: {  	[dreg:$0x0] =	wrdreg $0xFFFFFFFF;
	(pc) =	sbr.abs _section_cstart, $3  }
0xc8: {  	[dreg:$0x1] =	wrdreg $0xFFFFFFFF  }
0xc9: {  	_ =	task.clear_ibuf [dreg:s8], $0x2FFFF;
	_ =	strace $0x9FFFFFFF  }
0xca: {  	(tm) =	ssettm $0x7FFFFFFF  }
0xcb: {  	_ =	shalt  }
tec
execute0_lowered:
.L_overlay_start_1:
0x0: {  	(tag) =	ssettag $0x1  }
0x1: {  	s1 =	rddreg [dreg:$0x0]  }
0x2: {  	s5 =	rddreg [dreg:$0x1]  }
0x3: {  	s6 =	rddreg [dreg:$0x2]  }
0x4: {  	s2 =	rddreg [dreg:$0x3]  }
0x5: {  	s0 =	rddreg [dreg:$0x4];
	s4 =	simm.s32 $0x0  }
0x6: {  	s7 =	srdreg.scid;
	s3 =	stileid.u32;
	s17 =	simm.s32 $0x2800  }
0x7: {  	s18 =	simm.s32 $0x80;
	s19 =	simm.s32 $0x6800;
	s20 =	simm.s32 $0x1  }
0x8: {  	s21 =	simm.s32 $0x2;
	s22 =	simm.s32 $0x2700;
	s23 =	simm.s32 $0x2780  }
0x9: {  	s24 =	simm.s32 $0x0;
	[smem:$0x7FF] =	sst s4;
	s7 =	sand.u32 $0x1, s7  }
0xa: {  	s8 =	smul.u32 $0x2700, s3;
	s9 =	sadd.s32 $0x5BA00, s5;
	s10 =	sadd.s32 $0x3800, s5  }
0xb: {  	s12 =	smul.u32 $0x4E000, s3;
	s14 =	sshll.u32 s3, $0x1;
	s29 =	sshll.u32 s3, $0x6  }
0xc: {  	s11 =	smul.u32 $0x27100, s7;
	s13 =	sshll.u32 s7, $0x5;
	s7 =	ssub.s32 $0x2, s7  }
0xd: {  	_ =	strace $0x8000004D;
	s13 =	sor.u32 s14, s13;
	s28 =	sshrl.u32 s7, $0x1  }
0xe: {  	s12 =	sshrl.u32 s12, $0x2;
	s11 =	sadd.s32 s8, s11;
	s15 =	smul.u32 $0x1400, s13  }
0xf: {  	s14 =	ssub.s32 s7, s28;
	s16 =	sadd.s32 s12, s2;
	s30 =	smul.u32 $0x280, s13  }
0x10: {  	s11 =	sadd.s32 s11, s5;
	s5 =	sadd.s32 s6, s8;
	s6 =	sor.u32 $0x1C03, s29  }
0x11: {  	s12 =	smax.u32 s14, $0x1;
	s14 =	simm.s32 $0x3;
	s31 =	sshrl.u32 s15, $0x3  }
0x12: {  	s7 =	sadd.s32 s9, s30;
	s8 =	sadd.s32 s10, s30;
	s13 =	sadd.s32 $0x280, s31  }
0x13: {  	s11 =	sadd.s32 $0xD800, s11;
	s15 =	simm.s32 $0x1400;
	s9 =	sadd.s32 s9, s13  }
0x14: {  	s10 =	sadd.s32 s10, s13;
	s13 =	sshrl.u32 s16, $0x3;
	s16 =	simm.s32 $0x7D  }
.LBB2_1:
0x15: {  	[spmem:s13], [sflag:s6] =	dma.local [hbm:s5], $0x2800  }
0x16: {  	_ =	swait.ge [sflag:s14], $0x2800  }
0x17: {  	[sflag:s14] =	ssyncset.done $0x0  }
0x18: {  	[sflag:s14] =	ssyncadd.s32 $0xFFFFD800  }
0x19: {  	[bflag:$0x0] =	sbarrier.arrive $0xFFFF  }
0x1a: {  	[tilespmem:s4], [sflag:$0x3] =	stream.linear.gather [hbm4b:s7+s4], $0x1400, $0x38;
	[tilespmem:$0x1E080] =	vst v63  }
0x1b: {  	_ =	swait.ge [sflag:s14], $0x1400  }
0x1c: {  	[sflag:s14] =	ssyncset.done $0x0  }
0x1d: {  	[sflag:s14] =	ssyncadd.s32 $0xFFFFEC00  }
0x1e: {  	[tilespmem:s15], [sflag:$0x3] =	stream.linear.gather [hbm4b:s8+s4], $0x1400, $0x38;
	[tilespmem:$0x1E080] =	vst v63  }
0x1f: {  	_ =	swait.ge [sflag:s14], $0x1400  }
0x20: {  	[sflag:s14] =	ssyncset.done $0x0  }
0x21: {  	[sflag:s14] =	ssyncadd.s32 $0xFFFFEC00  }
0x22: {  	[tilespmem:s17], [sflag:$0x1] =	stream.indirect.gather [hbm4b:s1+s16], $0x80, s4, s16, $0xb8;
	[tilespmem:$0x1E080] =	vst v63  }
0x23: {  	_ = 	snop  }
0x24: {  	[tilespmem:s19], [sflag:$0x2] =	stream.indirect.gather [hbm4b:s1+s16], $0x80, s18, s16, $0xb8;
	[tilespmem:$0x1E080] =	vst v63  }
0x25: {  	_ =	swait.ge [sflag:s20], $0x3E80  }
0x26: {  	[sflag:s20] =	ssyncset.done $0x0  }
0x27: {  	s25 =	simm.s32 $0x1400;
	[sflag:s20] =	ssyncadd.s32 $0xFFFFC180  }
0x28: {  	[spmem:s2] =	stream.indirect.scatter.add.f32 [tilespmem:s17], [sflag:$0x3], $0x80, s25, s16, $0xb8;
	[tilespmem:$0x1E080] =	vst v63  }
0x29: {  	_ =	swait.ge [sflag:s14], $0x3E80  }
0x2a: {  	[sflag:s14] =	ssyncset.done $0x0  }
0x2b: {  	s30 =	simm.s32 $0x100;
	[sflag:s14] =	ssyncadd.s32 $0xFFFFC180  }
0x2c: {  	[tilespmem:s17], [sflag:$0x1] =	stream.indirect.gather [hbm4b:s1+s16], $0x80, s30, s16, $0xb8;
	[tilespmem:$0x1E080] =	vst v63  }
0x2d: {  	_ =	swait.ge [sflag:s21], $0x3E80  }
0x2e: {  	[sflag:s21] =	ssyncset.done $0x0  }
0x2f: {  	s31 =	simm.s32 $0x1480;
	[sflag:s21] =	ssyncadd.s32 $0xFFFFC180  }
0x30: {  	[spmem:s2] =	stream.indirect.scatter.add.f32 [tilespmem:s19], [sflag:$0x3], $0x80, s31, s16, $0xb8;
	[tilespmem:$0x1E080] =	vst v63  }
0x31: {  	_ =	swait.ge [sflag:s14], $0x3E80  }
0x32: {  	[sflag:s14] =	ssyncset.done $0x0  }
0x33: {  	s26 =	simm.s32 $0x180;
	s25 =	simm.s32 $0x400;
	[sflag:s14] =	ssyncadd.s32 $0xFFFFC180  }
.LBB2_2:
0x34: {  	[tilespmem:s19], [sflag:$0x2] =	stream.indirect.gather [hbm4b:s1+s16], $0x80, s26, s16, $0xb8;
	[tilespmem:$0x1E080] =	vst v63  }
0x35: {  	s26 =	smov.u32 s25  }
0x36: {  	p0 =	sne.s32 s25, $0x4800;
	s25 =	sadd.s32 $0x400, s25;
	_ =	swait.ge [sflag:s20], $0x3E80  }
0x37: {  	s26 =	sshra.s32 s26, $0x2;
	[sflag:s20] =	ssyncset.done $0x0  }
0x38: {  	s28 =	sadd.s32 $0x1400, s26;
	[sflag:s20] =	ssyncadd.s32 $0xFFFFC180  }
0x39: {  	[spmem:s2] =	stream.indirect.scatter.add.f32 [tilespmem:s17], [sflag:$0x3], $0x80, s28, s16, $0xb8;
	[tilespmem:$0x1E080] =	vst v63  }
0x3a: {  	_ =	swait.ge [sflag:s14], $0x3E80  }
0x3b: {  	[sflag:s14] =	ssyncset.done $0x0  }
0x3c: {  	s28 =	sadd.s32 $0x100, s26;
	[sflag:s14] =	ssyncadd.s32 $0xFFFFC180  }
0x3d: {  	[tilespmem:s17], [sflag:$0x1] =	stream.indirect.gather [hbm4b:s1+s16], $0x80, s28, s16, $0xb8;
	[tilespmem:$0x1E080] =	vst v63  }
0x3e: {  	_ =	swait.ge [sflag:s21], $0x3E80  }
0x3f: {  	[sflag:s21] =	ssyncset.done $0x0  }
.Ltmp0:
0x40: {  	s28 =	sadd.s32 $0x1480, s26;
	[sflag:s21] =	ssyncadd.s32 $0xFFFFC180;
	(pc) =	sbr.rel @p0 .LBB2_2-.Ltmp0, $4  }
0x41: {  	[spmem:s2] =	stream.indirect.scatter.add.f32 [tilespmem:s19], [sflag:$0x3], $0x80, s28, s16, $0xb8;
	[tilespmem:$0x1E080] =	vst v63  }
0x42: {  	_ =	swait.ge [sflag:s14], $0x3E80  }
0x43: {  	[sflag:s14] =	ssyncset.done $0x0  }
0x44: {  	s26 =	sadd.s32 $0x180, s26;
	[sflag:s14] =	ssyncadd.s32 $0xFFFFC180  }
0x45: {  	[tilespmem:s19], [sflag:$0x2] =	stream.indirect.gather [hbm4b:s1+s16], $0x80, s26, s16, $0xb8;
	[tilespmem:$0x1E080] =	vst v63  }
0x46: {  	_ =	swait.ge [sflag:s20], $0x3E80  }
0x47: {  	[sflag:s20] =	ssyncset.done $0x0  }
0x48: {  	[sflag:s20] =	ssyncadd.s32 $0xFFFFC180  }
0x49: {  	[spmem:s2] =	stream.indirect.scatter.add.f32 [tilespmem:s17], [sflag:$0x3], $0x80, s22, s16, $0xb8;
	[tilespmem:$0x1E080] =	vst v63  }
0x4a: {  	_ =	swait.ge [sflag:s14], $0x3E80  }
0x4b: {  	[sflag:s14] =	ssyncset.done $0x0  }
0x4c: {  	[sflag:s14] =	ssyncadd.s32 $0xFFFFC180  }
0x4d: {  	_ =	swait.ge [sflag:s21], $0x3E80  }
0x4e: {  	[sflag:s21] =	ssyncset.done $0x0  }
0x4f: {  	[sflag:s21] =	ssyncadd.s32 $0xFFFFC180  }
0x50: {  	[spmem:s2] =	stream.indirect.scatter.add.f32 [tilespmem:s19], [sflag:$0x3], $0x80, s23, s16, $0xb8;
	[tilespmem:$0x1E080] =	vst v63  }
0x51: {  	_ =	swait.ge [sflag:s14], $0x3E80  }
0x52: {  	[sflag:s14] =	ssyncset.done $0x0  }
0x53: {  	s25 =	simm.s32 $0x0;
	[sflag:s14] =	ssyncadd.s32 $0xFFFFC180  }
0x54: {  	[tilespmem:s25], [sflag:$0x3] =	stream.linear.gather [hbm4b:s9+s25], $0x1400, $0x38;
	[tilespmem:$0x1E080] =	vst v63  }
0x55: {  	_ =	swait.ge [sflag:s14], $0x1400  }
0x56: {  	[sflag:s14] =	ssyncset.done $0x0  }
0x57: {  	[sflag:s14] =	ssyncadd.s32 $0xFFFFEC00  }
0x58: {  	[tilespmem:s15], [sflag:$0x3] =	stream.linear.gather [hbm4b:s10+s25], $0x1400, $0x38;
	[tilespmem:$0x1E080] =	vst v63  }
0x59: {  	_ =	swait.ge [sflag:s14], $0x1400  }
0x5a: {  	[sflag:s14] =	ssyncset.done $0x0  }
0x5b: {  	[sflag:s14] =	ssyncadd.s32 $0xFFFFEC00  }
0x5c: {  	[tilespmem:s17], [sflag:$0x1] =	stream.indirect.gather [hbm4b:s1+s16], $0x80, s25, s16, $0xb8;
	[tilespmem:$0x1E080] =	vst v63  }
0x5d: {  	_ = 	snop  }
0x5e: {  	[tilespmem:s19], [sflag:$0x2] =	stream.indirect.gather [hbm4b:s1+s16], $0x80, s18, s16, $0xb8;
	[tilespmem:$0x1E080] =	vst v63  }
0x5f: {  	_ =	swait.ge [sflag:s20], $0x3E80  }
0x60: {  	[sflag:s20] =	ssyncset.done $0x0  }
0x61: {  	s29 =	simm.s32 $0x1400;
	[sflag:s20] =	ssyncadd.s32 $0xFFFFC180  }
0x62: {  	[spmem:s2] =	stream.indirect.scatter.add.f32 [tilespmem:s17], [sflag:$0x3], $0x80, s29, s16, $0xb8;
	[tilespmem:$0x1E080] =	vst v63  }
0x63: {  	_ =	swait.ge [sflag:s14], $0x3E80  }
0x64: {  	[sflag:s14] =	ssyncset.done $0x0  }
0x65: {  	s30 =	simm.s32 $0x100;
	[sflag:s14] =	ssyncadd.s32 $0xFFFFC180  }
0x66: {  	[tilespmem:s17], [sflag:$0x1] =	stream.indirect.gather [hbm4b:s1+s16], $0x80, s30, s16, $0xb8;
	[tilespmem:$0x1E080] =	vst v63  }
0x67: {  	_ =	swait.ge [sflag:s21], $0x3E80  }
0x68: {  	[sflag:s21] =	ssyncset.done $0x0  }
0x69: {  	s31 =	simm.s32 $0x1480;
	[sflag:s21] =	ssyncadd.s32 $0xFFFFC180  }
0x6a: {  	[spmem:s2] =	stream.indirect.scatter.add.f32 [tilespmem:s19], [sflag:$0x3], $0x80, s31, s16, $0xb8;
	[tilespmem:$0x1E080] =	vst v63  }
0x6b: {  	_ =	swait.ge [sflag:s14], $0x3E80  }
0x6c: {  	[sflag:s14] =	ssyncset.done $0x0  }
0x6d: {  	s26 =	simm.s32 $0x180;
	s25 =	simm.s32 $0x400;
	[sflag:s14] =	ssyncadd.s32 $0xFFFFC180  }
.LBB2_4:
0x6e: {  	[tilespmem:s19], [sflag:$0x2] =	stream.indirect.gather [hbm4b:s1+s16], $0x80, s26, s16, $0xb8;
	[tilespmem:$0x1E080] =	vst v63  }
0x6f: {  	s26 =	smov.u32 s25  }
0x70: {  	p0 =	sne.s32 s25, $0x4800;
	s25 =	sadd.s32 $0x400, s25;
	_ =	swait.ge [sflag:s20], $0x3E80  }
0x71: {  	s26 =	sshra.s32 s26, $0x2;
	[sflag:s20] =	ssyncset.done $0x0  }
0x72: {  	s28 =	sadd.s32 $0x1400, s26;
	[sflag:s20] =	ssyncadd.s32 $0xFFFFC180  }
0x73: {  	[spmem:s2] =	stream.indirect.scatter.add.f32 [tilespmem:s17], [sflag:$0x3], $0x80, s28, s16, $0xb8;
	[tilespmem:$0x1E080] =	vst v63  }
0x74: {  	_ =	swait.ge [sflag:s14], $0x3E80  }
0x75: {  	[sflag:s14] =	ssyncset.done $0x0  }
0x76: {  	s28 =	sadd.s32 $0x100, s26;
	[sflag:s14] =	ssyncadd.s32 $0xFFFFC180  }
0x77: {  	[tilespmem:s17], [sflag:$0x1] =	stream.indirect.gather [hbm4b:s1+s16], $0x80, s28, s16, $0xb8;
	[tilespmem:$0x1E080] =	vst v63  }
0x78: {  	_ =	swait.ge [sflag:s21], $0x3E80  }
0x79: {  	[sflag:s21] =	ssyncset.done $0x0  }
.Ltmp1:
0x7a: {  	s28 =	sadd.s32 $0x1480, s26;
	[sflag:s21] =	ssyncadd.s32 $0xFFFFC180;
	(pc) =	sbr.rel @p0 .LBB2_4-.Ltmp1, $4  }
0x7b: {  	[spmem:s2] =	stream.indirect.scatter.add.f32 [tilespmem:s19], [sflag:$0x3], $0x80, s28, s16, $0xb8;
	[tilespmem:$0x1E080] =	vst v63  }
0x7c: {  	_ =	swait.ge [sflag:s14], $0x3E80  }
0x7d: {  	[sflag:s14] =	ssyncset.done $0x0  }
0x7e: {  	s26 =	sadd.s32 $0x180, s26;
	[sflag:s14] =	ssyncadd.s32 $0xFFFFC180  }
0x7f: {  	[tilespmem:s19], [sflag:$0x2] =	stream.indirect.gather [hbm4b:s1+s16], $0x80, s26, s16, $0xb8;
	[tilespmem:$0x1E080] =	vst v63  }
0x80: {  	_ =	swait.ge [sflag:s20], $0x3E80  }
0x81: {  	[sflag:s20] =	ssyncset.done $0x0  }
0x82: {  	[sflag:s20] =	ssyncadd.s32 $0xFFFFC180  }
0x83: {  	[spmem:s2] =	stream.indirect.scatter.add.f32 [tilespmem:s17], [sflag:$0x3], $0x80, s22, s16, $0xb8;
	[tilespmem:$0x1E080] =	vst v63  }
0x84: {  	_ =	swait.ge [sflag:s14], $0x3E80  }
0x85: {  	[sflag:s14] =	ssyncset.done $0x0  }
0x86: {  	[sflag:s14] =	ssyncadd.s32 $0xFFFFC180  }
0x87: {  	_ =	swait.ge [sflag:s21], $0x3E80  }
0x88: {  	[sflag:s21] =	ssyncset.done $0x0  }
0x89: {  	[sflag:s21] =	ssyncadd.s32 $0xFFFFC180  }
0x8a: {  	[spmem:s2] =	stream.indirect.scatter.add.f32 [tilespmem:s19], [sflag:$0x3], $0x80, s23, s16, $0xb8;
	[tilespmem:$0x1E080] =	vst v63  }
0x8b: {  	_ =	swait.ge [sflag:s14], $0x3E80  }
0x8c: {  	s24 =	sadd.s32 $0x1, s24;
	[sflag:s14] =	ssyncset.done $0x0  }
0x8d: {  	p0 =	sne.s32 s24, s12;
	[sflag:s14] =	ssyncadd.s32 $0xFFFFC180  }
.Ltmp2:
0x8e: {  	[bflag:$0x0] =	sbarrier.arrive $0xFFFF;
	(pc) =	sbr.rel @p0 .LBB2_1-.Ltmp2, $4  }
0x8f: {  	[hbm:s11], [sflag:s6] =	dma.local [spmem:s13], $0x2800  }
0x90: {  	_ =	swait.ge [sflag:s14], $0x2800  }
0x91: {  	[sflag:s14] =	ssyncset.done $0x0  }
0x92: {  	[sflag:s14] =	ssyncadd.s32 $0xFFFFD800  }
0x93: {  	_ =	sfence.sel $0x180000  }
0x94: {  	[bflag:$0x0] =	sbarrier.arrive $0xFFFF  }
0x95: {  	p0 =	sne.s32 s3, $0x0;
	_ =	strace $0x9000004D  }
0x96: {  	s0 =	sadd.s32 @!p0 $0x100000, s0;
	[bflag:$0x2] =	sbarrier.arrive $0xFFFF  }
0x97: {  	[sflag:s0] =	ssyncadd.tile.s32 @!p0 $0x1;
	_ =	shalt  }
.Lfunc_end2:
_tile_overlayer_lowered:
.L_overlay_start_2:
0x98: {  	(tag) =	ssettag $0x2  }
0x99: {  	s0 =	rddreg [dreg:$0x0];
	s2 =	stileid.u32  }
0x9a: {  	s1 =	rddreg [dreg:$0x1];
	p0 =	sne.s32 s2, $0x0  }
0x9b: {  	s3 =	rddreg [dreg:$0x2];
	[bflag:$0x3] =	sbarrier.arrive $0xFFFF;
	s2 =	simm.s32 @!p0 $0x1C03  }
0x9c: {  	[timem:s3], [sflag:s2] =	dma.local @!p0 [hbm:s0], s1  }
0x9d: {  	s0 =	simm.s32 @!p0 $0x3  }
0x9e: {  	_ =	swait.ge @!p0 [sflag:s0], s1  }
0x9f: {  	s1 =	ssub.s32 @!p0 $0x0, s1;
	[sflag:s0] =	ssyncset.done @!p0 $0x0  }
0xa0: {  	[sflag:s0] =	ssyncadd.s32 @!p0 s1  }
0xa1: {  	[bflag:$0x3] =	sbarrier.arrive $0xFFFF  }
0xa2: {  	_ =	shalt  }

// kernel: kernel.8.cloned.1.call-start
scs
__scs_entry_jumppad:
0x0: {  	(pc) =	sbr.rel $0x88, $3  }
0x1: {  	(tag) =	ssettag $0x0;
	lr =	simm.s32 $0x1  }
0x2: {  	[smem:$0x3F97] =	sst lr;
	_ =	strace $0xD0000000  }
0x3: {  	_ = 	snop  }
0x4: {  	_ = 	snop  }
0x5: {  	_ = 	snop  }
0x6: {  	_ = 	snop  }
0x7: {  	_ = 	snop  }
__scs_overlays_trampoline_lowered:
0x8: {  	[smem:$0x3FA6] =	sst s0  }
0x9: {  	[smem:$0x3FA7] =	sst s1  }
0xa: {  	[smem:$0x3FA8] =	sst s2  }
0xb: {  	[smem:$0x3FA9] =	sst s3  }
0xc: {  	[smem:$0x3FAA] =	sst s4  }
0xd: {  	[smem:$0x3FAB] =	sst s5  }
0xe: {  	[smem:$0x3FAC] =	sst s6  }
0xf: {  	[smem:$0x3FAD] =	sst s7  }
0x10: {  	[smem:$0x3FAE] =	sst s8  }
0x11: {  	[smem:$0x3FAF] =	sst s9;
	s0 =	simm.s32 @!p0 $0x0  }
0x12: {  	s1 =	sld [smem:$0x3F95];
	s0 =	simm.s32 @p0 $0x1  }
0x13: {  	[smem:$0x3FB0] =	sst s0;
	s0 =	simm.s32 @!p1 $0x0  }
0x14: {  	s2 =	sld [smem:$0x3F94];
	s0 =	simm.s32 @p1 $0x1  }
0x15: {  	[smem:$0x3FB1] =	sst s0;
	s0 =	simm.s32 @!p2 $0x0  }
0x16: {  	s3 =	sld [smem:$0x3FDB];
	s0 =	simm.s32 @p2 $0x1  }
0x17: {  	s4 =	simm.s32 $0x1BF5;
	[smem:$0x3FB3] =	sst s0  }
0x18: {  	s0 =	sld [smem:$0x3F96];
	_ =	swait.ge [sflag:s4], $0x0  }
0x19: {  	s7 =	sld [smem:$0x3F97]  }
0x1a: {  	s8 =	sadd.s32 $0xFFFFE003, lr  }
0x1b: {  	s9 =	sadd.s32 $0xFFFFFEF7, lr;
	s5 =	simm.s32 $0xFFFFFFFF;
	p2 =	slt.u32 s8, $0xFFFFF086  }
0x1c: {  	p1 =	slt.u32 s9, $0xF7A;
	s5 =	simm.s32 @!p2 $0x0  }
0x1d: {  	s5 =	simm.s32 @p1 $0x1;
	p0 =	seq.s32 s7, s2  }
0x1e: {  	s7 =	smul.u32 @!p0 $0xF7A, s2;
	p2 =	seq.s32 @!p0 s5, $0x0  }
0x1f: {  	s9 =	smul.u32 $0xF7A, s1;
	s8 =	simm.s32 @!p0 $0x1BF5;
	p2 =	por !p2, p0  }
0x20: {  	[sflag:s8] =	ssyncset.s32 @!p0 $0xFFFFF086;
	s6 =	sadd.s32 @!p0 s3, s7;
	s7 =	simm.s32 @!p0 $0x108  }
0x21: {  	s3 =	sadd.s32 s3, s9;
	s6 =	sadd.s32 @!p0 $0x88, s6;
	s7 =	simm.s32 @p2 $0x1082  }
0x22: {  	[simem:s7], [sflag:s8] =	dma.local @!p0 [hbm:s6], $0xF7A  }
0x23: {  	s9 =	sor.u32 $0xD0000000, s2;
	s6 =	simm.s32 $0x108;
	_ =	swait.ge @!p0 [sflag:s8], $0x0  }
0x24: {  	s3 =	sadd.s32 $0x88, s3;
	s6 =	simm.s32 @!p1 $0x1082;
	[sflag:s4] =	ssyncset.s32 $0xFFFFF086  }
0x25: {  	[simem:s6], [sflag:s4] =	dma.local [hbm:s3], $0xF7A  }
0x26: {  	[smem:$0x3F97] =	sst s1;
	(tag) =	ssettag s2;
	_ =	strace s9  }
0x27: {  	s1 =	sld [smem:$0x3FA7]  }
0x28: {  	s2 =	sld [smem:$0x3FA8]  }
0x29: {  	s4 =	sld [smem:$0x3FAA]  }
0x2a: {  	p0 =	seq.s32 s5, $0x0;
	s5 =	sld [smem:$0x3FAB]  }
0x2b: {  	s6 =	sld [smem:$0x3FAC]  }
0x2c: {  	s7 =	sld [smem:$0x3FAD]  }
0x2d: {  	s3 =	simm.s32 $0x108;
	s8 =	sld [smem:$0x3FAE]  }
0x2e: {  	s3 =	simm.s32 @!p0 $0x1082;
	s9 =	sld [smem:$0x3FAF]  }
0x2f: {  	lr =	sadd.s32 s0, s3;
	s0 =	sld [smem:$0x3FA6]  }
0x30: {  	s3 =	sld [smem:$0x3FA9]  }
0x31: {  	[smem:$0x3FB2] =	sst s10  }
0x32: {  	s10 =	sld [smem:$0x3FB0];
	_ =	sdelay $0x3  }
0x33: {  	p0 =	seq.s32 s10, $0x1;
	s10 =	sld [smem:$0x3FB2];
	_ =	sdelay $0x3  }
0x34: {  	[smem:$0x3FB2] =	sst s10  }
0x35: {  	s10 =	sld [smem:$0x3FB1];
	_ =	sdelay $0x3  }
0x36: {  	p1 =	seq.s32 s10, $0x1;
	s10 =	sld [smem:$0x3FB2];
	_ =	sdelay $0x3  }
0x37: {  	[smem:$0x3FB2] =	sst s10  }
0x38: {  	s10 =	sld [smem:$0x3FB3]  }
0x39: {  	_ = 	snop;
	(pc) =	sbr.ind lr, $3  }
0x3a: {  	_ = 	snop  }
0x3b: {  	_ = 	snop  }
0x3c: {  	p2 =	seq.s32 s10, $0x1;
	s10 =	sld [smem:$0x3FB2]  }
0x3d: {  	_ =	shalt  }
0x3e: {  	_ =	shalt  }
0x3f: {  	_ =	shalt  }
0x40: {  	_ =	shalt  }
0x41: {  	_ =	shalt  }
0x42: {  	_ =	shalt  }
0x43: {  	_ =	shalt  }
0x44: {  	_ =	shalt  }
0x45: {  	_ =	shalt  }
0x46: {  	_ =	shalt  }
0x47: {  	_ =	shalt  }
0x48: {  	_ =	shalt  }
0x49: {  	_ =	shalt  }
0x4a: {  	_ =	shalt  }
0x4b: {  	_ =	shalt  }
0x4c: {  	_ =	shalt  }
0x4d: {  	_ =	shalt  }
0x4e: {  	_ =	shalt  }
0x4f: {  	_ =	shalt  }
0x50: {  	_ =	shalt  }
0x51: {  	_ =	shalt  }
0x52: {  	_ =	shalt  }
0x53: {  	_ =	shalt  }
0x54: {  	_ =	shalt  }
0x55: {  	_ =	shalt  }
0x56: {  	_ =	shalt  }
0x57: {  	_ =	shalt  }
0x58: {  	_ =	shalt  }
0x59: {  	_ =	shalt  }
0x5a: {  	_ =	shalt  }
0x5b: {  	_ =	shalt  }
0x5c: {  	_ =	shalt  }
0x5d: {  	_ =	shalt  }
0x5e: {  	_ =	shalt  }
0x5f: {  	_ =	shalt  }
0x60: {  	_ =	shalt  }
0x61: {  	_ =	shalt  }
0x62: {  	_ =	shalt  }
0x63: {  	_ =	shalt  }
0x64: {  	_ =	shalt  }
0x65: {  	_ =	shalt  }
0x66: {  	_ =	shalt  }
0x67: {  	_ =	shalt  }
0x68: {  	_ =	shalt  }
0x69: {  	_ =	shalt  }
0x6a: {  	_ =	shalt  }
0x6b: {  	_ =	shalt  }
0x6c: {  	_ =	shalt  }
0x6d: {  	_ =	shalt  }
0x6e: {  	_ =	shalt  }
0x6f: {  	_ =	shalt  }
0x70: {  	_ =	shalt  }
0x71: {  	_ =	shalt  }
0x72: {  	_ =	shalt  }
0x73: {  	_ =	shalt  }
0x74: {  	_ =	shalt  }
0x75: {  	_ =	shalt  }
0x76: {  	_ =	shalt  }
0x77: {  	_ =	shalt  }
0x78: {  	_ =	shalt  }
0x79: {  	_ =	shalt  }
0x7a: {  	_ =	shalt  }
0x7b: {  	_ =	shalt  }
0x7c: {  	_ =	shalt  }
0x7d: {  	_ =	shalt  }
0x7e: {  	_ =	shalt  }
0x7f: {  	_ =	shalt  }
0x80: {  	_ =	shalt  }
0x81: {  	_ =	shalt  }
0x82: {  	_ =	shalt  }
0x83: {  	_ =	shalt  }
0x84: {  	_ =	shalt  }
0x85: {  	_ =	shalt  }
0x86: {  	_ =	shalt  }
0x87: {  	_ =	shalt  }
.Lfunc_end0:
.L_simem_size_0:
called_computation_lowered:
.L_overlay_start_0:
0x88: {  	s2 =	sld [smem:$0x3FD9]  }
0x89: {  	s3 =	sld [smem:$0x3FFE];
	_ =	sdelay $0x1  }
0x8a: {  	s1 =	srdreg.scid  }
0x8b: {  	s0 =	sand.u32 $0x1, s1  }
0x8c: {  	s14 =	sshll.u32 s0, $0xA;
	s2 =	sadd.s32 s3, s2  }
0x8d: {  	s2 =	sadd.s32 s2, s14  }
0x8e: {  	[smem:$0x3FBE] =	sst s2  }
0x8f: {  	_ = 	snop  }
0x90: {  	s2 =	sld [smem:$0x3FD0];
	_ =	sdelay $0x2  }
0x91: {  	s15 =	simm.s32 $0xA;
	s4 =	simm.s32 $0x10  }
0x92: {  	[smem:s4], [sflag:s15] =	dma.local [hbm:s2], $0x1  }
0x93: {  	_ =	swait.eq [sflag:s15], $0x1  }
0x94: {  	[sflag:s15] =	ssyncset.done $0x0  }
0x95: {  	s16 =	sld [smem:$0x11];
	[sflag:s15] =	ssyncadd.s32 $0xFFFFFFFF  }
0x96: {  	s17 =	sld [smem:$0x12];
	(tm) =	ssettm $0x1  }
0x97: {  	s18 =	sld [smem:$0x3FFB];
	_ =	sdelay $0x3  }
0x98: {  	_ =	strace s18  }
0x99: {  	s4 =	sld [smem:$0x3FFC];
	_ =	sdelay $0x3  }
0x9a: {  	_ =	strace s4  }
0x9b: {  	s4 =	sld [smem:$0x3FFD];
	_ =	sdelay $0x3  }
0x9c: {  	_ =	strace s4  }
0x9d: {  	_ =	strace $0x8FFFFFFF  }
0x9e: {  	s19 =	sld [smem:$0x3FDB];
	_ =	sdelay $0x1  }
0x9f: {  	s5 =	simm.s32 $_scs_section_size  }
0xa0: {  	s6 =	simm.s32 $_size__tile_overlayer_lowered;
	s7 =	simm.s32 $_tile_overlayer_lowered  }
0xa1: {  	s22 =	simm.s32 $0x1BFF;
	s21 =	sshll.u32 s7, $0x1;
	s4 =	sadd.s32 s5, s19  }
0xa2: {  	s8 =	simm.s32 $0x0;
	s20 =	sshll.u32 s6, $0x1;
	s6 =	sadd.s32 s21, s4  }
0xa3: {  	[timem:s8], [sflag:s22] =	dma.local [hbm:s6], s20  }
0xa4: {  	_ =	swait.ge [sflag:s22], s20  }
0xa5: {  	s5 =	ssub.s32 $0x0, s20;
	[sflag:s22] =	ssyncset.done $0x0  }
0xa6: {  	[sflag:s22] =	ssyncadd.s32 s5;
	_ =	sdelay $0x1  }
0xa7: {  	s23 =	simm.s32 $0x1B8B  }
0xa8: {  	_ =	swait.ge [sflag:s23], $0x1  }
0xa9: {  	[sflag:s23] =	ssyncset.done $0x0  }
0xaa: {  	s25 =	simm.s32 $0x1B8E;
	s24 =	sld [smem:$0x3FFE];
	[sflag:s23] =	ssyncadd.s32 $0xFFFFFFFF  }
0xab: {  	s26 =	simm.s32 $execute0_lowered;
	[smem:$0x3FD2] =	sst s25  }
0xac: {  	s6 =	sshll.u32 s26, $0x1;
	_ =	strace $0x80000046;
	[dreg:$0x1] =	wrdreg $0xFFFFFFFF  }
0xad: {  	s28 =	simm.s32 $_size_execute0_lowered;
	s4 =	sadd.s32 s4, s6;
	[dreg:$0x0] =	wrdreg $0x0  }
0xae: {  	s6 =	sshll.u32 s28, $0x1;
	[dreg:$0x2] =	wrdreg s4  }
0xaf: {  	[dreg:$0x3] =	wrdreg s6  }
0xb0: {  	[dreg:$0x4] =	wrdreg $0xC0  }
0xb1: {  	_ =	task [dreg:s8], $0x5FFFF  }
0xb2: {  	[dreg:$0x1] =	wrdreg $0xFFFFFFFF  }
0xb3: {  	[dreg:$0x0] =	wrdreg $0x60  }
0xb4: {  	[dreg:$0x2] =	wrdreg s17  }
0xb5: {  	[dreg:$0x3] =	wrdreg s24  }
0xb6: {  	[dreg:$0x4] =	wrdreg s16  }
0xb7: {  	[dreg:$0x5] =	wrdreg $0x28800  }
0xb8: {  	[dreg:$0x6] =	wrdreg $0x9  }
0xb9: {  	_ =	task.clear_ibuf [dreg:s8], $0x7FFFF;
	_ =	strace $0x90000046  }
0xba: {  	s29 =	simm.s32 $0x9;
	_ =	strace $0x80000048  }
0xbb: {  	_ =	swait.ge [sflag:s29], $0x1  }
0xbc: {  	[sflag:s29] =	ssyncadd.s32 $0xFFFFFFFF  }
0xbd: {  	_ =	strace $0x90000048  }
0xbe: {  	_ =	sfence  }
0xbf: {  	s30 =	sld [smem:$0x0];
	_ =	sdelay $0x2  }
0xc0: {  	s31 =	sshll.u32 s1, $0xD;
	s1 =	sshrl.u32 s1, $0x2  }
0xc1: {  	s3 =	sand.u32 $0x4000, s31;
	s1 =	sadd.s32 s1, s30  }
0xc2: {  	s0 =	sor.u32 s3, s0;
	s1 =	sshll.u32 s1, $0x11  }
0xc3: {  	s0 =	sor.u32 s1, s0  }
0xc4: {  	s0 =	sadd.s32 $0x8F2B, s0  }
0xc5: {  	[sflag:s0] =	ssyncadd.remote.s32 $0x1  }
0xc6: {  	_ =	sfence.sel $0xFFFF  }
0xc7: {  	[dreg:$0x0] =	wrdreg $0xFFFFFFFF;
	(pc) =	sbr.abs _section_cstart, $3  }
0xc8: {  	[dreg:$0x1] =	wrdreg $0xFFFFFFFF  }
0xc9: {  	_ =	task.clear_ibuf [dreg:s8], $0x2FFFF;
	_ =	strace $0x9FFFFFFF  }
0xca: {  	(tm) =	ssettm $0x7FFFFFFF  }
0xcb: {  	_ =	shalt  }
tec
execute0_lowered:
.L_overlay_start_1:
0x0: {  	(tag) =	ssettag $0x1  }
0x1: {  	s5 =	rddreg [dreg:$0x0]  }
0x2: {  	s6 =	rddreg [dreg:$0x1]  }
0x3: {  	s7 =	rddreg [dreg:$0x2]  }
0x4: {  	s1 =	rddreg [dreg:$0x3]  }
0x5: {  	s2 =	srdreg.scid;
	s0 =	rddreg [dreg:$0x4]  }
0x6: {  	s3 =	simm.s32 $0x0;
	s13 =	simm.s32 $0x7D;
	s14 =	simm.s32 $0x0  }
0x7: {  	s4 =	sand.u32 $0x1, s2;
	s2 =	stileid.u32;
	[smem:$0x7FF] =	sst s3  }
0x8: {  	s8 =	sshll.u32 s4, $0x4;
	s9 =	smul.u32 $0x280, s2;
	_ =	strace $0x80000047  }
0x9: {  	s11 =	ssub.s32 $0x2, s4;
	s12 =	smul.u32 $0x2800, s4;
	s4 =	sadd.s32 $0x3600, s6  }
0xa: {  	s31 =	sshll.u32 s2, $0x6;
	s8 =	sor.u32 s2, s8;
	s28 =	sshrl.u32 s11, $0x1  }
0xb: {  	s8 =	smul.u32 $0x500, s8;
	s10 =	sshrl.u32 s9, $0x3;
	s29 =	sadd.s32 s9, s12  }
0xc: {  	s30 =	sadd.s32 s9, s1;
	s9 =	simm.s32 $0x1;
	s6 =	sadd.s32 s10, s6  }
0xd: {  	s10 =	ssub.s32 s11, s28;
	s11 =	sor.u32 $0x1C01, s31;
	s12 =	sshrl.u32 s30, $0x3  }
0xe: {  	s5 =	sadd.s32 s5, s8;
	s6 =	sadd.s32 $0x3000, s6;
	s8 =	sshrl.u32 s29, $0x3  }
0xf: {  	s7 =	sadd.s32 s7, s8;
	s8 =	smax.u32 s10, $0x1;
	s10 =	simm.s32 $0x2800  }
.LBB2_1:
0x10: {  	[tilespmem:s3], [sflag:$0x1] =	stream.linear.gather [hbm4b:s5+s3], $0x2800, $0x38;
	[tilespmem:$0x2B00] =	vst v63  }
0x11: {  	_ =	swait.ge [sflag:s9], $0x2800  }
0x12: {  	[sflag:s9] =	ssyncset.done $0x0  }
0x13: {  	[sflag:s9] =	ssyncadd.s32 $0xFFFFD800  }
0x14: {  	[tilespmem:s10], [sflag:$0x1] =	stream.linear.gather [hbm4b:s4+s3], $0x80, $0x38;
	[tilespmem:$0x2B00] =	vst v63  }
0x15: {  	_ =	swait.ge [sflag:s9], $0x80  }
0x16: {  	[sflag:s9] =	ssyncset.done $0x0  }
0x17: {  	[sflag:s9] =	ssyncadd.s32 $0xFFFFFF80  }
0x18: {  	[spmem:s12], [sflag:s11] =	dma.local [hbm:s6], $0x50  }
0x19: {  	_ =	swait.ge [sflag:s9], $0x50  }
0x1a: {  	[sflag:s9] =	ssyncset.done $0x0  }
0x1b: {  	[sflag:s9] =	ssyncadd.s32 $0xFFFFFFB0  }
0x1c: {  	s15 =	simm.s32 $0x0;
	[bflag:$0x0] =	sbarrier.arrive $0xFFFF  }
0x1d: {  	[spmem:s1] =	stream.indirect.scatter.add.f32 [tilespmem:s10], [sflag:$0x1], $0x1, s15, s13, $0xb8;
	[tilespmem:$0x2B00] =	vst v63  }
0x1e: {  	_ =	swait.ge [sflag:s9], $0x7D  }
0x1f: {  	s15 =	simm.s32 $0x200;
	[sflag:s9] =	ssyncset.done $0x0  }
.LBB2_2:
0x20: {  	s16 =	sshra.s32 s15, $0x2;
	[sflag:s9] =	ssyncadd.s32 $0xFFFFFF83;
	p0 =	sne.s32 s15, $0x9E00  }
0x21: {  	[spmem:s1] =	stream.indirect.scatter.add.f32 [tilespmem:s10], [sflag:$0x1], $0x1, s16, s13, $0xb8;
	[tilespmem:$0x2B00] =	vst v63  }
.Ltmp0:
0x22: {  	_ = 	snop;
	(pc) =	sbr.rel @p0 .LBB2_2-.Ltmp0, $4  }
0x23: {  	_ = 	snop  }
0x24: {  	s15 =	sadd.s32 $0x200, s15  }
0x25: {  	_ =	swait.ge [sflag:s9], $0x7D  }
0x26: {  	[sflag:s9] =	ssyncset.done $0x0  }
0x27: {  	s14 =	sadd.s32 $0x1, s14  }
0x28: {  	[sflag:s9] =	ssyncadd.s32 $0xFFFFFF83;
	p0 =	sne.s32 s14, s8  }
.Ltmp1:
0x29: {  	[bflag:$0x0] =	sbarrier.arrive $0xFFFF;
	(pc) =	sbr.rel @p0 .LBB2_1-.Ltmp1, $4  }
0x2a: {  	[hbm:s7], [sflag:s11] =	dma.local [spmem:s12], $0x50  }
0x2b: {  	_ =	swait.ge [sflag:s9], $0x50  }
0x2c: {  	[sflag:s9] =	ssyncset.done $0x0  }
0x2d: {  	[sflag:s9] =	ssyncadd.s32 $0xFFFFFFB0  }
0x2e: {  	_ =	sfence.sel $0x180000  }
0x2f: {  	[bflag:$0x0] =	sbarrier.arrive $0xFFFF  }
0x30: {  	p0 =	sne.s32 s2, $0x0;
	_ =	strace $0x90000047  }
0x31: {  	s0 =	sadd.s32 @!p0 $0x100000, s0;
	[bflag:$0x2] =	sbarrier.arrive $0xFFFF  }
0x32: {  	[sflag:s0] =	ssyncadd.tile.s32 @!p0 $0x1;
	_ =	shalt  }
.Lfunc_end2:
_tile_overlayer_lowered:
.L_overlay_start_2:
0x33: {  	(tag) =	ssettag $0x2  }
0x34: {  	s0 =	rddreg [dreg:$0x0];
	s2 =	stileid.u32  }
0x35: {  	s1 =	rddreg [dreg:$0x1];
	p0 =	sne.s32 s2, $0x0  }
0x36: {  	s3 =	rddreg [dreg:$0x2];
	[bflag:$0x3] =	sbarrier.arrive $0xFFFF;
	s2 =	simm.s32 @!p0 $0x1C01  }
0x37: {  	[timem:s3], [sflag:s2] =	dma.local @!p0 [hbm:s0], s1  }
0x38: {  	s0 =	simm.s32 @!p0 $0x1  }
0x39: {  	_ =	swait.ge @!p0 [sflag:s0], s1  }
0x3a: {  	s1 =	ssub.s32 @!p0 $0x0, s1;
	[sflag:s0] =	ssyncset.done @!p0 $0x0  }
0x3b: {  	[sflag:s0] =	ssyncadd.s32 @!p0 s1  }
0x3c: {  	[bflag:$0x3] =	sbarrier.arrive $0xFFFF  }
0x3d: {  	_ =	shalt  }

</sc_bundles>
